<compile_context>
chip_gen: v7x
topology: tpu7x:2x2x1
jax: 0.10.2.dev20260603
libtpu: 0.0.44.dev20260713+nightly
codegen_flags: <defaults>
</compile_context>

<pallas_src>
import functools

import jax
import jax.numpy as jnp
from jax import lax
from jax.experimental import pallas as pl
from jax.experimental.pallas import tpu as pltpu
from jax.experimental.pallas import tpu_sc as plsc

NC = 2
NS = 16
NW = NC * NS
CHUNK = 128
NBUF = 8
ROWBLK = 512
L = 16


def _tc_project(pos, vel, W_rel, W_root, W_pred, b_rel, b_pred, npad):
  n, d = pos.shape
  emb = 2 * d
  out_w = W_pred.shape[1]
  grid = (npad + ROWBLK - 1) // ROWBLK

  def body(pos_ref, vel_ref, wrel_ref, wroot_ref, wpred_ref, brel_ref,
           bpred_ref, tab_ref, z_ref, cw):
    wp16 = jnp.concatenate(
        [wpred_ref[...], jnp.zeros((emb, L - out_w), jnp.float32)], axis=1)

    @pl.when(pl.program_id(0) == 0)
    def _():
      cw[:, :L] = jnp.dot(wrel_ref[...], wp16,
                          preferred_element_type=jnp.float32)
      cw[:, L:] = jnp.dot(wroot_ref[...], wp16,
                          preferred_element_type=jnp.float32)

    biasT = lax.dot_general(wp16, brel_ref[...], (((0,), (0,)), ((), ())),
                            preferred_element_type=jnp.float32)
    biasT = biasT + jnp.concatenate(
        [bpred_ref[...], jnp.zeros((L - out_w, 1), jnp.float32)], axis=0)
    hv = jnp.concatenate([pos_ref[...], vel_ref[...]], axis=1)
    yzT = lax.dot_general(cw[...], hv, (((0,), (1,)), ((), ())),
                          preferred_element_type=jnp.float32)
    tab_ref[...] = yzT[:L, :]
    z_ref[...] = yzT[L:, :] + biasT

  return pl.pallas_call(
      body,
      grid=(grid,),
      in_specs=[
          pl.BlockSpec((ROWBLK, d), lambda i: (i, 0)),
          pl.BlockSpec((ROWBLK, d), lambda i: (i, 0)),
          pl.BlockSpec((emb, emb), lambda i: (0, 0)),
          pl.BlockSpec((emb, emb), lambda i: (0, 0)),
          pl.BlockSpec((emb, out_w), lambda i: (0, 0)),
          pl.BlockSpec((emb, 1), lambda i: (0, 0)),
          pl.BlockSpec((out_w, 1), lambda i: (0, 0)),
      ],
      out_specs=[
          pl.BlockSpec((L, ROWBLK), lambda i: (0, i)),
          pl.BlockSpec((L, ROWBLK), lambda i: (0, i)),
      ],
      out_shape=[
          jax.ShapeDtypeStruct((L, npad), jnp.float32),
          jax.ShapeDtypeStruct((L, npad), jnp.float32),
      ],
      scratch_shapes=[
          pltpu.VMEM((emb, 2 * L), jnp.float32),
      ],
  )(pos, vel, W_rel, W_root, W_pred, b_rel.reshape(emb, 1),
    b_pred.reshape(out_w, 1))


def _sc_segment_sum(tab, z16, ei2, npad, n):
  nch = ei2.shape[0] // 2
  q, rem = divmod(nch, NW)
  cpt = -(-(q + (1 if rem else 0)) // NBUF) * NBUF
  rows_pt = npad // NS
  n_dummy = npad - n
  nrounds = cpt // NBUF
  mesh = plsc.VectorSubcoreMesh(core_axis_name="c", subcore_axis_name="s")

  @functools.partial(
      pl.kernel,
      mesh=mesh,
      out_type=jax.ShapeDtypeStruct((NC, npad, L), jnp.float32),
      compiler_params=pltpu.CompilerParams(use_tc_tiling_on_sc=False),
      scratch_types=[
          pltpu.VMEM((cpt, CHUNK), jnp.int32),
          pltpu.VMEM((cpt, CHUNK), jnp.int32),
          [pltpu.VMEM((CHUNK, L), jnp.float32)] * NBUF,
          pltpu.VMEM((rows_pt, L), jnp.float32),
          pltpu.VMEM_SHARED((npad, L), jnp.float32),
          [pltpu.SemaphoreType.DMA] * NBUF,
          pltpu.SemaphoreType.DMA,
          pltpu.SemaphoreType.DMA,
      ],
  )
  def sck(tab_hbm, z_hbm, ei_hbm, out_hbm,
          idx_s, idx_d, vals, buf, acc_sh, gsem, ssem, isem):
    c = lax.axis_index("c")
    s = lax.axis_index("s")
    w = c * NS + s
    r0 = s * rows_pt
    rows = pl.ds(r0, rows_pt)
    ncw = q + jnp.where(w < rem, 1, 0)
    c0 = w * q + jnp.minimum(w, rem)

    def stage(r, carry):
      pltpu.async_copy(ei_hbm.at[c0 + r], idx_s.at[r], isem)
      pltpu.async_copy(ei_hbm.at[nch + c0 + r], idx_d.at[r], isem)
      return carry

    lax.fori_loop(0, ncw, stage, 0)

    iota = lax.iota(jnp.int32, L)
    base = iota + CHUNK * s

    def fill(r, carry):
      for col0 in range(0, CHUNK, L):
        k = r * (CHUNK // L) + col0 // L
        idx_s[r, pl.ds(col0, L)] = (base + L * k) % n
        idx_d[r, pl.ds(col0, L)] = n + (base + 7 * k) % n_dummy
      return carry

    lax.fori_loop(ncw, cpt, fill, 0)

    @pl.when(c == 0)
    def _():
      pltpu.sync_copy(z_hbm.at[rows], buf)

    @pl.when(c != 0)
    def _():
      zv = jnp.zeros((L,), jnp.float32)

      def zbody(r, carry):
        buf[r] = zv
        return carry

      lax.fori_loop(0, rows_pt, zbody, 0)

    pltpu.sync_copy(buf, acc_sh.at[rows])

    def drain(r, carry):
      pltpu.make_async_copy(ei_hbm.at[0], idx_s.at[0], isem).wait()
      pltpu.make_async_copy(ei_hbm.at[0], idx_d.at[0], isem).wait()
      return carry

    lax.fori_loop(0, ncw, drain, 0)
    plsc.subcore_barrier()

    for b in range(NBUF):
      pltpu.async_copy(tab_hbm.at[idx_s.at[b]], vals[b], gsem[b])

    def round_body(g, carry):
      scats = []
      for b in range(NBUF):
        pltpu.make_async_copy(tab_hbm.at[pl.ds(0, CHUNK)], vals[b],
                              gsem[b]).wait()
        scats.append(
            pltpu.async_copy(vals[b], acc_sh.at[idx_d.at[g * NBUF + b]],
                             ssem, add=True))
      for b in range(NBUF):
        scats[b].wait()
      for b in range(NBUF):
        jn = (g + 1) * NBUF + b

        @pl.when(jn < cpt)
        def _():
          pltpu.async_copy(tab_hbm.at[idx_s.at[jn]], vals[b], gsem[b])

      return carry

    lax.fori_loop(0, cpt // NBUF, round_body, 0)
    plsc.subcore_barrier()

    pltpu.sync_copy(acc_sh.at[rows], buf)
    pltpu.sync_copy(buf, out_hbm.at[c, rows])

  return sck(tab, z16, ei2)


def _tc_combine(pT, n, out_w):
  npad = pT.shape[2]
  grid = (npad + ROWBLK - 1) // ROWBLK

  def body(p_ref, out_ref):
    acc = p_ref[0] + p_ref[1]
    out_ref[...] = acc[:out_w, :]

  return pl.pallas_call(
      body,
      grid=(grid,),
      in_specs=[pl.BlockSpec((NC, L, ROWBLK), lambda i: (0, 0, i))],
      out_specs=pl.BlockSpec((out_w, ROWBLK), lambda i: (0, i)),
      out_shape=jax.ShapeDtypeStruct((out_w, n), jnp.float32),
  )(pT)


def kernel(pos, vel, edge_index, W_rel, b_rel, W_root, W_pred, b_pred):
  n, d = pos.shape
  e = edge_index.shape[1]
  out_w = W_pred.shape[1]
  assert e % CHUNK == 0

  rows_pt = -(-(n + 64) // (NS * 8)) * 8
  npad = NS * rows_pt

  tabT, zT = _tc_project(pos, vel, W_rel, W_root, W_pred, b_rel, b_pred, npad)
  tab = tabT.T
  z16 = zT.T
  ei2 = edge_index.reshape(2 * e // CHUNK, CHUNK)
  partials = _sc_segment_sum(tab, z16, ei2, npad, n)
  pT = jnp.transpose(partials, (0, 2, 1))
  return _tc_combine(pT, n, out_w).T

# --- scband reference (transcript-rebuilt; emitter-appended) ---
"""Pipeline reference for scband-graph-conv-flocking-model-75943611728684 (READ-ONLY COPY).

The authoritative reference and input builder live on the scoring server;
editing this copy changes nothing except your own understanding.
"""

import jax, jax.numpy as jnp
import numpy as np

N = 10000
E = 320000
D = 64
EMB = 128
OUT = 2

def setup_inputs(seed: int = 0) -> dict:
    key = jax.random.key(seed)
    ks = jax.random.split(key, 8)
    pos = jax.random.normal(ks[0], (N, D), dtype=jnp.float32)
    vel = jax.random.normal(ks[1], (N, D), dtype=jnp.float32)
    edge_index = jax.random.randint(ks[2], (2, E), 0, N, dtype=jnp.int32)
    W_rel = jax.random.normal(ks[3], (EMB, EMB), dtype=jnp.float32) / np.sqrt(EMB)
    b_rel = jnp.zeros((EMB,), dtype=jnp.float32)
    W_root = jax.random.normal(ks[4], (EMB, EMB), dtype=jnp.float32) / np.sqrt(EMB)
    W_pred = jax.random.normal(ks[5], (EMB, OUT), dtype=jnp.float32) / np.sqrt(EMB)
    b_pred = jnp.zeros((OUT,), dtype=jnp.float32)
    return {"pos": pos, "vel": vel, "edge_index": edge_index,
            "W_rel": W_rel, "b_rel": b_rel, "W_root": W_root,
            "W_pred": W_pred, "b_pred": b_pred}

def reference(pos, vel, edge_index, W_rel, b_rel, W_root, W_pred, b_pred):
    # h = cat([pos, vel], dim=-1)
    h = jnp.concatenate([pos, vel], axis=-1)
    # GraphConv (PyG, aggr='add'): out = lin_rel(sum_{j in N(i)} x_j) + lin_root(x_i)
    src = edge_index[0]
    dst = edge_index[1]
    msgs = jnp.take(h, src, axis=0)                       # gather source-node features per edge
    agg = jax.ops.segment_sum(msgs, dst, num_segments=N)  # scatter-add to destination nodes
    conv_out = agg @ W_rel + b_rel + h @ W_root
    # lin_pred
    out = conv_out @ W_pred + b_pred
    return out

if __name__ == "__main__":
    import jax
    _d = setup_inputs()
    print(jax.jit(kernel)(*tuple(_d.values())))

</pallas_src>

<mosaic_0001>
#map = affine_map<(d0, d1) -> (0, 0)>
#map1 = affine_map<(d0, d1) -> (0, 0, 0)>
module attributes {stable_mosaic.version = 14 : i64} {
  func.func @sck(%arg0: i32, %arg1: i32, %arg2: memref<10112x16xf32, #tpu.memory_space<hbm>>, %arg3: memref<10112x16xf32, #tpu.memory_space<hbm>>, %arg4: memref<5000x128xi32, #tpu.memory_space<hbm>>, %arg5: memref<2x10112x16xf32, #tpu.memory_space<hbm>>, %arg6: memref<80x128xi32, #tpu.memory_space<vmem>>, %arg7: memref<80x128xi32, #tpu.memory_space<vmem>>, %arg8: memref<128x16xf32, #tpu.memory_space<vmem>>, %arg9: memref<128x16xf32, #tpu.memory_space<vmem>>, %arg10: memref<128x16xf32, #tpu.memory_space<vmem>>, %arg11: memref<128x16xf32, #tpu.memory_space<vmem>>, %arg12: memref<128x16xf32, #tpu.memory_space<vmem>>, %arg13: memref<128x16xf32, #tpu.memory_space<vmem>>, %arg14: memref<128x16xf32, #tpu.memory_space<vmem>>, %arg15: memref<128x16xf32, #tpu.memory_space<vmem>>, %arg16: memref<632x16xf32, #tpu.memory_space<vmem>>, %arg17: memref<10112x16xf32, #tpu.memory_space<vmem_shared>>, %arg18: memref<!tpu.dma_semaphore, #tpu.memory_space<semaphore_mem>>, %arg19: memref<!tpu.dma_semaphore, #tpu.memory_space<semaphore_mem>>, %arg20: memref<!tpu.dma_semaphore, #tpu.memory_space<semaphore_mem>>, %arg21: memref<!tpu.dma_semaphore, #tpu.memory_space<semaphore_mem>>, %arg22: memref<!tpu.dma_semaphore, #tpu.memory_space<semaphore_mem>>, %arg23: memref<!tpu.dma_semaphore, #tpu.memory_space<semaphore_mem>>, %arg24: memref<!tpu.dma_semaphore, #tpu.memory_space<semaphore_mem>>, %arg25: memref<!tpu.dma_semaphore, #tpu.memory_space<semaphore_mem>>, %arg26: memref<!tpu.dma_semaphore, #tpu.memory_space<semaphore_mem>>, %arg27: memref<!tpu.dma_semaphore, #tpu.memory_space<semaphore_mem>>) attributes {dimension_semantics = [#tpu.dimension_semantics<core_parallel>, #tpu.dimension_semantics<subcore_parallel>], iteration_bounds = array<i64: 2, 16>, scalar_prefetch = 0 : i64, scratch_operands = 22 : i64, tpu.core_type = #tpu.core_type<sc_vector_subcore>, window_params = [{transform_indices = #map}, {transform_indices = #map}, {transform_indices = #map}, {transform_indices = #map1}]} {
    %mul3A = arith.constant 16 : i32
    %mul3A_0 = arith.muli %arg0, %mul3A : i32
    %add3A = arith.addi %mul3A_0, %arg1 : i32
    %mul3A_1 = arith.constant 632 : i32
    %mul3A_2 = arith.muli %arg1, %mul3A_1 : i32
    %lt3A = arith.constant 4 : i32
    %lt3A_3 = arith.cmpi slt, %add3A, %lt3A : i32
    %jit3A = arith.constant 1 : i32
    %jit3A_4 = arith.constant 0 : i32
    %select_n3A = arith.select %lt3A_3, %jit3A, %jit3A_4 : i32
    %add3A_5 = arith.constant 78 : i32
    %add3A_6 = arith.addi %add3A_5, %select_n3A : i32
    %mul3A_7 = arith.constant 78 : i32
    %mul3A_8 = arith.muli %add3A, %mul3A_7 : i32
    %min3A = arith.constant 4 : i32
    %min3A_9 = arith.minsi %add3A, %min3A : i32
    %add3A_10 = arith.addi %mul3A_8, %min3A_9 : i32
    %while3A = arith.constant 0 : i32
    %while3A_11 = arith.constant 0 : i32
    %while3A_12 = arith.subi %add3A_6, %while3A_11 : i32
    %while3A_13 = arith.addi %while3A_11, %while3A_12 : i32
    %while3A_14 = arith.constant 1 : i32
    %while3A_15 = arith.divsi %while3A_12, %while3A_14 : i32
    %while3A_16 = arith.muli %while3A_15, %while3A_14 : i32
    %while3A_17 = arith.addi %while3A_11, %while3A_16 : i32
    %while3A_18 = arith.constant 1 : i32
    scf.for %while3A_111 = %while3A_11 to %while3A_17 step %while3A_18  : i32 {
      %add3A_112 = arith.addi %add3A_10, %while3A_111 : i32
      %dma_start3A_113 = arith.constant 0 : i32
      %dma_start3A_114 = tpu.memref_slice %arg6[%while3A_111, %dma_start3A_113] : memref<80x128xi32, #tpu.memory_space<vmem>> -> memref<1x128xi32, #tpu.memory_space<vmem>>
      %dma_start3A_115 = tpu.memref_squeeze %dma_start3A_114 : memref<1x128xi32, #tpu.memory_space<vmem>> -> memref<128xi32, #tpu.memory_space<vmem>>
      %dma_start3A_116 = arith.constant 0 : i32
      %dma_start3A_117 = tpu.memref_slice %arg4[%add3A_112, %dma_start3A_116] : memref<5000x128xi32, #tpu.memory_space<hbm>> -> memref<1x128xi32, #tpu.memory_space<hbm>>
      %dma_start3A_118 = tpu.memref_squeeze %dma_start3A_117 : memref<1x128xi32, #tpu.memory_space<hbm>> -> memref<128xi32, #tpu.memory_space<hbm>>
      %dma_start3A_119 = arith.constant 0 : i32
      %dma_start3A_120 = tpu.memref_slice %arg6[%while3A_111, %dma_start3A_119] : memref<80x128xi32, #tpu.memory_space<vmem>> -> memref<1x128xi32, #tpu.memory_space<vmem>>
      %dma_start3A_121 = tpu.memref_squeeze %dma_start3A_120 : memref<1x128xi32, #tpu.memory_space<vmem>> -> memref<128xi32, #tpu.memory_space<vmem>>
      %dma_start3A_122 = arith.constant 0 : i32
      %dma_start3A_123 = tpu.memref_slice %arg4[%add3A_112, %dma_start3A_122] : memref<5000x128xi32, #tpu.memory_space<hbm>> -> memref<1x128xi32, #tpu.memory_space<hbm>>
      %dma_start3A_124 = tpu.memref_squeeze %dma_start3A_123 : memref<1x128xi32, #tpu.memory_space<hbm>> -> memref<128xi32, #tpu.memory_space<hbm>>
      tpu.enqueue_dma source(%dma_start3A_124 : memref<128xi32, #tpu.memory_space<hbm>>) target(%dma_start3A_121 : memref<128xi32, #tpu.memory_space<vmem>>) target_semaphore(%arg27 : memref<!tpu.dma_semaphore, #tpu.memory_space<semaphore_mem>>)
      %add3A_125 = arith.constant 2500 : i32
      %add3A_126 = arith.addi %add3A_125, %add3A_10 : i32
      %add3A_127 = arith.addi %add3A_126, %while3A_111 : i32
      %dma_start3A_128 = arith.constant 0 : i32
      %dma_start3A_129 = tpu.memref_slice %arg7[%while3A_111, %dma_start3A_128] : memref<80x128xi32, #tpu.memory_space<vmem>> -> memref<1x128xi32, #tpu.memory_space<vmem>>
      %dma_start3A_130 = tpu.memref_squeeze %dma_start3A_129 : memref<1x128xi32, #tpu.memory_space<vmem>> -> memref<128xi32, #tpu.memory_space<vmem>>
      %dma_start3A_131 = arith.constant 0 : i32
      %dma_start3A_132 = tpu.memref_slice %arg4[%add3A_127, %dma_start3A_131] : memref<5000x128xi32, #tpu.memory_space<hbm>> -> memref<1x128xi32, #tpu.memory_space<hbm>>
      %dma_start3A_133 = tpu.memref_squeeze %dma_start3A_132 : memref<1x128xi32, #tpu.memory_space<hbm>> -> memref<128xi32, #tpu.memory_space<hbm>>
      %dma_start3A_134 = arith.constant 0 : i32
      %dma_start3A_135 = tpu.memref_slice %arg7[%while3A_111, %dma_start3A_134] : memref<80x128xi32, #tpu.memory_space<vmem>> -> memref<1x128xi32, #tpu.memory_space<vmem>>
      %dma_start3A_136 = tpu.memref_squeeze %dma_start3A_135 : memref<1x128xi32, #tpu.memory_space<vmem>> -> memref<128xi32, #tpu.memory_space<vmem>>
      %dma_start3A_137 = arith.constant 0 : i32
      %dma_start3A_138 = tpu.memref_slice %arg4[%add3A_127, %dma_start3A_137] : memref<5000x128xi32, #tpu.memory_space<hbm>> -> memref<1x128xi32, #tpu.memory_space<hbm>>
      %dma_start3A_139 = tpu.memref_squeeze %dma_start3A_138 : memref<1x128xi32, #tpu.memory_space<hbm>> -> memref<128xi32, #tpu.memory_space<hbm>>
      tpu.enqueue_dma source(%dma_start3A_139 : memref<128xi32, #tpu.memory_space<hbm>>) target(%dma_start3A_136 : memref<128xi32, #tpu.memory_space<vmem>>) target_semaphore(%arg27 : memref<!tpu.dma_semaphore, #tpu.memory_space<semaphore_mem>>)
    }
    %while3A_19 = arith.constant 1 : i32
    scf.for %while3A_111 = %while3A_17 to %while3A_13 step %while3A_19  : i32 {
      %add3A_112 = arith.addi %add3A_10, %while3A_111 : i32
      %dma_start3A_113 = arith.constant 0 : i32
      %dma_start3A_114 = tpu.memref_slice %arg6[%while3A_111, %dma_start3A_113] : memref<80x128xi32, #tpu.memory_space<vmem>> -> memref<1x128xi32, #tpu.memory_space<vmem>>
      %dma_start3A_115 = tpu.memref_squeeze %dma_start3A_114 : memref<1x128xi32, #tpu.memory_space<vmem>> -> memref<128xi32, #tpu.memory_space<vmem>>
      %dma_start3A_116 = arith.constant 0 : i32
      %dma_start3A_117 = tpu.memref_slice %arg4[%add3A_112, %dma_start3A_116] : memref<5000x128xi32, #tpu.memory_space<hbm>> -> memref<1x128xi32, #tpu.memory_space<hbm>>
      %dma_start3A_118 = tpu.memref_squeeze %dma_start3A_117 : memref<1x128xi32, #tpu.memory_space<hbm>> -> memref<128xi32, #tpu.memory_space<hbm>>
      %dma_start3A_119 = arith.constant 0 : i32
      %dma_start3A_120 = tpu.memref_slice %arg6[%while3A_111, %dma_start3A_119] : memref<80x128xi32, #tpu.memory_space<vmem>> -> memref<1x128xi32, #tpu.memory_space<vmem>>
      %dma_start3A_121 = tpu.memref_squeeze %dma_start3A_120 : memref<1x128xi32, #tpu.memory_space<vmem>> -> memref<128xi32, #tpu.memory_space<vmem>>
      %dma_start3A_122 = arith.constant 0 : i32
      %dma_start3A_123 = tpu.memref_slice %arg4[%add3A_112, %dma_start3A_122] : memref<5000x128xi32, #tpu.memory_space<hbm>> -> memref<1x128xi32, #tpu.memory_space<hbm>>
      %dma_start3A_124 = tpu.memref_squeeze %dma_start3A_123 : memref<1x128xi32, #tpu.memory_space<hbm>> -> memref<128xi32, #tpu.memory_space<hbm>>
      tpu.enqueue_dma source(%dma_start3A_124 : memref<128xi32, #tpu.memory_space<hbm>>) target(%dma_start3A_121 : memref<128xi32, #tpu.memory_space<vmem>>) target_semaphore(%arg27 : memref<!tpu.dma_semaphore, #tpu.memory_space<semaphore_mem>>)
      %add3A_125 = arith.constant 2500 : i32
      %add3A_126 = arith.addi %add3A_125, %add3A_10 : i32
      %add3A_127 = arith.addi %add3A_126, %while3A_111 : i32
      %dma_start3A_128 = arith.constant 0 : i32
      %dma_start3A_129 = tpu.memref_slice %arg7[%while3A_111, %dma_start3A_128] : memref<80x128xi32, #tpu.memory_space<vmem>> -> memref<1x128xi32, #tpu.memory_space<vmem>>
      %dma_start3A_130 = tpu.memref_squeeze %dma_start3A_129 : memref<1x128xi32, #tpu.memory_space<vmem>> -> memref<128xi32, #tpu.memory_space<vmem>>
      %dma_start3A_131 = arith.constant 0 : i32
      %dma_start3A_132 = tpu.memref_slice %arg4[%add3A_127, %dma_start3A_131] : memref<5000x128xi32, #tpu.memory_space<hbm>> -> memref<1x128xi32, #tpu.memory_space<hbm>>
      %dma_start3A_133 = tpu.memref_squeeze %dma_start3A_132 : memref<1x128xi32, #tpu.memory_space<hbm>> -> memref<128xi32, #tpu.memory_space<hbm>>
      %dma_start3A_134 = arith.constant 0 : i32
      %dma_start3A_135 = tpu.memref_slice %arg7[%while3A_111, %dma_start3A_134] : memref<80x128xi32, #tpu.memory_space<vmem>> -> memref<1x128xi32, #tpu.memory_space<vmem>>
      %dma_start3A_136 = tpu.memref_squeeze %dma_start3A_135 : memref<1x128xi32, #tpu.memory_space<vmem>> -> memref<128xi32, #tpu.memory_space<vmem>>
      %dma_start3A_137 = arith.constant 0 : i32
      %dma_start3A_138 = tpu.memref_slice %arg4[%add3A_127, %dma_start3A_137] : memref<5000x128xi32, #tpu.memory_space<hbm>> -> memref<1x128xi32, #tpu.memory_space<hbm>>
      %dma_start3A_139 = tpu.memref_squeeze %dma_start3A_138 : memref<1x128xi32, #tpu.memory_space<hbm>> -> memref<128xi32, #tpu.memory_space<hbm>>
      tpu.enqueue_dma source(%dma_start3A_139 : memref<128xi32, #tpu.memory_space<hbm>>) target(%dma_start3A_136 : memref<128xi32, #tpu.memory_space<vmem>>) target_semaphore(%arg27 : memref<!tpu.dma_semaphore, #tpu.memory_space<semaphore_mem>>)
    }
    %iota3A = tpu.iota {dimensions = array<i32: 0>} : vector<16xi32>
    %mul3A_20 = arith.constant 128 : i32
    %mul3A_21 = arith.muli %mul3A_20, %arg1 : i32
    %add3A_22 = vector.broadcast %mul3A_21 : i32 to vector<16xi32>
    %add3A_23 = arith.addi %iota3A, %add3A_22 : vector<16xi32>
    %while3A_24 = arith.constant 0 : i32
    %while3A_25 = arith.constant 80 : i32
    %while3A_26 = arith.subi %while3A_25, %add3A_6 : i32
    %while3A_27 = arith.addi %add3A_6, %while3A_26 : i32
    %while3A_28 = arith.constant 1 : i32
    %while3A_29 = arith.divsi %while3A_26, %while3A_28 : i32
    %while3A_30 = arith.muli %while3A_29, %while3A_28 : i32
    %while3A_31 = arith.addi %add3A_6, %while3A_30 : i32
    %while3A_32 = arith.constant 1 : i32
    scf.for %while3A_111 = %add3A_6 to %while3A_31 step %while3A_32  : i32 {
      %mul3A_112 = arith.constant 8 : i32
      %mul3A_113 = arith.muli %while3A_111, %mul3A_112 : i32
      %add3A_114 = arith.constant 0 : i32
      %add3A_115 = arith.addi %mul3A_113, %add3A_114 : i32
      %mul3A_116 = arith.constant 16 : i32
      %mul3A_117 = arith.muli %mul3A_116, %add3A_115 : i32
      %add3A_118 = vector.broadcast %mul3A_117 : i32 to vector<16xi32>
      %add3A_119 = arith.addi %add3A_23, %add3A_118 : vector<16xi32>
      %jit3A_120 = arith.constant 10000 : i32
      %eq3A_121 = arith.constant 0 : i32
      %eq3A_122 = arith.cmpi eq, %jit3A_120, %eq3A_121 : i32
      %jit3A_123 = arith.constant 1 : i32
      %select_n3A_124 = arith.select %eq3A_122, %jit3A_123, %jit3A_120 : i32
      %rem3A = vector.broadcast %select_n3A_124 : i32 to vector<16xi32>
      %rem3A_125 = arith.remsi %add3A_119, %rem3A : vector<16xi32>
      %ne3A_126 = arith.constant 0 : i32
      %ne3A_127 = vector.broadcast %ne3A_126 : i32 to vector<16xi32>
      %ne3A_128 = arith.cmpi ne, %rem3A_125, %ne3A_127 : vector<16xi32>
      %lt3A_129 = arith.constant 0 : i32
      %lt3A_130 = vector.broadcast %lt3A_129 : i32 to vector<16xi32>
      %lt3A_131 = arith.cmpi slt, %rem3A_125, %lt3A_130 : vector<16xi32>
      %lt3A_132 = arith.constant 0 : i32
      %lt3A_133 = arith.cmpi slt, %select_n3A_124, %lt3A_132 : i32
      %ne3A_134 = vector.broadcast %lt3A_133 : i1 to vector<16xi1>
      %ne3A_135 = vector.broadcast %ne3A_134 : vector<16xi1> to vector<16xi1>
      %ne3A_136 = arith.xori %lt3A_131, %ne3A_135 : vector<16xi1>
      %and3A = arith.andi %ne3A_136, %ne3A_128 : vector<16xi1>
      %add3A_137 = vector.broadcast %select_n3A_124 : i32 to vector<16xi32>
      %add3A_138 = arith.addi %rem3A_125, %add3A_137 : vector<16xi32>
      %select_n3A_139 = arith.select %and3A, %add3A_138, %rem3A_125 : vector<16xi1>, vector<16xi32>
      %swap3A = arith.index_cast %while3A_111 : i32 to index
      %swap3A_140 = arith.constant 0 : index
      %swap3A_141 = tpu.vector_load %arg6[%swap3A, %swap3A_140] {strides = array<i32>} : memref<80x128xi32, #tpu.memory_space<vmem>>, vector<1x16xi32>,
      %swap3A_142 = vector.shape_cast %swap3A_141 : vector<1x16xi32> to vector<16xi32>
      %swap3A_143 = vector.shape_cast %select_n3A_139 : vector<16xi32> to vector<1x16xi32>
      tpu.vector_store %arg6[%swap3A, %swap3A_140], %swap3A_143 {strides = array<i32>} : memref<80x128xi32, #tpu.memory_space<vmem>>, vector<1x16xi32>,
      %mul3A_144 = arith.constant 7 : i32
      %mul3A_145 = arith.muli %mul3A_144, %add3A_115 : i32
      %add3A_146 = vector.broadcast %mul3A_145 : i32 to vector<16xi32>
      %add3A_147 = arith.addi %add3A_23, %add3A_146 : vector<16xi32>
      %jit3A_148 = arith.constant 112 : i32
      %eq3A_149 = arith.constant 0 : i32
      %eq3A_150 = arith.cmpi eq, %jit3A_148, %eq3A_149 : i32
      %jit3A_151 = arith.constant 1 : i32
      %select_n3A_152 = arith.select %eq3A_150, %jit3A_151, %jit3A_148 : i32
      %rem3A_153 = vector.broadcast %select_n3A_152 : i32 to vector<16xi32>
      %rem3A_154 = arith.remsi %add3A_147, %rem3A_153 : vector<16xi32>
      %ne3A_155 = arith.constant 0 : i32
      %ne3A_156 = vector.broadcast %ne3A_155 : i32 to vector<16xi32>
      %ne3A_157 = arith.cmpi ne, %rem3A_154, %ne3A_156 : vector<16xi32>
      %lt3A_158 = arith.constant 0 : i32
      %lt3A_159 = vector.broadcast %lt3A_158 : i32 to vector<16xi32>
      %lt3A_160 = arith.cmpi slt, %rem3A_154, %lt3A_159 : vector<16xi32>
      %lt3A_161 = arith.constant 0 : i32
      %lt3A_162 = arith.cmpi slt, %select_n3A_152, %lt3A_161 : i32
      %ne3A_163 = vector.broadcast %lt3A_162 : i1 to vector<16xi1>
      %ne3A_164 = vector.broadcast %ne3A_163 : vector<16xi1> to vector<16xi1>
      %ne3A_165 = arith.xori %lt3A_160, %ne3A_164 : vector<16xi1>
      %and3A_166 = arith.andi %ne3A_165, %ne3A_157 : vector<16xi1>
      %add3A_167 = vector.broadcast %select_n3A_152 : i32 to vector<16xi32>
      %add3A_168 = arith.addi %rem3A_154, %add3A_167 : vector<16xi32>
      %select_n3A_169 = arith.select %and3A_166, %add3A_168, %rem3A_154 : vector<16xi1>, vector<16xi32>
      %add3A_170 = arith.constant 10000 : i32
      %add3A_171 = vector.broadcast %add3A_170 : i32 to vector<16xi32>
      %add3A_172 = arith.addi %add3A_171, %select_n3A_169 : vector<16xi32>
      %swap3A_173 = arith.index_cast %while3A_111 : i32 to index
      %swap3A_174 = arith.constant 0 : index
      %swap3A_175 = tpu.vector_load %arg7[%swap3A_173, %swap3A_174] {strides = array<i32>} : memref<80x128xi32, #tpu.memory_space<vmem>>, vector<1x16xi32>,
      %swap3A_176 = vector.shape_cast %swap3A_175 : vector<1x16xi32> to vector<16xi32>
      %swap3A_177 = vector.shape_cast %add3A_172 : vector<16xi32> to vector<1x16xi32>
      tpu.vector_store %arg7[%swap3A_173, %swap3A_174], %swap3A_177 {strides = array<i32>} : memref<80x128xi32, #tpu.memory_space<vmem>>, vector<1x16xi32>,
      %mul3A_178 = arith.constant 8 : i32
      %mul3A_179 = arith.muli %while3A_111, %mul3A_178 : i32
      %add3A_180 = arith.constant 1 : i32
      %add3A_181 = arith.addi %mul3A_179, %add3A_180 : i32
      %mul3A_182 = arith.constant 16 : i32
      %mul3A_183 = arith.muli %mul3A_182, %add3A_181 : i32
      %add3A_184 = vector.broadcast %mul3A_183 : i32 to vector<16xi32>
      %add3A_185 = arith.addi %add3A_23, %add3A_184 : vector<16xi32>
      %jit3A_186 = arith.constant 10000 : i32
      %eq3A_187 = arith.constant 0 : i32
      %eq3A_188 = arith.cmpi eq, %jit3A_186, %eq3A_187 : i32
      %jit3A_189 = arith.constant 1 : i32
      %select_n3A_190 = arith.select %eq3A_188, %jit3A_189, %jit3A_186 : i32
      %rem3A_191 = vector.broadcast %select_n3A_190 : i32 to vector<16xi32>
      %rem3A_192 = arith.remsi %add3A_185, %rem3A_191 : vector<16xi32>
      %ne3A_193 = arith.constant 0 : i32
      %ne3A_194 = vector.broadcast %ne3A_193 : i32 to vector<16xi32>
      %ne3A_195 = arith.cmpi ne, %rem3A_192, %ne3A_194 : vector<16xi32>
      %lt3A_196 = arith.constant 0 : i32
      %lt3A_197 = vector.broadcast %lt3A_196 : i32 to vector<16xi32>
      %lt3A_198 = arith.cmpi slt, %rem3A_192, %lt3A_197 : vector<16xi32>
      %lt3A_199 = arith.constant 0 : i32
      %lt3A_200 = arith.cmpi slt, %select_n3A_190, %lt3A_199 : i32
      %ne3A_201 = vector.broadcast %lt3A_200 : i1 to vector<16xi1>
      %ne3A_202 = vector.broadcast %ne3A_201 : vector<16xi1> to vector<16xi1>
      %ne3A_203 = arith.xori %lt3A_198, %ne3A_202 : vector<16xi1>
      %and3A_204 = arith.andi %ne3A_203, %ne3A_195 : vector<16xi1>
      %add3A_205 = vector.broadcast %select_n3A_190 : i32 to vector<16xi32>
      %add3A_206 = arith.addi %rem3A_192, %add3A_205 : vector<16xi32>
      %select_n3A_207 = arith.select %and3A_204, %add3A_206, %rem3A_192 : vector<16xi1>, vector<16xi32>
      %swap3A_208 = arith.index_cast %while3A_111 : i32 to index
      %swap3A_209 = arith.constant 16 : index
      %swap3A_210 = tpu.vector_load %arg6[%swap3A_208, %swap3A_209] {strides = array<i32>} : memref<80x128xi32, #tpu.memory_space<vmem>>, vector<1x16xi32>,
      %swap3A_211 = vector.shape_cast %swap3A_210 : vector<1x16xi32> to vector<16xi32>
      %swap3A_212 = vector.shape_cast %select_n3A_207 : vector<16xi32> to vector<1x16xi32>
      tpu.vector_store %arg6[%swap3A_208, %swap3A_209], %swap3A_212 {strides = array<i32>} : memref<80x128xi32, #tpu.memory_space<vmem>>, vector<1x16xi32>,
      %mul3A_213 = arith.constant 7 : i32
      %mul3A_214 = arith.muli %mul3A_213, %add3A_181 : i32
      %add3A_215 = vector.broadcast %mul3A_214 : i32 to vector<16xi32>
      %add3A_216 = arith.addi %add3A_23, %add3A_215 : vector<16xi32>
      %jit3A_217 = arith.constant 112 : i32
      %eq3A_218 = arith.constant 0 : i32
      %eq3A_219 = arith.cmpi eq, %jit3A_217, %eq3A_218 : i32
      %jit3A_220 = arith.constant 1 : i32
      %select_n3A_221 = arith.select %eq3A_219, %jit3A_220, %jit3A_217 : i32
      %rem3A_222 = vector.broadcast %select_n3A_221 : i32 to vector<16xi32>
      %rem3A_223 = arith.remsi %add3A_216, %rem3A_222 : vector<16xi32>
      %ne3A_224 = arith.constant 0 : i32
      %ne3A_225 = vector.broadcast %ne3A_224 : i32 to vector<16xi32>
      %ne3A_226 = arith.cmpi ne, %rem3A_223, %ne3A_225 : vector<16xi32>
      %lt3A_227 = arith.constant 0 : i32
      %lt3A_228 = vector.broadcast %lt3A_227 : i32 to vector<16xi32>
      %lt3A_229 = arith.cmpi slt, %rem3A_223, %lt3A_228 : vector<16xi32>
      %lt3A_230 = arith.constant 0 : i32
      %lt3A_231 = arith.cmpi slt, %select_n3A_221, %lt3A_230 : i32
      %ne3A_232 = vector.broadcast %lt3A_231 : i1 to vector<16xi1>
      %ne3A_233 = vector.broadcast %ne3A_232 : vector<16xi1> to vector<16xi1>
      %ne3A_234 = arith.xori %lt3A_229, %ne3A_233 : vector<16xi1>
      %and3A_235 = arith.andi %ne3A_234, %ne3A_226 : vector<16xi1>
      %add3A_236 = vector.broadcast %select_n3A_221 : i32 to vector<16xi32>
      %add3A_237 = arith.addi %rem3A_223, %add3A_236 : vector<16xi32>
      %select_n3A_238 = arith.select %and3A_235, %add3A_237, %rem3A_223 : vector<16xi1>, vector<16xi32>
      %add3A_239 = arith.constant 10000 : i32
      %add3A_240 = vector.broadcast %add3A_239 : i32 to vector<16xi32>
      %add3A_241 = arith.addi %add3A_240, %select_n3A_238 : vector<16xi32>
      %swap3A_242 = arith.index_cast %while3A_111 : i32 to index
      %swap3A_243 = arith.constant 16 : index
      %swap3A_244 = tpu.vector_load %arg7[%swap3A_242, %swap3A_243] {strides = array<i32>} : memref<80x128xi32, #tpu.memory_space<vmem>>, vector<1x16xi32>,
      %swap3A_245 = vector.shape_cast %swap3A_244 : vector<1x16xi32> to vector<16xi32>
      %swap3A_246 = vector.shape_cast %add3A_241 : vector<16xi32> to vector<1x16xi32>
      tpu.vector_store %arg7[%swap3A_242, %swap3A_243], %swap3A_246 {strides = array<i32>} : memref<80x128xi32, #tpu.memory_space<vmem>>, vector<1x16xi32>,
      %mul3A_247 = arith.constant 8 : i32
      %mul3A_248 = arith.muli %while3A_111, %mul3A_247 : i32
      %add3A_249 = arith.constant 2 : i32
      %add3A_250 = arith.addi %mul3A_248, %add3A_249 : i32
      %mul3A_251 = arith.constant 16 : i32
      %mul3A_252 = arith.muli %mul3A_251, %add3A_250 : i32
      %add3A_253 = vector.broadcast %mul3A_252 : i32 to vector<16xi32>
      %add3A_254 = arith.addi %add3A_23, %add3A_253 : vector<16xi32>
      %jit3A_255 = arith.constant 10000 : i32
      %eq3A_256 = arith.constant 0 : i32
      %eq3A_257 = arith.cmpi eq, %jit3A_255, %eq3A_256 : i32
      %jit3A_258 = arith.constant 1 : i32
      %select_n3A_259 = arith.select %eq3A_257, %jit3A_258, %jit3A_255 : i32
      %rem3A_260 = vector.broadcast %select_n3A_259 : i32 to vector<16xi32>
      %rem3A_261 = arith.remsi %add3A_254, %rem3A_260 : vector<16xi32>
      %ne3A_262 = arith.constant 0 : i32
      %ne3A_263 = vector.broadcast %ne3A_262 : i32 to vector<16xi32>
      %ne3A_264 = arith.cmpi ne, %rem3A_261, %ne3A_263 : vector<16xi32>
      %lt3A_265 = arith.constant 0 : i32
      %lt3A_266 = vector.broadcast %lt3A_265 : i32 to vector<16xi32>
      %lt3A_267 = arith.cmpi slt, %rem3A_261, %lt3A_266 : vector<16xi32>
      %lt3A_268 = arith.constant 0 : i32
      %lt3A_269 = arith.cmpi slt, %select_n3A_259, %lt3A_268 : i32
      %ne3A_270 = vector.broadcast %lt3A_269 : i1 to vector<16xi1>
      %ne3A_271 = vector.broadcast %ne3A_270 : vector<16xi1> to vector<16xi1>
      %ne3A_272 = arith.xori %lt3A_267, %ne3A_271 : vector<16xi1>
      %and3A_273 = arith.andi %ne3A_272, %ne3A_264 : vector<16xi1>
      %add3A_274 = vector.broadcast %select_n3A_259 : i32 to vector<16xi32>
      %add3A_275 = arith.addi %rem3A_261, %add3A_274 : vector<16xi32>
      %select_n3A_276 = arith.select %and3A_273, %add3A_275, %rem3A_261 : vector<16xi1>, vector<16xi32>
      %swap3A_277 = arith.index_cast %while3A_111 : i32 to index
      %swap3A_278 = arith.constant 32 : index
      %swap3A_279 = tpu.vector_load %arg6[%swap3A_277, %swap3A_278] {strides = array<i32>} : memref<80x128xi32, #tpu.memory_space<vmem>>, vector<1x16xi32>,
      %swap3A_280 = vector.shape_cast %swap3A_279 : vector<1x16xi32> to vector<16xi32>
      %swap3A_281 = vector.shape_cast %select_n3A_276 : vector<16xi32> to vector<1x16xi32>
      tpu.vector_store %arg6[%swap3A_277, %swap3A_278], %swap3A_281 {strides = array<i32>} : memref<80x128xi32, #tpu.memory_space<vmem>>, vector<1x16xi32>,
      %mul3A_282 = arith.constant 7 : i32
      %mul3A_283 = arith.muli %mul3A_282, %add3A_250 : i32
      %add3A_284 = vector.broadcast %mul3A_283 : i32 to vector<16xi32>
      %add3A_285 = arith.addi %add3A_23, %add3A_284 : vector<16xi32>
      %jit3A_286 = arith.constant 112 : i32
      %eq3A_287 = arith.constant 0 : i32
      %eq3A_288 = arith.cmpi eq, %jit3A_286, %eq3A_287 : i32
      %jit3A_289 = arith.constant 1 : i32
      %select_n3A_290 = arith.select %eq3A_288, %jit3A_289, %jit3A_286 : i32
      %rem3A_291 = vector.broadcast %select_n3A_290 : i32 to vector<16xi32>
      %rem3A_292 = arith.remsi %add3A_285, %rem3A_291 : vector<16xi32>
      %ne3A_293 = arith.constant 0 : i32
      %ne3A_294 = vector.broadcast %ne3A_293 : i32 to vector<16xi32>
      %ne3A_295 = arith.cmpi ne, %rem3A_292, %ne3A_294 : vector<16xi32>
      %lt3A_296 = arith.constant 0 : i32
      %lt3A_297 = vector.broadcast %lt3A_296 : i32 to vector<16xi32>
      %lt3A_298 = arith.cmpi slt, %rem3A_292, %lt3A_297 : vector<16xi32>
      %lt3A_299 = arith.constant 0 : i32
      %lt3A_300 = arith.cmpi slt, %select_n3A_290, %lt3A_299 : i32
      %ne3A_301 = vector.broadcast %lt3A_300 : i1 to vector<16xi1>
      %ne3A_302 = vector.broadcast %ne3A_301 : vector<16xi1> to vector<16xi1>
      %ne3A_303 = arith.xori %lt3A_298, %ne3A_302 : vector<16xi1>
      %and3A_304 = arith.andi %ne3A_303, %ne3A_295 : vector<16xi1>
      %add3A_305 = vector.broadcast %select_n3A_290 : i32 to vector<16xi32>
      %add3A_306 = arith.addi %rem3A_292, %add3A_305 : vector<16xi32>
      %select_n3A_307 = arith.select %and3A_304, %add3A_306, %rem3A_292 : vector<16xi1>, vector<16xi32>
      %add3A_308 = arith.constant 10000 : i32
      %add3A_309 = vector.broadcast %add3A_308 : i32 to vector<16xi32>
      %add3A_310 = arith.addi %add3A_309, %select_n3A_307 : vector<16xi32>
      %swap3A_311 = arith.index_cast %while3A_111 : i32 to index
      %swap3A_312 = arith.constant 32 : index
      %swap3A_313 = tpu.vector_load %arg7[%swap3A_311, %swap3A_312] {strides = array<i32>} : memref<80x128xi32, #tpu.memory_space<vmem>>, vector<1x16xi32>,
      %swap3A_314 = vector.shape_cast %swap3A_313 : vector<1x16xi32> to vector<16xi32>
      %swap3A_315 = vector.shape_cast %add3A_310 : vector<16xi32> to vector<1x16xi32>
      tpu.vector_store %arg7[%swap3A_311, %swap3A_312], %swap3A_315 {strides = array<i32>} : memref<80x128xi32, #tpu.memory_space<vmem>>, vector<1x16xi32>,
      %mul3A_316 = arith.constant 8 : i32
      %mul3A_317 = arith.muli %while3A_111, %mul3A_316 : i32
      %add3A_318 = arith.constant 3 : i32
      %add3A_319 = arith.addi %mul3A_317, %add3A_318 : i32
      %mul3A_320 = arith.constant 16 : i32
      %mul3A_321 = arith.muli %mul3A_320, %add3A_319 : i32
      %add3A_322 = vector.broadcast %mul3A_321 : i32 to vector<16xi32>
      %add3A_323 = arith.addi %add3A_23, %add3A_322 : vector<16xi32>
      %jit3A_324 = arith.constant 10000 : i32
      %eq3A_325 = arith.constant 0 : i32
      %eq3A_326 = arith.cmpi eq, %jit3A_324, %eq3A_325 : i32
      %jit3A_327 = arith.constant 1 : i32
      %select_n3A_328 = arith.select %eq3A_326, %jit3A_327, %jit3A_324 : i32
      %rem3A_329 = vector.broadcast %select_n3A_328 : i32 to vector<16xi32>
      %rem3A_330 = arith.remsi %add3A_323, %rem3A_329 : vector<16xi32>
      %ne3A_331 = arith.constant 0 : i32
      %ne3A_332 = vector.broadcast %ne3A_331 : i32 to vector<16xi32>
      %ne3A_333 = arith.cmpi ne, %rem3A_330, %ne3A_332 : vector<16xi32>
      %lt3A_334 = arith.constant 0 : i32
      %lt3A_335 = vector.broadcast %lt3A_334 : i32 to vector<16xi32>
      %lt3A_336 = arith.cmpi slt, %rem3A_330, %lt3A_335 : vector<16xi32>
      %lt3A_337 = arith.constant 0 : i32
      %lt3A_338 = arith.cmpi slt, %select_n3A_328, %lt3A_337 : i32
      %ne3A_339 = vector.broadcast %lt3A_338 : i1 to vector<16xi1>
      %ne3A_340 = vector.broadcast %ne3A_339 : vector<16xi1> to vector<16xi1>
      %ne3A_341 = arith.xori %lt3A_336, %ne3A_340 : vector<16xi1>
      %and3A_342 = arith.andi %ne3A_341, %ne3A_333 : vector<16xi1>
      %add3A_343 = vector.broadcast %select_n3A_328 : i32 to vector<16xi32>
      %add3A_344 = arith.addi %rem3A_330, %add3A_343 : vector<16xi32>
      %select_n3A_345 = arith.select %and3A_342, %add3A_344, %rem3A_330 : vector<16xi1>, vector<16xi32>
      %swap3A_346 = arith.index_cast %while3A_111 : i32 to index
      %swap3A_347 = arith.constant 48 : index
      %swap3A_348 = tpu.vector_load %arg6[%swap3A_346, %swap3A_347] {strides = array<i32>} : memref<80x128xi32, #tpu.memory_space<vmem>>, vector<1x16xi32>,
      %swap3A_349 = vector.shape_cast %swap3A_348 : vector<1x16xi32> to vector<16xi32>
      %swap3A_350 = vector.shape_cast %select_n3A_345 : vector<16xi32> to vector<1x16xi32>
      tpu.vector_store %arg6[%swap3A_346, %swap3A_347], %swap3A_350 {strides = array<i32>} : memref<80x128xi32, #tpu.memory_space<vmem>>, vector<1x16xi32>,
      %mul3A_351 = arith.constant 7 : i32
      %mul3A_352 = arith.muli %mul3A_351, %add3A_319 : i32
      %add3A_353 = vector.broadcast %mul3A_352 : i32 to vector<16xi32>
      %add3A_354 = arith.addi %add3A_23, %add3A_353 : vector<16xi32>
      %jit3A_355 = arith.constant 112 : i32
      %eq3A_356 = arith.constant 0 : i32
      %eq3A_357 = arith.cmpi eq, %jit3A_355, %eq3A_356 : i32
      %jit3A_358 = arith.constant 1 : i32
      %select_n3A_359 = arith.select %eq3A_357, %jit3A_358, %jit3A_355 : i32
      %rem3A_360 = vector.broadcast %select_n3A_359 : i32 to vector<16xi32>
      %rem3A_361 = arith.remsi %add3A_354, %rem3A_360 : vector<16xi32>
      %ne3A_362 = arith.constant 0 : i32
      %ne3A_363 = vector.broadcast %ne3A_362 : i32 to vector<16xi32>
      %ne3A_364 = arith.cmpi ne, %rem3A_361, %ne3A_363 : vector<16xi32>
      %lt3A_365 = arith.constant 0 : i32
      %lt3A_366 = vector.broadcast %lt3A_365 : i32 to vector<16xi32>
      %lt3A_367 = arith.cmpi slt, %rem3A_361, %lt3A_366 : vector<16xi32>
      %lt3A_368 = arith.constant 0 : i32
      %lt3A_369 = arith.cmpi slt, %select_n3A_359, %lt3A_368 : i32
      %ne3A_370 = vector.broadcast %lt3A_369 : i1 to vector<16xi1>
      %ne3A_371 = vector.broadcast %ne3A_370 : vector<16xi1> to vector<16xi1>
      %ne3A_372 = arith.xori %lt3A_367, %ne3A_371 : vector<16xi1>
      %and3A_373 = arith.andi %ne3A_372, %ne3A_364 : vector<16xi1>
      %add3A_374 = vector.broadcast %select_n3A_359 : i32 to vector<16xi32>
      %add3A_375 = arith.addi %rem3A_361, %add3A_374 : vector<16xi32>
      %select_n3A_376 = arith.select %and3A_373, %add3A_375, %rem3A_361 : vector<16xi1>, vector<16xi32>
      %add3A_377 = arith.constant 10000 : i32
      %add3A_378 = vector.broadcast %add3A_377 : i32 to vector<16xi32>
      %add3A_379 = arith.addi %add3A_378, %select_n3A_376 : vector<16xi32>
      %swap3A_380 = arith.index_cast %while3A_111 : i32 to index
      %swap3A_381 = arith.constant 48 : index
      %swap3A_382 = tpu.vector_load %arg7[%swap3A_380, %swap3A_381] {strides = array<i32>} : memref<80x128xi32, #tpu.memory_space<vmem>>, vector<1x16xi32>,
      %swap3A_383 = vector.shape_cast %swap3A_382 : vector<1x16xi32> to vector<16xi32>
      %swap3A_384 = vector.shape_cast %add3A_379 : vector<16xi32> to vector<1x16xi32>
      tpu.vector_store %arg7[%swap3A_380, %swap3A_381], %swap3A_384 {strides = array<i32>} : memref<80x128xi32, #tpu.memory_space<vmem>>, vector<1x16xi32>,
      %mul3A_385 = arith.constant 8 : i32
      %mul3A_386 = arith.muli %while3A_111, %mul3A_385 : i32
      %add3A_387 = arith.constant 4 : i32
      %add3A_388 = arith.addi %mul3A_386, %add3A_387 : i32
      %mul3A_389 = arith.constant 16 : i32
      %mul3A_390 = arith.muli %mul3A_389, %add3A_388 : i32
      %add3A_391 = vector.broadcast %mul3A_390 : i32 to vector<16xi32>
      %add3A_392 = arith.addi %add3A_23, %add3A_391 : vector<16xi32>
      %jit3A_393 = arith.constant 10000 : i32
      %eq3A_394 = arith.constant 0 : i32
      %eq3A_395 = arith.cmpi eq, %jit3A_393, %eq3A_394 : i32
      %jit3A_396 = arith.constant 1 : i32
      %select_n3A_397 = arith.select %eq3A_395, %jit3A_396, %jit3A_393 : i32
      %rem3A_398 = vector.broadcast %select_n3A_397 : i32 to vector<16xi32>
      %rem3A_399 = arith.remsi %add3A_392, %rem3A_398 : vector<16xi32>
      %ne3A_400 = arith.constant 0 : i32
      %ne3A_401 = vector.broadcast %ne3A_400 : i32 to vector<16xi32>
      %ne3A_402 = arith.cmpi ne, %rem3A_399, %ne3A_401 : vector<16xi32>
      %lt3A_403 = arith.constant 0 : i32
      %lt3A_404 = vector.broadcast %lt3A_403 : i32 to vector<16xi32>
      %lt3A_405 = arith.cmpi slt, %rem3A_399, %lt3A_404 : vector<16xi32>
      %lt3A_406 = arith.constant 0 : i32
      %lt3A_407 = arith.cmpi slt, %select_n3A_397, %lt3A_406 : i32
      %ne3A_408 = vector.broadcast %lt3A_407 : i1 to vector<16xi1>
      %ne3A_409 = vector.broadcast %ne3A_408 : vector<16xi1> to vector<16xi1>
      %ne3A_410 = arith.xori %lt3A_405, %ne3A_409 : vector<16xi1>
      %and3A_411 = arith.andi %ne3A_410, %ne3A_402 : vector<16xi1>
      %add3A_412 = vector.broadcast %select_n3A_397 : i32 to vector<16xi32>
      %add3A_413 = arith.addi %rem3A_399, %add3A_412 : vector<16xi32>
      %select_n3A_414 = arith.select %and3A_411, %add3A_413, %rem3A_399 : vector<16xi1>, vector<16xi32>
      %swap3A_415 = arith.index_cast %while3A_111 : i32 to index
      %swap3A_416 = arith.constant 64 : index
      %swap3A_417 = tpu.vector_load %arg6[%swap3A_415, %swap3A_416] {strides = array<i32>} : memref<80x128xi32, #tpu.memory_space<vmem>>, vector<1x16xi32>,
      %swap3A_418 = vector.shape_cast %swap3A_417 : vector<1x16xi32> to vector<16xi32>
      %swap3A_419 = vector.shape_cast %select_n3A_414 : vector<16xi32> to vector<1x16xi32>
      tpu.vector_store %arg6[%swap3A_415, %swap3A_416], %swap3A_419 {strides = array<i32>} : memref<80x128xi32, #tpu.memory_space<vmem>>, vector<1x16xi32>,
      %mul3A_420 = arith.constant 7 : i32
      %mul3A_421 = arith.muli %mul3A_420, %add3A_388 : i32
      %add3A_422 = vector.broadcast %mul3A_421 : i32 to vector<16xi32>
      %add3A_423 = arith.addi %add3A_23, %add3A_422 : vector<16xi32>
      %jit3A_424 = arith.constant 112 : i32
      %eq3A_425 = arith.constant 0 : i32
      %eq3A_426 = arith.cmpi eq, %jit3A_424, %eq3A_425 : i32
      %jit3A_427 = arith.constant 1 : i32
      %select_n3A_428 = arith.select %eq3A_426, %jit3A_427, %jit3A_424 : i32
      %rem3A_429 = vector.broadcast %select_n3A_428 : i32 to vector<16xi32>
      %rem3A_430 = arith.remsi %add3A_423, %rem3A_429 : vector<16xi32>
      %ne3A_431 = arith.constant 0 : i32
      %ne3A_432 = vector.broadcast %ne3A_431 : i32 to vector<16xi32>
      %ne3A_433 = arith.cmpi ne, %rem3A_430, %ne3A_432 : vector<16xi32>
      %lt3A_434 = arith.constant 0 : i32
      %lt3A_435 = vector.broadcast %lt3A_434 : i32 to vector<16xi32>
      %lt3A_436 = arith.cmpi slt, %rem3A_430, %lt3A_435 : vector<16xi32>
      %lt3A_437 = arith.constant 0 : i32
      %lt3A_438 = arith.cmpi slt, %select_n3A_428, %lt3A_437 : i32
      %ne3A_439 = vector.broadcast %lt3A_438 : i1 to vector<16xi1>
      %ne3A_440 = vector.broadcast %ne3A_439 : vector<16xi1> to vector<16xi1>
      %ne3A_441 = arith.xori %lt3A_436, %ne3A_440 : vector<16xi1>
      %and3A_442 = arith.andi %ne3A_441, %ne3A_433 : vector<16xi1>
      %add3A_443 = vector.broadcast %select_n3A_428 : i32 to vector<16xi32>
      %add3A_444 = arith.addi %rem3A_430, %add3A_443 : vector<16xi32>
      %select_n3A_445 = arith.select %and3A_442, %add3A_444, %rem3A_430 : vector<16xi1>, vector<16xi32>
      %add3A_446 = arith.constant 10000 : i32
      %add3A_447 = vector.broadcast %add3A_446 : i32 to vector<16xi32>
      %add3A_448 = arith.addi %add3A_447, %select_n3A_445 : vector<16xi32>
      %swap3A_449 = arith.index_cast %while3A_111 : i32 to index
      %swap3A_450 = arith.constant 64 : index
      %swap3A_451 = tpu.vector_load %arg7[%swap3A_449, %swap3A_450] {strides = array<i32>} : memref<80x128xi32, #tpu.memory_space<vmem>>, vector<1x16xi32>,
      %swap3A_452 = vector.shape_cast %swap3A_451 : vector<1x16xi32> to vector<16xi32>
      %swap3A_453 = vector.shape_cast %add3A_448 : vector<16xi32> to vector<1x16xi32>
      tpu.vector_store %arg7[%swap3A_449, %swap3A_450], %swap3A_453 {strides = array<i32>} : memref<80x128xi32, #tpu.memory_space<vmem>>, vector<1x16xi32>,
      %mul3A_454 = arith.constant 8 : i32
      %mul3A_455 = arith.muli %while3A_111, %mul3A_454 : i32
      %add3A_456 = arith.constant 5 : i32
      %add3A_457 = arith.addi %mul3A_455, %add3A_456 : i32
      %mul3A_458 = arith.constant 16 : i32
      %mul3A_459 = arith.muli %mul3A_458, %add3A_457 : i32
      %add3A_460 = vector.broadcast %mul3A_459 : i32 to vector<16xi32>
      %add3A_461 = arith.addi %add3A_23, %add3A_460 : vector<16xi32>
      %jit3A_462 = arith.constant 10000 : i32
      %eq3A_463 = arith.constant 0 : i32
      %eq3A_464 = arith.cmpi eq, %jit3A_462, %eq3A_463 : i32
      %jit3A_465 = arith.constant 1 : i32
      %select_n3A_466 = arith.select %eq3A_464, %jit3A_465, %jit3A_462 : i32
      %rem3A_467 = vector.broadcast %select_n3A_466 : i32 to vector<16xi32>
      %rem3A_468 = arith.remsi %add3A_461, %rem3A_467 : vector<16xi32>
      %ne3A_469 = arith.constant 0 : i32
      %ne3A_470 = vector.broadcast %ne3A_469 : i32 to vector<16xi32>
      %ne3A_471 = arith.cmpi ne, %rem3A_468, %ne3A_470 : vector<16xi32>
      %lt3A_472 = arith.constant 0 : i32
      %lt3A_473 = vector.broadcast %lt3A_472 : i32 to vector<16xi32>
      %lt3A_474 = arith.cmpi slt, %rem3A_468, %lt3A_473 : vector<16xi32>
      %lt3A_475 = arith.constant 0 : i32
      %lt3A_476 = arith.cmpi slt, %select_n3A_466, %lt3A_475 : i32
      %ne3A_477 = vector.broadcast %lt3A_476 : i1 to vector<16xi1>
      %ne3A_478 = vector.broadcast %ne3A_477 : vector<16xi1> to vector<16xi1>
      %ne3A_479 = arith.xori %lt3A_474, %ne3A_478 : vector<16xi1>
      %and3A_480 = arith.andi %ne3A_479, %ne3A_471 : vector<16xi1>
      %add3A_481 = vector.broadcast %select_n3A_466 : i32 to vector<16xi32>
      %add3A_482 = arith.addi %rem3A_468, %add3A_481 : vector<16xi32>
      %select_n3A_483 = arith.select %and3A_480, %add3A_482, %rem3A_468 : vector<16xi1>, vector<16xi32>
      %swap3A_484 = arith.index_cast %while3A_111 : i32 to index
      %swap3A_485 = arith.constant 80 : index
      %swap3A_486 = tpu.vector_load %arg6[%swap3A_484, %swap3A_485] {strides = array<i32>} : memref<80x128xi32, #tpu.memory_space<vmem>>, vector<1x16xi32>,
      %swap3A_487 = vector.shape_cast %swap3A_486 : vector<1x16xi32> to vector<16xi32>
      %swap3A_488 = vector.shape_cast %select_n3A_483 : vector<16xi32> to vector<1x16xi32>
      tpu.vector_store %arg6[%swap3A_484, %swap3A_485], %swap3A_488 {strides = array<i32>} : memref<80x128xi32, #tpu.memory_space<vmem>>, vector<1x16xi32>,
      %mul3A_489 = arith.constant 7 : i32
      %mul3A_490 = arith.muli %mul3A_489, %add3A_457 : i32
      %add3A_491 = vector.broadcast %mul3A_490 : i32 to vector<16xi32>
      %add3A_492 = arith.addi %add3A_23, %add3A_491 : vector<16xi32>
      %jit3A_493 = arith.constant 112 : i32
      %eq3A_494 = arith.constant 0 : i32
      %eq3A_495 = arith.cmpi eq, %jit3A_493, %eq3A_494 : i32
      %jit3A_496 = arith.constant 1 : i32
      %select_n3A_497 = arith.select %eq3A_495, %jit3A_496, %jit3A_493 : i32
      %rem3A_498 = vector.broadcast %select_n3A_497 : i32 to vector<16xi32>
      %rem3A_499 = arith.remsi %add3A_492, %rem3A_498 : vector<16xi32>
      %ne3A_500 = arith.constant 0 : i32
      %ne3A_501 = vector.broadcast %ne3A_500 : i32 to vector<16xi32>
      %ne3A_502 = arith.cmpi ne, %rem3A_499, %ne3A_501 : vector<16xi32>
      %lt3A_503 = arith.constant 0 : i32
      %lt3A_504 = vector.broadcast %lt3A_503 : i32 to vector<16xi32>
      %lt3A_505 = arith.cmpi slt, %rem3A_499, %lt3A_504 : vector<16xi32>
      %lt3A_506 = arith.constant 0 : i32
      %lt3A_507 = arith.cmpi slt, %select_n3A_497, %lt3A_506 : i32
      %ne3A_508 = vector.broadcast %lt3A_507 : i1 to vector<16xi1>
      %ne3A_509 = vector.broadcast %ne3A_508 : vector<16xi1> to vector<16xi1>
      %ne3A_510 = arith.xori %lt3A_505, %ne3A_509 : vector<16xi1>
      %and3A_511 = arith.andi %ne3A_510, %ne3A_502 : vector<16xi1>
      %add3A_512 = vector.broadcast %select_n3A_497 : i32 to vector<16xi32>
      %add3A_513 = arith.addi %rem3A_499, %add3A_512 : vector<16xi32>
      %select_n3A_514 = arith.select %and3A_511, %add3A_513, %rem3A_499 : vector<16xi1>, vector<16xi32>
      %add3A_515 = arith.constant 10000 : i32
      %add3A_516 = vector.broadcast %add3A_515 : i32 to vector<16xi32>
      %add3A_517 = arith.addi %add3A_516, %select_n3A_514 : vector<16xi32>
      %swap3A_518 = arith.index_cast %while3A_111 : i32 to index
      %swap3A_519 = arith.constant 80 : index
      %swap3A_520 = tpu.vector_load %arg7[%swap3A_518, %swap3A_519] {strides = array<i32>} : memref<80x128xi32, #tpu.memory_space<vmem>>, vector<1x16xi32>,
      %swap3A_521 = vector.shape_cast %swap3A_520 : vector<1x16xi32> to vector<16xi32>
      %swap3A_522 = vector.shape_cast %add3A_517 : vector<16xi32> to vector<1x16xi32>
      tpu.vector_store %arg7[%swap3A_518, %swap3A_519], %swap3A_522 {strides = array<i32>} : memref<80x128xi32, #tpu.memory_space<vmem>>, vector<1x16xi32>,
      %mul3A_523 = arith.constant 8 : i32
      %mul3A_524 = arith.muli %while3A_111, %mul3A_523 : i32
      %add3A_525 = arith.constant 6 : i32
      %add3A_526 = arith.addi %mul3A_524, %add3A_525 : i32
      %mul3A_527 = arith.constant 16 : i32
      %mul3A_528 = arith.muli %mul3A_527, %add3A_526 : i32
      %add3A_529 = vector.broadcast %mul3A_528 : i32 to vector<16xi32>
      %add3A_530 = arith.addi %add3A_23, %add3A_529 : vector<16xi32>
      %jit3A_531 = arith.constant 10000 : i32
      %eq3A_532 = arith.constant 0 : i32
      %eq3A_533 = arith.cmpi eq, %jit3A_531, %eq3A_532 : i32
      %jit3A_534 = arith.constant 1 : i32
      %select_n3A_535 = arith.select %eq3A_533, %jit3A_534, %jit3A_531 : i32
      %rem3A_536 = vector.broadcast %select_n3A_535 : i32 to vector<16xi32>
      %rem3A_537 = arith.remsi %add3A_530, %rem3A_536 : vector<16xi32>
      %ne3A_538 = arith.constant 0 : i32
      %ne3A_539 = vector.broadcast %ne3A_538 : i32 to vector<16xi32>
      %ne3A_540 = arith.cmpi ne, %rem3A_537, %ne3A_539 : vector<16xi32>
      %lt3A_541 = arith.constant 0 : i32
      %lt3A_542 = vector.broadcast %lt3A_541 : i32 to vector<16xi32>
      %lt3A_543 = arith.cmpi slt, %rem3A_537, %lt3A_542 : vector<16xi32>
      %lt3A_544 = arith.constant 0 : i32
      %lt3A_545 = arith.cmpi slt, %select_n3A_535, %lt3A_544 : i32
      %ne3A_546 = vector.broadcast %lt3A_545 : i1 to vector<16xi1>
      %ne3A_547 = vector.broadcast %ne3A_546 : vector<16xi1> to vector<16xi1>
      %ne3A_548 = arith.xori %lt3A_543, %ne3A_547 : vector<16xi1>
      %and3A_549 = arith.andi %ne3A_548, %ne3A_540 : vector<16xi1>
      %add3A_550 = vector.broadcast %select_n3A_535 : i32 to vector<16xi32>
      %add3A_551 = arith.addi %rem3A_537, %add3A_550 : vector<16xi32>
      %select_n3A_552 = arith.select %and3A_549, %add3A_551, %rem3A_537 : vector<16xi1>, vector<16xi32>
      %swap3A_553 = arith.index_cast %while3A_111 : i32 to index
      %swap3A_554 = arith.constant 96 : index
      %swap3A_555 = tpu.vector_load %arg6[%swap3A_553, %swap3A_554] {strides = array<i32>} : memref<80x128xi32, #tpu.memory_space<vmem>>, vector<1x16xi32>,
      %swap3A_556 = vector.shape_cast %swap3A_555 : vector<1x16xi32> to vector<16xi32>
      %swap3A_557 = vector.shape_cast %select_n3A_552 : vector<16xi32> to vector<1x16xi32>
      tpu.vector_store %arg6[%swap3A_553, %swap3A_554], %swap3A_557 {strides = array<i32>} : memref<80x128xi32, #tpu.memory_space<vmem>>, vector<1x16xi32>,
      %mul3A_558 = arith.constant 7 : i32
      %mul3A_559 = arith.muli %mul3A_558, %add3A_526 : i32
      %add3A_560 = vector.broadcast %mul3A_559 : i32 to vector<16xi32>
      %add3A_561 = arith.addi %add3A_23, %add3A_560 : vector<16xi32>
      %jit3A_562 = arith.constant 112 : i32
      %eq3A_563 = arith.constant 0 : i32
      %eq3A_564 = arith.cmpi eq, %jit3A_562, %eq3A_563 : i32
      %jit3A_565 = arith.constant 1 : i32
      %select_n3A_566 = arith.select %eq3A_564, %jit3A_565, %jit3A_562 : i32
      %rem3A_567 = vector.broadcast %select_n3A_566 : i32 to vector<16xi32>
      %rem3A_568 = arith.remsi %add3A_561, %rem3A_567 : vector<16xi32>
      %ne3A_569 = arith.constant 0 : i32
      %ne3A_570 = vector.broadcast %ne3A_569 : i32 to vector<16xi32>
      %ne3A_571 = arith.cmpi ne, %rem3A_568, %ne3A_570 : vector<16xi32>
      %lt3A_572 = arith.constant 0 : i32
      %lt3A_573 = vector.broadcast %lt3A_572 : i32 to vector<16xi32>
      %lt3A_574 = arith.cmpi slt, %rem3A_568, %lt3A_573 : vector<16xi32>
      %lt3A_575 = arith.constant 0 : i32
      %lt3A_576 = arith.cmpi slt, %select_n3A_566, %lt3A_575 : i32
      %ne3A_577 = vector.broadcast %lt3A_576 : i1 to vector<16xi1>
      %ne3A_578 = vector.broadcast %ne3A_577 : vector<16xi1> to vector<16xi1>
      %ne3A_579 = arith.xori %lt3A_574, %ne3A_578 : vector<16xi1>
      %and3A_580 = arith.andi %ne3A_579, %ne3A_571 : vector<16xi1>
      %add3A_581 = vector.broadcast %select_n3A_566 : i32 to vector<16xi32>
      %add3A_582 = arith.addi %rem3A_568, %add3A_581 : vector<16xi32>
      %select_n3A_583 = arith.select %and3A_580, %add3A_582, %rem3A_568 : vector<16xi1>, vector<16xi32>
      %add3A_584 = arith.constant 10000 : i32
      %add3A_585 = vector.broadcast %add3A_584 : i32 to vector<16xi32>
      %add3A_586 = arith.addi %add3A_585, %select_n3A_583 : vector<16xi32>
      %swap3A_587 = arith.index_cast %while3A_111 : i32 to index
      %swap3A_588 = arith.constant 96 : index
      %swap3A_589 = tpu.vector_load %arg7[%swap3A_587, %swap3A_588] {strides = array<i32>} : memref<80x128xi32, #tpu.memory_space<vmem>>, vector<1x16xi32>,
      %swap3A_590 = vector.shape_cast %swap3A_589 : vector<1x16xi32> to vector<16xi32>
      %swap3A_591 = vector.shape_cast %add3A_586 : vector<16xi32> to vector<1x16xi32>
      tpu.vector_store %arg7[%swap3A_587, %swap3A_588], %swap3A_591 {strides = array<i32>} : memref<80x128xi32, #tpu.memory_space<vmem>>, vector<1x16xi32>,
      %mul3A_592 = arith.constant 8 : i32
      %mul3A_593 = arith.muli %while3A_111, %mul3A_592 : i32
      %add3A_594 = arith.constant 7 : i32
      %add3A_595 = arith.addi %mul3A_593, %add3A_594 : i32
      %mul3A_596 = arith.constant 16 : i32
      %mul3A_597 = arith.muli %mul3A_596, %add3A_595 : i32
      %add3A_598 = vector.broadcast %mul3A_597 : i32 to vector<16xi32>
      %add3A_599 = arith.addi %add3A_23, %add3A_598 : vector<16xi32>
      %jit3A_600 = arith.constant 10000 : i32
      %eq3A_601 = arith.constant 0 : i32
      %eq3A_602 = arith.cmpi eq, %jit3A_600, %eq3A_601 : i32
      %jit3A_603 = arith.constant 1 : i32
      %select_n3A_604 = arith.select %eq3A_602, %jit3A_603, %jit3A_600 : i32
      %rem3A_605 = vector.broadcast %select_n3A_604 : i32 to vector<16xi32>
      %rem3A_606 = arith.remsi %add3A_599, %rem3A_605 : vector<16xi32>
      %ne3A_607 = arith.constant 0 : i32
      %ne3A_608 = vector.broadcast %ne3A_607 : i32 to vector<16xi32>
      %ne3A_609 = arith.cmpi ne, %rem3A_606, %ne3A_608 : vector<16xi32>
      %lt3A_610 = arith.constant 0 : i32
      %lt3A_611 = vector.broadcast %lt3A_610 : i32 to vector<16xi32>
      %lt3A_612 = arith.cmpi slt, %rem3A_606, %lt3A_611 : vector<16xi32>
      %lt3A_613 = arith.constant 0 : i32
      %lt3A_614 = arith.cmpi slt, %select_n3A_604, %lt3A_613 : i32
      %ne3A_615 = vector.broadcast %lt3A_614 : i1 to vector<16xi1>
      %ne3A_616 = vector.broadcast %ne3A_615 : vector<16xi1> to vector<16xi1>
      %ne3A_617 = arith.xori %lt3A_612, %ne3A_616 : vector<16xi1>
      %and3A_618 = arith.andi %ne3A_617, %ne3A_609 : vector<16xi1>
      %add3A_619 = vector.broadcast %select_n3A_604 : i32 to vector<16xi32>
      %add3A_620 = arith.addi %rem3A_606, %add3A_619 : vector<16xi32>
      %select_n3A_621 = arith.select %and3A_618, %add3A_620, %rem3A_606 : vector<16xi1>, vector<16xi32>
      %swap3A_622 = arith.index_cast %while3A_111 : i32 to index
      %swap3A_623 = arith.constant 112 : index
      %swap3A_624 = tpu.vector_load %arg6[%swap3A_622, %swap3A_623] {strides = array<i32>} : memref<80x128xi32, #tpu.memory_space<vmem>>, vector<1x16xi32>,
      %swap3A_625 = vector.shape_cast %swap3A_624 : vector<1x16xi32> to vector<16xi32>
      %swap3A_626 = vector.shape_cast %select_n3A_621 : vector<16xi32> to vector<1x16xi32>
      tpu.vector_store %arg6[%swap3A_622, %swap3A_623], %swap3A_626 {strides = array<i32>} : memref<80x128xi32, #tpu.memory_space<vmem>>, vector<1x16xi32>,
      %mul3A_627 = arith.constant 7 : i32
      %mul3A_628 = arith.muli %mul3A_627, %add3A_595 : i32
      %add3A_629 = vector.broadcast %mul3A_628 : i32 to vector<16xi32>
      %add3A_630 = arith.addi %add3A_23, %add3A_629 : vector<16xi32>
      %jit3A_631 = arith.constant 112 : i32
      %eq3A_632 = arith.constant 0 : i32
      %eq3A_633 = arith.cmpi eq, %jit3A_631, %eq3A_632 : i32
      %jit3A_634 = arith.constant 1 : i32
      %select_n3A_635 = arith.select %eq3A_633, %jit3A_634, %jit3A_631 : i32
      %rem3A_636 = vector.broadcast %select_n3A_635 : i32 to vector<16xi32>
      %rem3A_637 = arith.remsi %add3A_630, %rem3A_636 : vector<16xi32>
      %ne3A_638 = arith.constant 0 : i32
      %ne3A_639 = vector.broadcast %ne3A_638 : i32 to vector<16xi32>
      %ne3A_640 = arith.cmpi ne, %rem3A_637, %ne3A_639 : vector<16xi32>
      %lt3A_641 = arith.constant 0 : i32
      %lt3A_642 = vector.broadcast %lt3A_641 : i32 to vector<16xi32>
      %lt3A_643 = arith.cmpi slt, %rem3A_637, %lt3A_642 : vector<16xi32>
      %lt3A_644 = arith.constant 0 : i32
      %lt3A_645 = arith.cmpi slt, %select_n3A_635, %lt3A_644 : i32
      %ne3A_646 = vector.broadcast %lt3A_645 : i1 to vector<16xi1>
      %ne3A_647 = vector.broadcast %ne3A_646 : vector<16xi1> to vector<16xi1>
      %ne3A_648 = arith.xori %lt3A_643, %ne3A_647 : vector<16xi1>
      %and3A_649 = arith.andi %ne3A_648, %ne3A_640 : vector<16xi1>
      %add3A_650 = vector.broadcast %select_n3A_635 : i32 to vector<16xi32>
      %add3A_651 = arith.addi %rem3A_637, %add3A_650 : vector<16xi32>
      %select_n3A_652 = arith.select %and3A_649, %add3A_651, %rem3A_637 : vector<16xi1>, vector<16xi32>
      %add3A_653 = arith.constant 10000 : i32
      %add3A_654 = vector.broadcast %add3A_653 : i32 to vector<16xi32>
      %add3A_655 = arith.addi %add3A_654, %select_n3A_652 : vector<16xi32>
      %swap3A_656 = arith.index_cast %while3A_111 : i32 to index
      %swap3A_657 = arith.constant 112 : index
      %swap3A_658 = tpu.vector_load %arg7[%swap3A_656, %swap3A_657] {strides = array<i32>} : memref<80x128xi32, #tpu.memory_space<vmem>>, vector<1x16xi32>,
      %swap3A_659 = vector.shape_cast %swap3A_658 : vector<1x16xi32> to vector<16xi32>
      %swap3A_660 = vector.shape_cast %add3A_655 : vector<16xi32> to vector<1x16xi32>
      tpu.vector_store %arg7[%swap3A_656, %swap3A_657], %swap3A_660 {strides = array<i32>} : memref<80x128xi32, #tpu.memory_space<vmem>>, vector<1x16xi32>,
    }
    %while3A_33 = arith.constant 1 : i32
    scf.for %while3A_111 = %while3A_31 to %while3A_27 step %while3A_33  : i32 {
      %mul3A_112 = arith.constant 8 : i32
      %mul3A_113 = arith.muli %while3A_111, %mul3A_112 : i32
      %add3A_114 = arith.constant 0 : i32
      %add3A_115 = arith.addi %mul3A_113, %add3A_114 : i32
      %mul3A_116 = arith.constant 16 : i32
      %mul3A_117 = arith.muli %mul3A_116, %add3A_115 : i32
      %add3A_118 = vector.broadcast %mul3A_117 : i32 to vector<16xi32>
      %add3A_119 = arith.addi %add3A_23, %add3A_118 : vector<16xi32>
      %jit3A_120 = arith.constant 10000 : i32
      %eq3A_121 = arith.constant 0 : i32
      %eq3A_122 = arith.cmpi eq, %jit3A_120, %eq3A_121 : i32
      %jit3A_123 = arith.constant 1 : i32
      %select_n3A_124 = arith.select %eq3A_122, %jit3A_123, %jit3A_120 : i32
      %rem3A = vector.broadcast %select_n3A_124 : i32 to vector<16xi32>
      %rem3A_125 = arith.remsi %add3A_119, %rem3A : vector<16xi32>
      %ne3A_126 = arith.constant 0 : i32
      %ne3A_127 = vector.broadcast %ne3A_126 : i32 to vector<16xi32>
      %ne3A_128 = arith.cmpi ne, %rem3A_125, %ne3A_127 : vector<16xi32>
      %lt3A_129 = arith.constant 0 : i32
      %lt3A_130 = vector.broadcast %lt3A_129 : i32 to vector<16xi32>
      %lt3A_131 = arith.cmpi slt, %rem3A_125, %lt3A_130 : vector<16xi32>
      %lt3A_132 = arith.constant 0 : i32
      %lt3A_133 = arith.cmpi slt, %select_n3A_124, %lt3A_132 : i32
      %ne3A_134 = vector.broadcast %lt3A_133 : i1 to vector<16xi1>
      %ne3A_135 = vector.broadcast %ne3A_134 : vector<16xi1> to vector<16xi1>
      %ne3A_136 = arith.xori %lt3A_131, %ne3A_135 : vector<16xi1>
      %and3A = arith.andi %ne3A_136, %ne3A_128 : vector<16xi1>
      %add3A_137 = vector.broadcast %select_n3A_124 : i32 to vector<16xi32>
      %add3A_138 = arith.addi %rem3A_125, %add3A_137 : vector<16xi32>
      %select_n3A_139 = arith.select %and3A, %add3A_138, %rem3A_125 : vector<16xi1>, vector<16xi32>
      %swap3A = arith.index_cast %while3A_111 : i32 to index
      %swap3A_140 = arith.constant 0 : index
      %swap3A_141 = tpu.vector_load %arg6[%swap3A, %swap3A_140] {strides = array<i32>} : memref<80x128xi32, #tpu.memory_space<vmem>>, vector<1x16xi32>,
      %swap3A_142 = vector.shape_cast %swap3A_141 : vector<1x16xi32> to vector<16xi32>
      %swap3A_143 = vector.shape_cast %select_n3A_139 : vector<16xi32> to vector<1x16xi32>
      tpu.vector_store %arg6[%swap3A, %swap3A_140], %swap3A_143 {strides = array<i32>} : memref<80x128xi32, #tpu.memory_space<vmem>>, vector<1x16xi32>,
      %mul3A_144 = arith.constant 7 : i32
      %mul3A_145 = arith.muli %mul3A_144, %add3A_115 : i32
      %add3A_146 = vector.broadcast %mul3A_145 : i32 to vector<16xi32>
      %add3A_147 = arith.addi %add3A_23, %add3A_146 : vector<16xi32>
      %jit3A_148 = arith.constant 112 : i32
      %eq3A_149 = arith.constant 0 : i32
      %eq3A_150 = arith.cmpi eq, %jit3A_148, %eq3A_149 : i32
      %jit3A_151 = arith.constant 1 : i32
      %select_n3A_152 = arith.select %eq3A_150, %jit3A_151, %jit3A_148 : i32
      %rem3A_153 = vector.broadcast %select_n3A_152 : i32 to vector<16xi32>
      %rem3A_154 = arith.remsi %add3A_147, %rem3A_153 : vector<16xi32>
      %ne3A_155 = arith.constant 0 : i32
      %ne3A_156 = vector.broadcast %ne3A_155 : i32 to vector<16xi32>
      %ne3A_157 = arith.cmpi ne, %rem3A_154, %ne3A_156 : vector<16xi32>
      %lt3A_158 = arith.constant 0 : i32
      %lt3A_159 = vector.broadcast %lt3A_158 : i32 to vector<16xi32>
      %lt3A_160 = arith.cmpi slt, %rem3A_154, %lt3A_159 : vector<16xi32>
      %lt3A_161 = arith.constant 0 : i32
      %lt3A_162 = arith.cmpi slt, %select_n3A_152, %lt3A_161 : i32
      %ne3A_163 = vector.broadcast %lt3A_162 : i1 to vector<16xi1>
      %ne3A_164 = vector.broadcast %ne3A_163 : vector<16xi1> to vector<16xi1>
      %ne3A_165 = arith.xori %lt3A_160, %ne3A_164 : vector<16xi1>
      %and3A_166 = arith.andi %ne3A_165, %ne3A_157 : vector<16xi1>
      %add3A_167 = vector.broadcast %select_n3A_152 : i32 to vector<16xi32>
      %add3A_168 = arith.addi %rem3A_154, %add3A_167 : vector<16xi32>
      %select_n3A_169 = arith.select %and3A_166, %add3A_168, %rem3A_154 : vector<16xi1>, vector<16xi32>
      %add3A_170 = arith.constant 10000 : i32
      %add3A_171 = vector.broadcast %add3A_170 : i32 to vector<16xi32>
      %add3A_172 = arith.addi %add3A_171, %select_n3A_169 : vector<16xi32>
      %swap3A_173 = arith.index_cast %while3A_111 : i32 to index
      %swap3A_174 = arith.constant 0 : index
      %swap3A_175 = tpu.vector_load %arg7[%swap3A_173, %swap3A_174] {strides = array<i32>} : memref<80x128xi32, #tpu.memory_space<vmem>>, vector<1x16xi32>,
      %swap3A_176 = vector.shape_cast %swap3A_175 : vector<1x16xi32> to vector<16xi32>
      %swap3A_177 = vector.shape_cast %add3A_172 : vector<16xi32> to vector<1x16xi32>
      tpu.vector_store %arg7[%swap3A_173, %swap3A_174], %swap3A_177 {strides = array<i32>} : memref<80x128xi32, #tpu.memory_space<vmem>>, vector<1x16xi32>,
      %mul3A_178 = arith.constant 8 : i32
      %mul3A_179 = arith.muli %while3A_111, %mul3A_178 : i32
      %add3A_180 = arith.constant 1 : i32
      %add3A_181 = arith.addi %mul3A_179, %add3A_180 : i32
      %mul3A_182 = arith.constant 16 : i32
      %mul3A_183 = arith.muli %mul3A_182, %add3A_181 : i32
      %add3A_184 = vector.broadcast %mul3A_183 : i32 to vector<16xi32>
      %add3A_185 = arith.addi %add3A_23, %add3A_184 : vector<16xi32>
      %jit3A_186 = arith.constant 10000 : i32
      %eq3A_187 = arith.constant 0 : i32
      %eq3A_188 = arith.cmpi eq, %jit3A_186, %eq3A_187 : i32
      %jit3A_189 = arith.constant 1 : i32
      %select_n3A_190 = arith.select %eq3A_188, %jit3A_189, %jit3A_186 : i32
      %rem3A_191 = vector.broadcast %select_n3A_190 : i32 to vector<16xi32>
      %rem3A_192 = arith.remsi %add3A_185, %rem3A_191 : vector<16xi32>
      %ne3A_193 = arith.constant 0 : i32
      %ne3A_194 = vector.broadcast %ne3A_193 : i32 to vector<16xi32>
      %ne3A_195 = arith.cmpi ne, %rem3A_192, %ne3A_194 : vector<16xi32>
      %lt3A_196 = arith.constant 0 : i32
      %lt3A_197 = vector.broadcast %lt3A_196 : i32 to vector<16xi32>
      %lt3A_198 = arith.cmpi slt, %rem3A_192, %lt3A_197 : vector<16xi32>
      %lt3A_199 = arith.constant 0 : i32
      %lt3A_200 = arith.cmpi slt, %select_n3A_190, %lt3A_199 : i32
      %ne3A_201 = vector.broadcast %lt3A_200 : i1 to vector<16xi1>
      %ne3A_202 = vector.broadcast %ne3A_201 : vector<16xi1> to vector<16xi1>
      %ne3A_203 = arith.xori %lt3A_198, %ne3A_202 : vector<16xi1>
      %and3A_204 = arith.andi %ne3A_203, %ne3A_195 : vector<16xi1>
      %add3A_205 = vector.broadcast %select_n3A_190 : i32 to vector<16xi32>
      %add3A_206 = arith.addi %rem3A_192, %add3A_205 : vector<16xi32>
      %select_n3A_207 = arith.select %and3A_204, %add3A_206, %rem3A_192 : vector<16xi1>, vector<16xi32>
      %swap3A_208 = arith.index_cast %while3A_111 : i32 to index
      %swap3A_209 = arith.constant 16 : index
      %swap3A_210 = tpu.vector_load %arg6[%swap3A_208, %swap3A_209] {strides = array<i32>} : memref<80x128xi32, #tpu.memory_space<vmem>>, vector<1x16xi32>,
      %swap3A_211 = vector.shape_cast %swap3A_210 : vector<1x16xi32> to vector<16xi32>
      %swap3A_212 = vector.shape_cast %select_n3A_207 : vector<16xi32> to vector<1x16xi32>
      tpu.vector_store %arg6[%swap3A_208, %swap3A_209], %swap3A_212 {strides = array<i32>} : memref<80x128xi32, #tpu.memory_space<vmem>>, vector<1x16xi32>,
      %mul3A_213 = arith.constant 7 : i32
      %mul3A_214 = arith.muli %mul3A_213, %add3A_181 : i32
      %add3A_215 = vector.broadcast %mul3A_214 : i32 to vector<16xi32>
      %add3A_216 = arith.addi %add3A_23, %add3A_215 : vector<16xi32>
      %jit3A_217 = arith.constant 112 : i32
      %eq3A_218 = arith.constant 0 : i32
      %eq3A_219 = arith.cmpi eq, %jit3A_217, %eq3A_218 : i32
      %jit3A_220 = arith.constant 1 : i32
      %select_n3A_221 = arith.select %eq3A_219, %jit3A_220, %jit3A_217 : i32
      %rem3A_222 = vector.broadcast %select_n3A_221 : i32 to vector<16xi32>
      %rem3A_223 = arith.remsi %add3A_216, %rem3A_222 : vector<16xi32>
      %ne3A_224 = arith.constant 0 : i32
      %ne3A_225 = vector.broadcast %ne3A_224 : i32 to vector<16xi32>
      %ne3A_226 = arith.cmpi ne, %rem3A_223, %ne3A_225 : vector<16xi32>
      %lt3A_227 = arith.constant 0 : i32
      %lt3A_228 = vector.broadcast %lt3A_227 : i32 to vector<16xi32>
      %lt3A_229 = arith.cmpi slt, %rem3A_223, %lt3A_228 : vector<16xi32>
      %lt3A_230 = arith.constant 0 : i32
      %lt3A_231 = arith.cmpi slt, %select_n3A_221, %lt3A_230 : i32
      %ne3A_232 = vector.broadcast %lt3A_231 : i1 to vector<16xi1>
      %ne3A_233 = vector.broadcast %ne3A_232 : vector<16xi1> to vector<16xi1>
      %ne3A_234 = arith.xori %lt3A_229, %ne3A_233 : vector<16xi1>
      %and3A_235 = arith.andi %ne3A_234, %ne3A_226 : vector<16xi1>
      %add3A_236 = vector.broadcast %select_n3A_221 : i32 to vector<16xi32>
      %add3A_237 = arith.addi %rem3A_223, %add3A_236 : vector<16xi32>
      %select_n3A_238 = arith.select %and3A_235, %add3A_237, %rem3A_223 : vector<16xi1>, vector<16xi32>
      %add3A_239 = arith.constant 10000 : i32
      %add3A_240 = vector.broadcast %add3A_239 : i32 to vector<16xi32>
      %add3A_241 = arith.addi %add3A_240, %select_n3A_238 : vector<16xi32>
      %swap3A_242 = arith.index_cast %while3A_111 : i32 to index
      %swap3A_243 = arith.constant 16 : index
      %swap3A_244 = tpu.vector_load %arg7[%swap3A_242, %swap3A_243] {strides = array<i32>} : memref<80x128xi32, #tpu.memory_space<vmem>>, vector<1x16xi32>,
      %swap3A_245 = vector.shape_cast %swap3A_244 : vector<1x16xi32> to vector<16xi32>
      %swap3A_246 = vector.shape_cast %add3A_241 : vector<16xi32> to vector<1x16xi32>
      tpu.vector_store %arg7[%swap3A_242, %swap3A_243], %swap3A_246 {strides = array<i32>} : memref<80x128xi32, #tpu.memory_space<vmem>>, vector<1x16xi32>,
      %mul3A_247 = arith.constant 8 : i32
      %mul3A_248 = arith.muli %while3A_111, %mul3A_247 : i32
      %add3A_249 = arith.constant 2 : i32
      %add3A_250 = arith.addi %mul3A_248, %add3A_249 : i32
      %mul3A_251 = arith.constant 16 : i32
      %mul3A_252 = arith.muli %mul3A_251, %add3A_250 : i32
      %add3A_253 = vector.broadcast %mul3A_252 : i32 to vector<16xi32>
      %add3A_254 = arith.addi %add3A_23, %add3A_253 : vector<16xi32>
      %jit3A_255 = arith.constant 10000 : i32
      %eq3A_256 = arith.constant 0 : i32
      %eq3A_257 = arith.cmpi eq, %jit3A_255, %eq3A_256 : i32
      %jit3A_258 = arith.constant 1 : i32
      %select_n3A_259 = arith.select %eq3A_257, %jit3A_258, %jit3A_255 : i32
      %rem3A_260 = vector.broadcast %select_n3A_259 : i32 to vector<16xi32>
      %rem3A_261 = arith.remsi %add3A_254, %rem3A_260 : vector<16xi32>
      %ne3A_262 = arith.constant 0 : i32
      %ne3A_263 = vector.broadcast %ne3A_262 : i32 to vector<16xi32>
      %ne3A_264 = arith.cmpi ne, %rem3A_261, %ne3A_263 : vector<16xi32>
      %lt3A_265 = arith.constant 0 : i32
      %lt3A_266 = vector.broadcast %lt3A_265 : i32 to vector<16xi32>
      %lt3A_267 = arith.cmpi slt, %rem3A_261, %lt3A_266 : vector<16xi32>
      %lt3A_268 = arith.constant 0 : i32
      %lt3A_269 = arith.cmpi slt, %select_n3A_259, %lt3A_268 : i32
      %ne3A_270 = vector.broadcast %lt3A_269 : i1 to vector<16xi1>
      %ne3A_271 = vector.broadcast %ne3A_270 : vector<16xi1> to vector<16xi1>
      %ne3A_272 = arith.xori %lt3A_267, %ne3A_271 : vector<16xi1>
      %and3A_273 = arith.andi %ne3A_272, %ne3A_264 : vector<16xi1>
      %add3A_274 = vector.broadcast %select_n3A_259 : i32 to vector<16xi32>
      %add3A_275 = arith.addi %rem3A_261, %add3A_274 : vector<16xi32>
      %select_n3A_276 = arith.select %and3A_273, %add3A_275, %rem3A_261 : vector<16xi1>, vector<16xi32>
      %swap3A_277 = arith.index_cast %while3A_111 : i32 to index
      %swap3A_278 = arith.constant 32 : index
      %swap3A_279 = tpu.vector_load %arg6[%swap3A_277, %swap3A_278] {strides = array<i32>} : memref<80x128xi32, #tpu.memory_space<vmem>>, vector<1x16xi32>,
      %swap3A_280 = vector.shape_cast %swap3A_279 : vector<1x16xi32> to vector<16xi32>
      %swap3A_281 = vector.shape_cast %select_n3A_276 : vector<16xi32> to vector<1x16xi32>
      tpu.vector_store %arg6[%swap3A_277, %swap3A_278], %swap3A_281 {strides = array<i32>} : memref<80x128xi32, #tpu.memory_space<vmem>>, vector<1x16xi32>,
      %mul3A_282 = arith.constant 7 : i32
      %mul3A_283 = arith.muli %mul3A_282, %add3A_250 : i32
      %add3A_284 = vector.broadcast %mul3A_283 : i32 to vector<16xi32>
      %add3A_285 = arith.addi %add3A_23, %add3A_284 : vector<16xi32>
      %jit3A_286 = arith.constant 112 : i32
      %eq3A_287 = arith.constant 0 : i32
      %eq3A_288 = arith.cmpi eq, %jit3A_286, %eq3A_287 : i32
      %jit3A_289 = arith.constant 1 : i32
      %select_n3A_290 = arith.select %eq3A_288, %jit3A_289, %jit3A_286 : i32
      %rem3A_291 = vector.broadcast %select_n3A_290 : i32 to vector<16xi32>
      %rem3A_292 = arith.remsi %add3A_285, %rem3A_291 : vector<16xi32>
      %ne3A_293 = arith.constant 0 : i32
      %ne3A_294 = vector.broadcast %ne3A_293 : i32 to vector<16xi32>
      %ne3A_295 = arith.cmpi ne, %rem3A_292, %ne3A_294 : vector<16xi32>
      %lt3A_296 = arith.constant 0 : i32
      %lt3A_297 = vector.broadcast %lt3A_296 : i32 to vector<16xi32>
      %lt3A_298 = arith.cmpi slt, %rem3A_292, %lt3A_297 : vector<16xi32>
      %lt3A_299 = arith.constant 0 : i32
      %lt3A_300 = arith.cmpi slt, %select_n3A_290, %lt3A_299 : i32
      %ne3A_301 = vector.broadcast %lt3A_300 : i1 to vector<16xi1>
      %ne3A_302 = vector.broadcast %ne3A_301 : vector<16xi1> to vector<16xi1>
      %ne3A_303 = arith.xori %lt3A_298, %ne3A_302 : vector<16xi1>
      %and3A_304 = arith.andi %ne3A_303, %ne3A_295 : vector<16xi1>
      %add3A_305 = vector.broadcast %select_n3A_290 : i32 to vector<16xi32>
      %add3A_306 = arith.addi %rem3A_292, %add3A_305 : vector<16xi32>
      %select_n3A_307 = arith.select %and3A_304, %add3A_306, %rem3A_292 : vector<16xi1>, vector<16xi32>
      %add3A_308 = arith.constant 10000 : i32
      %add3A_309 = vector.broadcast %add3A_308 : i32 to vector<16xi32>
      %add3A_310 = arith.addi %add3A_309, %select_n3A_307 : vector<16xi32>
      %swap3A_311 = arith.index_cast %while3A_111 : i32 to index
      %swap3A_312 = arith.constant 32 : index
      %swap3A_313 = tpu.vector_load %arg7[%swap3A_311, %swap3A_312] {strides = array<i32>} : memref<80x128xi32, #tpu.memory_space<vmem>>, vector<1x16xi32>,
      %swap3A_314 = vector.shape_cast %swap3A_313 : vector<1x16xi32> to vector<16xi32>
      %swap3A_315 = vector.shape_cast %add3A_310 : vector<16xi32> to vector<1x16xi32>
      tpu.vector_store %arg7[%swap3A_311, %swap3A_312], %swap3A_315 {strides = array<i32>} : memref<80x128xi32, #tpu.memory_space<vmem>>, vector<1x16xi32>,
      %mul3A_316 = arith.constant 8 : i32
      %mul3A_317 = arith.muli %while3A_111, %mul3A_316 : i32
      %add3A_318 = arith.constant 3 : i32
      %add3A_319 = arith.addi %mul3A_317, %add3A_318 : i32
      %mul3A_320 = arith.constant 16 : i32
      %mul3A_321 = arith.muli %mul3A_320, %add3A_319 : i32
      %add3A_322 = vector.broadcast %mul3A_321 : i32 to vector<16xi32>
      %add3A_323 = arith.addi %add3A_23, %add3A_322 : vector<16xi32>
      %jit3A_324 = arith.constant 10000 : i32
      %eq3A_325 = arith.constant 0 : i32
      %eq3A_326 = arith.cmpi eq, %jit3A_324, %eq3A_325 : i32
      %jit3A_327 = arith.constant 1 : i32
      %select_n3A_328 = arith.select %eq3A_326, %jit3A_327, %jit3A_324 : i32
      %rem3A_329 = vector.broadcast %select_n3A_328 : i32 to vector<16xi32>
      %rem3A_330 = arith.remsi %add3A_323, %rem3A_329 : vector<16xi32>
      %ne3A_331 = arith.constant 0 : i32
      %ne3A_332 = vector.broadcast %ne3A_331 : i32 to vector<16xi32>
      %ne3A_333 = arith.cmpi ne, %rem3A_330, %ne3A_332 : vector<16xi32>
      %lt3A_334 = arith.constant 0 : i32
      %lt3A_335 = vector.broadcast %lt3A_334 : i32 to vector<16xi32>
      %lt3A_336 = arith.cmpi slt, %rem3A_330, %lt3A_335 : vector<16xi32>
      %lt3A_337 = arith.constant 0 : i32
      %lt3A_338 = arith.cmpi slt, %select_n3A_328, %lt3A_337 : i32
      %ne3A_339 = vector.broadcast %lt3A_338 : i1 to vector<16xi1>
      %ne3A_340 = vector.broadcast %ne3A_339 : vector<16xi1> to vector<16xi1>
      %ne3A_341 = arith.xori %lt3A_336, %ne3A_340 : vector<16xi1>
      %and3A_342 = arith.andi %ne3A_341, %ne3A_333 : vector<16xi1>
      %add3A_343 = vector.broadcast %select_n3A_328 : i32 to vector<16xi32>
      %add3A_344 = arith.addi %rem3A_330, %add3A_343 : vector<16xi32>
      %select_n3A_345 = arith.select %and3A_342, %add3A_344, %rem3A_330 : vector<16xi1>, vector<16xi32>
      %swap3A_346 = arith.index_cast %while3A_111 : i32 to index
      %swap3A_347 = arith.constant 48 : index
      %swap3A_348 = tpu.vector_load %arg6[%swap3A_346, %swap3A_347] {strides = array<i32>} : memref<80x128xi32, #tpu.memory_space<vmem>>, vector<1x16xi32>,
      %swap3A_349 = vector.shape_cast %swap3A_348 : vector<1x16xi32> to vector<16xi32>
      %swap3A_350 = vector.shape_cast %select_n3A_345 : vector<16xi32> to vector<1x16xi32>
      tpu.vector_store %arg6[%swap3A_346, %swap3A_347], %swap3A_350 {strides = array<i32>} : memref<80x128xi32, #tpu.memory_space<vmem>>, vector<1x16xi32>,
      %mul3A_351 = arith.constant 7 : i32
      %mul3A_352 = arith.muli %mul3A_351, %add3A_319 : i32
      %add3A_353 = vector.broadcast %mul3A_352 : i32 to vector<16xi32>
      %add3A_354 = arith.addi %add3A_23, %add3A_353 : vector<16xi32>
      %jit3A_355 = arith.constant 112 : i32
      %eq3A_356 = arith.constant 0 : i32
      %eq3A_357 = arith.cmpi eq, %jit3A_355, %eq3A_356 : i32
      %jit3A_358 = arith.constant 1 : i32
      %select_n3A_359 = arith.select %eq3A_357, %jit3A_358, %jit3A_355 : i32
      %rem3A_360 = vector.broadcast %select_n3A_359 : i32 to vector<16xi32>
      %rem3A_361 = arith.remsi %add3A_354, %rem3A_360 : vector<16xi32>
      %ne3A_362 = arith.constant 0 : i32
      %ne3A_363 = vector.broadcast %ne3A_362 : i32 to vector<16xi32>
      %ne3A_364 = arith.cmpi ne, %rem3A_361, %ne3A_363 : vector<16xi32>
      %lt3A_365 = arith.constant 0 : i32
      %lt3A_366 = vector.broadcast %lt3A_365 : i32 to vector<16xi32>
      %lt3A_367 = arith.cmpi slt, %rem3A_361, %lt3A_366 : vector<16xi32>
      %lt3A_368 = arith.constant 0 : i32
      %lt3A_369 = arith.cmpi slt, %select_n3A_359, %lt3A_368 : i32
      %ne3A_370 = vector.broadcast %lt3A_369 : i1 to vector<16xi1>
      %ne3A_371 = vector.broadcast %ne3A_370 : vector<16xi1> to vector<16xi1>
      %ne3A_372 = arith.xori %lt3A_367, %ne3A_371 : vector<16xi1>
      %and3A_373 = arith.andi %ne3A_372, %ne3A_364 : vector<16xi1>
      %add3A_374 = vector.broadcast %select_n3A_359 : i32 to vector<16xi32>
      %add3A_375 = arith.addi %rem3A_361, %add3A_374 : vector<16xi32>
      %select_n3A_376 = arith.select %and3A_373, %add3A_375, %rem3A_361 : vector<16xi1>, vector<16xi32>
      %add3A_377 = arith.constant 10000 : i32
      %add3A_378 = vector.broadcast %add3A_377 : i32 to vector<16xi32>
      %add3A_379 = arith.addi %add3A_378, %select_n3A_376 : vector<16xi32>
      %swap3A_380 = arith.index_cast %while3A_111 : i32 to index
      %swap3A_381 = arith.constant 48 : index
      %swap3A_382 = tpu.vector_load %arg7[%swap3A_380, %swap3A_381] {strides = array<i32>} : memref<80x128xi32, #tpu.memory_space<vmem>>, vector<1x16xi32>,
      %swap3A_383 = vector.shape_cast %swap3A_382 : vector<1x16xi32> to vector<16xi32>
      %swap3A_384 = vector.shape_cast %add3A_379 : vector<16xi32> to vector<1x16xi32>
      tpu.vector_store %arg7[%swap3A_380, %swap3A_381], %swap3A_384 {strides = array<i32>} : memref<80x128xi32, #tpu.memory_space<vmem>>, vector<1x16xi32>,
      %mul3A_385 = arith.constant 8 : i32
      %mul3A_386 = arith.muli %while3A_111, %mul3A_385 : i32
      %add3A_387 = arith.constant 4 : i32
      %add3A_388 = arith.addi %mul3A_386, %add3A_387 : i32
      %mul3A_389 = arith.constant 16 : i32
      %mul3A_390 = arith.muli %mul3A_389, %add3A_388 : i32
      %add3A_391 = vector.broadcast %mul3A_390 : i32 to vector<16xi32>
      %add3A_392 = arith.addi %add3A_23, %add3A_391 : vector<16xi32>
      %jit3A_393 = arith.constant 10000 : i32
      %eq3A_394 = arith.constant 0 : i32
      %eq3A_395 = arith.cmpi eq, %jit3A_393, %eq3A_394 : i32
      %jit3A_396 = arith.constant 1 : i32
      %select_n3A_397 = arith.select %eq3A_395, %jit3A_396, %jit3A_393 : i32
      %rem3A_398 = vector.broadcast %select_n3A_397 : i32 to vector<16xi32>
      %rem3A_399 = arith.remsi %add3A_392, %rem3A_398 : vector<16xi32>
      %ne3A_400 = arith.constant 0 : i32
      %ne3A_401 = vector.broadcast %ne3A_400 : i32 to vector<16xi32>
      %ne3A_402 = arith.cmpi ne, %rem3A_399, %ne3A_401 : vector<16xi32>
      %lt3A_403 = arith.constant 0 : i32
      %lt3A_404 = vector.broadcast %lt3A_403 : i32 to vector<16xi32>
      %lt3A_405 = arith.cmpi slt, %rem3A_399, %lt3A_404 : vector<16xi32>
      %lt3A_406 = arith.constant 0 : i32
      %lt3A_407 = arith.cmpi slt, %select_n3A_397, %lt3A_406 : i32
      %ne3A_408 = vector.broadcast %lt3A_407 : i1 to vector<16xi1>
      %ne3A_409 = vector.broadcast %ne3A_408 : vector<16xi1> to vector<16xi1>
      %ne3A_410 = arith.xori %lt3A_405, %ne3A_409 : vector<16xi1>
      %and3A_411 = arith.andi %ne3A_410, %ne3A_402 : vector<16xi1>
      %add3A_412 = vector.broadcast %select_n3A_397 : i32 to vector<16xi32>
      %add3A_413 = arith.addi %rem3A_399, %add3A_412 : vector<16xi32>
      %select_n3A_414 = arith.select %and3A_411, %add3A_413, %rem3A_399 : vector<16xi1>, vector<16xi32>
      %swap3A_415 = arith.index_cast %while3A_111 : i32 to index
      %swap3A_416 = arith.constant 64 : index
      %swap3A_417 = tpu.vector_load %arg6[%swap3A_415, %swap3A_416] {strides = array<i32>} : memref<80x128xi32, #tpu.memory_space<vmem>>, vector<1x16xi32>,
      %swap3A_418 = vector.shape_cast %swap3A_417 : vector<1x16xi32> to vector<16xi32>
      %swap3A_419 = vector.shape_cast %select_n3A_414 : vector<16xi32> to vector<1x16xi32>
      tpu.vector_store %arg6[%swap3A_415, %swap3A_416], %swap3A_419 {strides = array<i32>} : memref<80x128xi32, #tpu.memory_space<vmem>>, vector<1x16xi32>,
      %mul3A_420 = arith.constant 7 : i32
      %mul3A_421 = arith.muli %mul3A_420, %add3A_388 : i32
      %add3A_422 = vector.broadcast %mul3A_421 : i32 to vector<16xi32>
      %add3A_423 = arith.addi %add3A_23, %add3A_422 : vector<16xi32>
      %jit3A_424 = arith.constant 112 : i32
      %eq3A_425 = arith.constant 0 : i32
      %eq3A_426 = arith.cmpi eq, %jit3A_424, %eq3A_425 : i32
      %jit3A_427 = arith.constant 1 : i32
      %select_n3A_428 = arith.select %eq3A_426, %jit3A_427, %jit3A_424 : i32
      %rem3A_429 = vector.broadcast %select_n3A_428 : i32 to vector<16xi32>
      %rem3A_430 = arith.remsi %add3A_423, %rem3A_429 : vector<16xi32>
      %ne3A_431 = arith.constant 0 : i32
      %ne3A_432 = vector.broadcast %ne3A_431 : i32 to vector<16xi32>
      %ne3A_433 = arith.cmpi ne, %rem3A_430, %ne3A_432 : vector<16xi32>
      %lt3A_434 = arith.constant 0 : i32
      %lt3A_435 = vector.broadcast %lt3A_434 : i32 to vector<16xi32>
      %lt3A_436 = arith.cmpi slt, %rem3A_430, %lt3A_435 : vector<16xi32>
      %lt3A_437 = arith.constant 0 : i32
      %lt3A_438 = arith.cmpi slt, %select_n3A_428, %lt3A_437 : i32
      %ne3A_439 = vector.broadcast %lt3A_438 : i1 to vector<16xi1>
      %ne3A_440 = vector.broadcast %ne3A_439 : vector<16xi1> to vector<16xi1>
      %ne3A_441 = arith.xori %lt3A_436, %ne3A_440 : vector<16xi1>
      %and3A_442 = arith.andi %ne3A_441, %ne3A_433 : vector<16xi1>
      %add3A_443 = vector.broadcast %select_n3A_428 : i32 to vector<16xi32>
      %add3A_444 = arith.addi %rem3A_430, %add3A_443 : vector<16xi32>
      %select_n3A_445 = arith.select %and3A_442, %add3A_444, %rem3A_430 : vector<16xi1>, vector<16xi32>
      %add3A_446 = arith.constant 10000 : i32
      %add3A_447 = vector.broadcast %add3A_446 : i32 to vector<16xi32>
      %add3A_448 = arith.addi %add3A_447, %select_n3A_445 : vector<16xi32>
      %swap3A_449 = arith.index_cast %while3A_111 : i32 to index
      %swap3A_450 = arith.constant 64 : index
      %swap3A_451 = tpu.vector_load %arg7[%swap3A_449, %swap3A_450] {strides = array<i32>} : memref<80x128xi32, #tpu.memory_space<vmem>>, vector<1x16xi32>,
      %swap3A_452 = vector.shape_cast %swap3A_451 : vector<1x16xi32> to vector<16xi32>
      %swap3A_453 = vector.shape_cast %add3A_448 : vector<16xi32> to vector<1x16xi32>
      tpu.vector_store %arg7[%swap3A_449, %swap3A_450], %swap3A_453 {strides = array<i32>} : memref<80x128xi32, #tpu.memory_space<vmem>>, vector<1x16xi32>,
      %mul3A_454 = arith.constant 8 : i32
      %mul3A_455 = arith.muli %while3A_111, %mul3A_454 : i32
      %add3A_456 = arith.constant 5 : i32
      %add3A_457 = arith.addi %mul3A_455, %add3A_456 : i32
      %mul3A_458 = arith.constant 16 : i32
      %mul3A_459 = arith.muli %mul3A_458, %add3A_457 : i32
      %add3A_460 = vector.broadcast %mul3A_459 : i32 to vector<16xi32>
      %add3A_461 = arith.addi %add3A_23, %add3A_460 : vector<16xi32>
      %jit3A_462 = arith.constant 10000 : i32
      %eq3A_463 = arith.constant 0 : i32
      %eq3A_464 = arith.cmpi eq, %jit3A_462, %eq3A_463 : i32
      %jit3A_465 = arith.constant 1 : i32
      %select_n3A_466 = arith.select %eq3A_464, %jit3A_465, %jit3A_462 : i32
      %rem3A_467 = vector.broadcast %select_n3A_466 : i32 to vector<16xi32>
      %rem3A_468 = arith.remsi %add3A_461, %rem3A_467 : vector<16xi32>
      %ne3A_469 = arith.constant 0 : i32
      %ne3A_470 = vector.broadcast %ne3A_469 : i32 to vector<16xi32>
      %ne3A_471 = arith.cmpi ne, %rem3A_468, %ne3A_470 : vector<16xi32>
      %lt3A_472 = arith.constant 0 : i32
      %lt3A_473 = vector.broadcast %lt3A_472 : i32 to vector<16xi32>
      %lt3A_474 = arith.cmpi slt, %rem3A_468, %lt3A_473 : vector<16xi32>
      %lt3A_475 = arith.constant 0 : i32
      %lt3A_476 = arith.cmpi slt, %select_n3A_466, %lt3A_475 : i32
      %ne3A_477 = vector.broadcast %lt3A_476 : i1 to vector<16xi1>
      %ne3A_478 = vector.broadcast %ne3A_477 : vector<16xi1> to vector<16xi1>
      %ne3A_479 = arith.xori %lt3A_474, %ne3A_478 : vector<16xi1>
      %and3A_480 = arith.andi %ne3A_479, %ne3A_471 : vector<16xi1>
      %add3A_481 = vector.broadcast %select_n3A_466 : i32 to vector<16xi32>
      %add3A_482 = arith.addi %rem3A_468, %add3A_481 : vector<16xi32>
      %select_n3A_483 = arith.select %and3A_480, %add3A_482, %rem3A_468 : vector<16xi1>, vector<16xi32>
      %swap3A_484 = arith.index_cast %while3A_111 : i32 to index
      %swap3A_485 = arith.constant 80 : index
      %swap3A_486 = tpu.vector_load %arg6[%swap3A_484, %swap3A_485] {strides = array<i32>} : memref<80x128xi32, #tpu.memory_space<vmem>>, vector<1x16xi32>,
      %swap3A_487 = vector.shape_cast %swap3A_486 : vector<1x16xi32> to vector<16xi32>
      %swap3A_488 = vector.shape_cast %select_n3A_483 : vector<16xi32> to vector<1x16xi32>
      tpu.vector_store %arg6[%swap3A_484, %swap3A_485], %swap3A_488 {strides = array<i32>} : memref<80x128xi32, #tpu.memory_space<vmem>>, vector<1x16xi32>,
      %mul3A_489 = arith.constant 7 : i32
      %mul3A_490 = arith.muli %mul3A_489, %add3A_457 : i32
      %add3A_491 = vector.broadcast %mul3A_490 : i32 to vector<16xi32>
      %add3A_492 = arith.addi %add3A_23, %add3A_491 : vector<16xi32>
      %jit3A_493 = arith.constant 112 : i32
      %eq3A_494 = arith.constant 0 : i32
      %eq3A_495 = arith.cmpi eq, %jit3A_493, %eq3A_494 : i32
      %jit3A_496 = arith.constant 1 : i32
      %select_n3A_497 = arith.select %eq3A_495, %jit3A_496, %jit3A_493 : i32
      %rem3A_498 = vector.broadcast %select_n3A_497 : i32 to vector<16xi32>
      %rem3A_499 = arith.remsi %add3A_492, %rem3A_498 : vector<16xi32>
      %ne3A_500 = arith.constant 0 : i32
      %ne3A_501 = vector.broadcast %ne3A_500 : i32 to vector<16xi32>
      %ne3A_502 = arith.cmpi ne, %rem3A_499, %ne3A_501 : vector<16xi32>
      %lt3A_503 = arith.constant 0 : i32
      %lt3A_504 = vector.broadcast %lt3A_503 : i32 to vector<16xi32>
      %lt3A_505 = arith.cmpi slt, %rem3A_499, %lt3A_504 : vector<16xi32>
      %lt3A_506 = arith.constant 0 : i32
      %lt3A_507 = arith.cmpi slt, %select_n3A_497, %lt3A_506 : i32
      %ne3A_508 = vector.broadcast %lt3A_507 : i1 to vector<16xi1>
      %ne3A_509 = vector.broadcast %ne3A_508 : vector<16xi1> to vector<16xi1>
      %ne3A_510 = arith.xori %lt3A_505, %ne3A_509 : vector<16xi1>
      %and3A_511 = arith.andi %ne3A_510, %ne3A_502 : vector<16xi1>
      %add3A_512 = vector.broadcast %select_n3A_497 : i32 to vector<16xi32>
      %add3A_513 = arith.addi %rem3A_499, %add3A_512 : vector<16xi32>
      %select_n3A_514 = arith.select %and3A_511, %add3A_513, %rem3A_499 : vector<16xi1>, vector<16xi32>
      %add3A_515 = arith.constant 10000 : i32
      %add3A_516 = vector.broadcast %add3A_515 : i32 to vector<16xi32>
      %add3A_517 = arith.addi %add3A_516, %select_n3A_514 : vector<16xi32>
      %swap3A_518 = arith.index_cast %while3A_111 : i32 to index
      %swap3A_519 = arith.constant 80 : index
      %swap3A_520 = tpu.vector_load %arg7[%swap3A_518, %swap3A_519] {strides = array<i32>} : memref<80x128xi32, #tpu.memory_space<vmem>>, vector<1x16xi32>,
      %swap3A_521 = vector.shape_cast %swap3A_520 : vector<1x16xi32> to vector<16xi32>
      %swap3A_522 = vector.shape_cast %add3A_517 : vector<16xi32> to vector<1x16xi32>
      tpu.vector_store %arg7[%swap3A_518, %swap3A_519], %swap3A_522 {strides = array<i32>} : memref<80x128xi32, #tpu.memory_space<vmem>>, vector<1x16xi32>,
      %mul3A_523 = arith.constant 8 : i32
      %mul3A_524 = arith.muli %while3A_111, %mul3A_523 : i32
      %add3A_525 = arith.constant 6 : i32
      %add3A_526 = arith.addi %mul3A_524, %add3A_525 : i32
      %mul3A_527 = arith.constant 16 : i32
      %mul3A_528 = arith.muli %mul3A_527, %add3A_526 : i32
      %add3A_529 = vector.broadcast %mul3A_528 : i32 to vector<16xi32>
      %add3A_530 = arith.addi %add3A_23, %add3A_529 : vector<16xi32>
      %jit3A_531 = arith.constant 10000 : i32
      %eq3A_532 = arith.constant 0 : i32
      %eq3A_533 = arith.cmpi eq, %jit3A_531, %eq3A_532 : i32
      %jit3A_534 = arith.constant 1 : i32
      %select_n3A_535 = arith.select %eq3A_533, %jit3A_534, %jit3A_531 : i32
      %rem3A_536 = vector.broadcast %select_n3A_535 : i32 to vector<16xi32>
      %rem3A_537 = arith.remsi %add3A_530, %rem3A_536 : vector<16xi32>
      %ne3A_538 = arith.constant 0 : i32
      %ne3A_539 = vector.broadcast %ne3A_538 : i32 to vector<16xi32>
      %ne3A_540 = arith.cmpi ne, %rem3A_537, %ne3A_539 : vector<16xi32>
      %lt3A_541 = arith.constant 0 : i32
      %lt3A_542 = vector.broadcast %lt3A_541 : i32 to vector<16xi32>
      %lt3A_543 = arith.cmpi slt, %rem3A_537, %lt3A_542 : vector<16xi32>
      %lt3A_544 = arith.constant 0 : i32
      %lt3A_545 = arith.cmpi slt, %select_n3A_535, %lt3A_544 : i32
      %ne3A_546 = vector.broadcast %lt3A_545 : i1 to vector<16xi1>
      %ne3A_547 = vector.broadcast %ne3A_546 : vector<16xi1> to vector<16xi1>
      %ne3A_548 = arith.xori %lt3A_543, %ne3A_547 : vector<16xi1>
      %and3A_549 = arith.andi %ne3A_548, %ne3A_540 : vector<16xi1>
      %add3A_550 = vector.broadcast %select_n3A_535 : i32 to vector<16xi32>
      %add3A_551 = arith.addi %rem3A_537, %add3A_550 : vector<16xi32>
      %select_n3A_552 = arith.select %and3A_549, %add3A_551, %rem3A_537 : vector<16xi1>, vector<16xi32>
      %swap3A_553 = arith.index_cast %while3A_111 : i32 to index
      %swap3A_554 = arith.constant 96 : index
      %swap3A_555 = tpu.vector_load %arg6[%swap3A_553, %swap3A_554] {strides = array<i32>} : memref<80x128xi32, #tpu.memory_space<vmem>>, vector<1x16xi32>,
      %swap3A_556 = vector.shape_cast %swap3A_555 : vector<1x16xi32> to vector<16xi32>
      %swap3A_557 = vector.shape_cast %select_n3A_552 : vector<16xi32> to vector<1x16xi32>
      tpu.vector_store %arg6[%swap3A_553, %swap3A_554], %swap3A_557 {strides = array<i32>} : memref<80x128xi32, #tpu.memory_space<vmem>>, vector<1x16xi32>,
      %mul3A_558 = arith.constant 7 : i32
      %mul3A_559 = arith.muli %mul3A_558, %add3A_526 : i32
      %add3A_560 = vector.broadcast %mul3A_559 : i32 to vector<16xi32>
      %add3A_561 = arith.addi %add3A_23, %add3A_560 : vector<16xi32>
      %jit3A_562 = arith.constant 112 : i32
      %eq3A_563 = arith.constant 0 : i32
      %eq3A_564 = arith.cmpi eq, %jit3A_562, %eq3A_563 : i32
      %jit3A_565 = arith.constant 1 : i32
      %select_n3A_566 = arith.select %eq3A_564, %jit3A_565, %jit3A_562 : i32
      %rem3A_567 = vector.broadcast %select_n3A_566 : i32 to vector<16xi32>
      %rem3A_568 = arith.remsi %add3A_561, %rem3A_567 : vector<16xi32>
      %ne3A_569 = arith.constant 0 : i32
      %ne3A_570 = vector.broadcast %ne3A_569 : i32 to vector<16xi32>
      %ne3A_571 = arith.cmpi ne, %rem3A_568, %ne3A_570 : vector<16xi32>
      %lt3A_572 = arith.constant 0 : i32
      %lt3A_573 = vector.broadcast %lt3A_572 : i32 to vector<16xi32>
      %lt3A_574 = arith.cmpi slt, %rem3A_568, %lt3A_573 : vector<16xi32>
      %lt3A_575 = arith.constant 0 : i32
      %lt3A_576 = arith.cmpi slt, %select_n3A_566, %lt3A_575 : i32
      %ne3A_577 = vector.broadcast %lt3A_576 : i1 to vector<16xi1>
      %ne3A_578 = vector.broadcast %ne3A_577 : vector<16xi1> to vector<16xi1>
      %ne3A_579 = arith.xori %lt3A_574, %ne3A_578 : vector<16xi1>
      %and3A_580 = arith.andi %ne3A_579, %ne3A_571 : vector<16xi1>
      %add3A_581 = vector.broadcast %select_n3A_566 : i32 to vector<16xi32>
      %add3A_582 = arith.addi %rem3A_568, %add3A_581 : vector<16xi32>
      %select_n3A_583 = arith.select %and3A_580, %add3A_582, %rem3A_568 : vector<16xi1>, vector<16xi32>
      %add3A_584 = arith.constant 10000 : i32
      %add3A_585 = vector.broadcast %add3A_584 : i32 to vector<16xi32>
      %add3A_586 = arith.addi %add3A_585, %select_n3A_583 : vector<16xi32>
      %swap3A_587 = arith.index_cast %while3A_111 : i32 to index
      %swap3A_588 = arith.constant 96 : index
      %swap3A_589 = tpu.vector_load %arg7[%swap3A_587, %swap3A_588] {strides = array<i32>} : memref<80x128xi32, #tpu.memory_space<vmem>>, vector<1x16xi32>,
      %swap3A_590 = vector.shape_cast %swap3A_589 : vector<1x16xi32> to vector<16xi32>
      %swap3A_591 = vector.shape_cast %add3A_586 : vector<16xi32> to vector<1x16xi32>
      tpu.vector_store %arg7[%swap3A_587, %swap3A_588], %swap3A_591 {strides = array<i32>} : memref<80x128xi32, #tpu.memory_space<vmem>>, vector<1x16xi32>,
      %mul3A_592 = arith.constant 8 : i32
      %mul3A_593 = arith.muli %while3A_111, %mul3A_592 : i32
      %add3A_594 = arith.constant 7 : i32
      %add3A_595 = arith.addi %mul3A_593, %add3A_594 : i32
      %mul3A_596 = arith.constant 16 : i32
      %mul3A_597 = arith.muli %mul3A_596, %add3A_595 : i32
      %add3A_598 = vector.broadcast %mul3A_597 : i32 to vector<16xi32>
      %add3A_599 = arith.addi %add3A_23, %add3A_598 : vector<16xi32>
      %jit3A_600 = arith.constant 10000 : i32
      %eq3A_601 = arith.constant 0 : i32
      %eq3A_602 = arith.cmpi eq, %jit3A_600, %eq3A_601 : i32
      %jit3A_603 = arith.constant 1 : i32
      %select_n3A_604 = arith.select %eq3A_602, %jit3A_603, %jit3A_600 : i32
      %rem3A_605 = vector.broadcast %select_n3A_604 : i32 to vector<16xi32>
      %rem3A_606 = arith.remsi %add3A_599, %rem3A_605 : vector<16xi32>
      %ne3A_607 = arith.constant 0 : i32
      %ne3A_608 = vector.broadcast %ne3A_607 : i32 to vector<16xi32>
      %ne3A_609 = arith.cmpi ne, %rem3A_606, %ne3A_608 : vector<16xi32>
      %lt3A_610 = arith.constant 0 : i32
      %lt3A_611 = vector.broadcast %lt3A_610 : i32 to vector<16xi32>
      %lt3A_612 = arith.cmpi slt, %rem3A_606, %lt3A_611 : vector<16xi32>
      %lt3A_613 = arith.constant 0 : i32
      %lt3A_614 = arith.cmpi slt, %select_n3A_604, %lt3A_613 : i32
      %ne3A_615 = vector.broadcast %lt3A_614 : i1 to vector<16xi1>
      %ne3A_616 = vector.broadcast %ne3A_615 : vector<16xi1> to vector<16xi1>
      %ne3A_617 = arith.xori %lt3A_612, %ne3A_616 : vector<16xi1>
      %and3A_618 = arith.andi %ne3A_617, %ne3A_609 : vector<16xi1>
      %add3A_619 = vector.broadcast %select_n3A_604 : i32 to vector<16xi32>
      %add3A_620 = arith.addi %rem3A_606, %add3A_619 : vector<16xi32>
      %select_n3A_621 = arith.select %and3A_618, %add3A_620, %rem3A_606 : vector<16xi1>, vector<16xi32>
      %swap3A_622 = arith.index_cast %while3A_111 : i32 to index
      %swap3A_623 = arith.constant 112 : index
      %swap3A_624 = tpu.vector_load %arg6[%swap3A_622, %swap3A_623] {strides = array<i32>} : memref<80x128xi32, #tpu.memory_space<vmem>>, vector<1x16xi32>,
      %swap3A_625 = vector.shape_cast %swap3A_624 : vector<1x16xi32> to vector<16xi32>
      %swap3A_626 = vector.shape_cast %select_n3A_621 : vector<16xi32> to vector<1x16xi32>
      tpu.vector_store %arg6[%swap3A_622, %swap3A_623], %swap3A_626 {strides = array<i32>} : memref<80x128xi32, #tpu.memory_space<vmem>>, vector<1x16xi32>,
      %mul3A_627 = arith.constant 7 : i32
      %mul3A_628 = arith.muli %mul3A_627, %add3A_595 : i32
      %add3A_629 = vector.broadcast %mul3A_628 : i32 to vector<16xi32>
      %add3A_630 = arith.addi %add3A_23, %add3A_629 : vector<16xi32>
      %jit3A_631 = arith.constant 112 : i32
      %eq3A_632 = arith.constant 0 : i32
      %eq3A_633 = arith.cmpi eq, %jit3A_631, %eq3A_632 : i32
      %jit3A_634 = arith.constant 1 : i32
      %select_n3A_635 = arith.select %eq3A_633, %jit3A_634, %jit3A_631 : i32
      %rem3A_636 = vector.broadcast %select_n3A_635 : i32 to vector<16xi32>
      %rem3A_637 = arith.remsi %add3A_630, %rem3A_636 : vector<16xi32>
      %ne3A_638 = arith.constant 0 : i32
      %ne3A_639 = vector.broadcast %ne3A_638 : i32 to vector<16xi32>
      %ne3A_640 = arith.cmpi ne, %rem3A_637, %ne3A_639 : vector<16xi32>
      %lt3A_641 = arith.constant 0 : i32
      %lt3A_642 = vector.broadcast %lt3A_641 : i32 to vector<16xi32>
      %lt3A_643 = arith.cmpi slt, %rem3A_637, %lt3A_642 : vector<16xi32>
      %lt3A_644 = arith.constant 0 : i32
      %lt3A_645 = arith.cmpi slt, %select_n3A_635, %lt3A_644 : i32
      %ne3A_646 = vector.broadcast %lt3A_645 : i1 to vector<16xi1>
      %ne3A_647 = vector.broadcast %ne3A_646 : vector<16xi1> to vector<16xi1>
      %ne3A_648 = arith.xori %lt3A_643, %ne3A_647 : vector<16xi1>
      %and3A_649 = arith.andi %ne3A_648, %ne3A_640 : vector<16xi1>
      %add3A_650 = vector.broadcast %select_n3A_635 : i32 to vector<16xi32>
      %add3A_651 = arith.addi %rem3A_637, %add3A_650 : vector<16xi32>
      %select_n3A_652 = arith.select %and3A_649, %add3A_651, %rem3A_637 : vector<16xi1>, vector<16xi32>
      %add3A_653 = arith.constant 10000 : i32
      %add3A_654 = vector.broadcast %add3A_653 : i32 to vector<16xi32>
      %add3A_655 = arith.addi %add3A_654, %select_n3A_652 : vector<16xi32>
      %swap3A_656 = arith.index_cast %while3A_111 : i32 to index
      %swap3A_657 = arith.constant 112 : index
      %swap3A_658 = tpu.vector_load %arg7[%swap3A_656, %swap3A_657] {strides = array<i32>} : memref<80x128xi32, #tpu.memory_space<vmem>>, vector<1x16xi32>,
      %swap3A_659 = vector.shape_cast %swap3A_658 : vector<1x16xi32> to vector<16xi32>
      %swap3A_660 = vector.shape_cast %add3A_655 : vector<16xi32> to vector<1x16xi32>
      tpu.vector_store %arg7[%swap3A_656, %swap3A_657], %swap3A_660 {strides = array<i32>} : memref<80x128xi32, #tpu.memory_space<vmem>>, vector<1x16xi32>,
    }
    %eq3A = arith.constant 0 : i32
    %eq3A_34 = arith.cmpi eq, %arg0, %eq3A : i32
    %convert_element_type3A = arith.extui %eq3A_34 : i1 to i32
    %cond3A = arith.constant 0 : i32
    %cond3A_35 = arith.cmpi ne, %convert_element_type3A, %cond3A : i32
    scf.if %cond3A_35 {
      "tpu.region"() ({
        %run_scoped3A = tpu.sem_alloc : memref<!tpu.dma_semaphore, #tpu.memory_space<semaphore_mem>>
        %dma_start3A_111 = arith.constant 0 : i32
        %dma_start3A_112 = tpu.memref_slice %arg3[%mul3A_2, %dma_start3A_111] : memref<10112x16xf32, #tpu.memory_space<hbm>> -> memref<632x16xf32, #tpu.memory_space<hbm>>
        %dma_start3A_113 = arith.constant 0 : i32
        %dma_start3A_114 = tpu.memref_slice %arg3[%mul3A_2, %dma_start3A_113] : memref<10112x16xf32, #tpu.memory_space<hbm>> -> memref<632x16xf32, #tpu.memory_space<hbm>>
        tpu.enqueue_dma source(%dma_start3A_114 : memref<632x16xf32, #tpu.memory_space<hbm>>) target(%arg16 : memref<632x16xf32, #tpu.memory_space<vmem>>) target_semaphore(%run_scoped3A : memref<!tpu.dma_semaphore, #tpu.memory_space<semaphore_mem>>)
        %dma_wait3A = arith.constant 0 : i32
        %dma_wait3A_115 = tpu.memref_slice %arg3[%mul3A_2, %dma_wait3A] : memref<10112x16xf32, #tpu.memory_space<hbm>> -> memref<632x16xf32, #tpu.memory_space<hbm>>
        %dma_wait3A_116 = arith.constant 0 : i32
        %dma_wait3A_117 = tpu.memref_slice %arg3[%mul3A_2, %dma_wait3A_116] : memref<10112x16xf32, #tpu.memory_space<hbm>> -> memref<632x16xf32, #tpu.memory_space<hbm>>
        tpu.wait_dma2 semaphore(%run_scoped3A : memref<!tpu.dma_semaphore, #tpu.memory_space<semaphore_mem>>) src(%dma_wait3A_117 : memref<632x16xf32, #tpu.memory_space<hbm>>) dst(%arg16 : memref<632x16xf32, #tpu.memory_space<vmem>>)
        tpu.yield
      }) : () -> ()
    } else {
    }
    %ne3A = arith.constant 0 : i32
    %ne3A_36 = arith.cmpi ne, %arg0, %ne3A : i32
    %convert_element_type3A_37 = arith.extui %ne3A_36 : i1 to i32
    %cond3A_38 = arith.constant 0 : i32
    %cond3A_39 = arith.cmpi ne, %convert_element_type3A_37, %cond3A_38 : i32
    scf.if %cond3A_39 {
      %broadcast_in_dim3A = arith.constant 0.000000e+00 : f32
      %broadcast_in_dim3A_111 = vector.broadcast %broadcast_in_dim3A : f32 to vector<16xf32>
      %scan3A_112 = arith.constant 0 : i32
      %scan3A_113 = arith.constant 0 : i32
      %scan3A_114 = arith.constant 632 : i32
      %scan3A_115 = arith.addi %scan3A_113, %scan3A_114 : i32
      %scan3A_116 = arith.constant 1 : i32
      scf.for %scan3A_118 = %scan3A_113 to %scan3A_115 step %scan3A_116  : i32 {
        %swap3A = arith.index_cast %scan3A_118 : i32 to index
        %swap3A_119 = arith.constant 0 : index
        %swap3A_120 = tpu.vector_load %arg16[%swap3A, %swap3A_119] {strides = array<i32>} : memref<632x16xf32, #tpu.memory_space<vmem>>, vector<1x16xf32>,
        %swap3A_121 = vector.shape_cast %swap3A_120 : vector<1x16xf32> to vector<16xf32>
        %swap3A_122 = vector.shape_cast %broadcast_in_dim3A_111 : vector<16xf32> to vector<1x16xf32>
        tpu.vector_store %arg16[%swap3A, %swap3A_119], %swap3A_122 {strides = array<i32>} : memref<632x16xf32, #tpu.memory_space<vmem>>, vector<1x16xf32>,
      }
      %scan3A_117 = arith.constant 632 : i32
    } else {
    }
    "tpu.region"() ({
      %run_scoped3A = tpu.sem_alloc : memref<!tpu.dma_semaphore, #tpu.memory_space<semaphore_mem>>
      %dma_start3A_111 = arith.constant 0 : i32
      %dma_start3A_112 = tpu.memref_slice %arg17[%mul3A_2, %dma_start3A_111] : memref<10112x16xf32, #tpu.memory_space<vmem_shared>> -> memref<632x16xf32, #tpu.memory_space<vmem_shared>>
      %dma_start3A_113 = arith.constant 0 : i32
      %dma_start3A_114 = tpu.memref_slice %arg17[%mul3A_2, %dma_start3A_113] : memref<10112x16xf32, #tpu.memory_space<vmem_shared>> -> memref<632x16xf32, #tpu.memory_space<vmem_shared>>
      tpu.enqueue_dma source(%arg16 : memref<632x16xf32, #tpu.memory_space<vmem>>) target(%dma_start3A_114 : memref<632x16xf32, #tpu.memory_space<vmem_shared>>) target_semaphore(%run_scoped3A : memref<!tpu.dma_semaphore, #tpu.memory_space<semaphore_mem>>)
      %dma_wait3A = arith.constant 0 : i32
      %dma_wait3A_115 = tpu.memref_slice %arg17[%mul3A_2, %dma_wait3A] : memref<10112x16xf32, #tpu.memory_space<vmem_shared>> -> memref<632x16xf32, #tpu.memory_space<vmem_shared>>
      %dma_wait3A_116 = arith.constant 0 : i32
      %dma_wait3A_117 = tpu.memref_slice %arg17[%mul3A_2, %dma_wait3A_116] : memref<10112x16xf32, #tpu.memory_space<vmem_shared>> -> memref<632x16xf32, #tpu.memory_space<vmem_shared>>
      tpu.wait_dma2 semaphore(%run_scoped3A : memref<!tpu.dma_semaphore, #tpu.memory_space<semaphore_mem>>) src(%arg16 : memref<632x16xf32, #tpu.memory_space<vmem>>) dst(%dma_wait3A_117 : memref<632x16xf32, #tpu.memory_space<vmem_shared>>)
      tpu.yield
    }) : () -> ()
    %while3A_40 = arith.constant 0 : i32
    %while3A_41 = arith.constant 0 : i32
    %while3A_42 = arith.subi %add3A_6, %while3A_41 : i32
    %while3A_43 = arith.addi %while3A_41, %while3A_42 : i32
    %while3A_44 = arith.constant 1 : i32
    %while3A_45 = arith.divsi %while3A_42, %while3A_44 : i32
    %while3A_46 = arith.muli %while3A_45, %while3A_44 : i32
    %while3A_47 = arith.addi %while3A_41, %while3A_46 : i32
    %while3A_48 = arith.constant 1 : i32
    scf.for %while3A_111 = %while3A_41 to %while3A_47 step %while3A_48  : i32 {
      %dma_wait3A = arith.constant 0 : i32
      %dma_wait3A_112 = arith.constant 0 : i32
      %dma_wait3A_113 = arith.constant 0 : i32
      %dma_wait3A_114 = tpu.memref_slice %arg6[%dma_wait3A_112, %dma_wait3A_113] : memref<80x128xi32, #tpu.memory_space<vmem>> -> memref<1x128xi32, #tpu.memory_space<vmem>>
      %dma_wait3A_115 = tpu.memref_squeeze %dma_wait3A_114 : memref<1x128xi32, #tpu.memory_space<vmem>> -> memref<128xi32, #tpu.memory_space<vmem>>
      %dma_wait3A_116 = arith.constant 0 : i32
      %dma_wait3A_117 = tpu.memref_slice %arg4[%dma_wait3A, %dma_wait3A_116] : memref<5000x128xi32, #tpu.memory_space<hbm>> -> memref<1x128xi32, #tpu.memory_space<hbm>>
      %dma_wait3A_118 = tpu.memref_squeeze %dma_wait3A_117 : memref<1x128xi32, #tpu.memory_space<hbm>> -> memref<128xi32, #tpu.memory_space<hbm>>
      %dma_wait3A_119 = arith.constant 0 : i32
      %dma_wait3A_120 = tpu.memref_slice %arg6[%dma_wait3A_112, %dma_wait3A_119] : memref<80x128xi32, #tpu.memory_space<vmem>> -> memref<1x128xi32, #tpu.memory_space<vmem>>
      %dma_wait3A_121 = tpu.memref_squeeze %dma_wait3A_120 : memref<1x128xi32, #tpu.memory_space<vmem>> -> memref<128xi32, #tpu.memory_space<vmem>>
      %dma_wait3A_122 = arith.constant 0 : i32
      %dma_wait3A_123 = tpu.memref_slice %arg4[%dma_wait3A, %dma_wait3A_122] : memref<5000x128xi32, #tpu.memory_space<hbm>> -> memref<1x128xi32, #tpu.memory_space<hbm>>
      %dma_wait3A_124 = tpu.memref_squeeze %dma_wait3A_123 : memref<1x128xi32, #tpu.memory_space<hbm>> -> memref<128xi32, #tpu.memory_space<hbm>>
      tpu.wait_dma2 semaphore(%arg27 : memref<!tpu.dma_semaphore, #tpu.memory_space<semaphore_mem>>) src(%dma_wait3A_124 : memref<128xi32, #tpu.memory_space<hbm>>) dst(%dma_wait3A_121 : memref<128xi32, #tpu.memory_space<vmem>>)
      %dma_wait3A_125 = arith.constant 0 : i32
      %dma_wait3A_126 = arith.constant 0 : i32
      %dma_wait3A_127 = arith.constant 0 : i32
      %dma_wait3A_128 = tpu.memref_slice %arg7[%dma_wait3A_126, %dma_wait3A_127] : memref<80x128xi32, #tpu.memory_space<vmem>> -> memref<1x128xi32, #tpu.memory_space<vmem>>
      %dma_wait3A_129 = tpu.memref_squeeze %dma_wait3A_128 : memref<1x128xi32, #tpu.memory_space<vmem>> -> memref<128xi32, #tpu.memory_space<vmem>>
      %dma_wait3A_130 = arith.constant 0 : i32
      %dma_wait3A_131 = tpu.memref_slice %arg4[%dma_wait3A_125, %dma_wait3A_130] : memref<5000x128xi32, #tpu.memory_space<hbm>> -> memref<1x128xi32, #tpu.memory_space<hbm>>
      %dma_wait3A_132 = tpu.memref_squeeze %dma_wait3A_131 : memref<1x128xi32, #tpu.memory_space<hbm>> -> memref<128xi32, #tpu.memory_space<hbm>>
      %dma_wait3A_133 = arith.constant 0 : i32
      %dma_wait3A_134 = tpu.memref_slice %arg7[%dma_wait3A_126, %dma_wait3A_133] : memref<80x128xi32, #tpu.memory_space<vmem>> -> memref<1x128xi32, #tpu.memory_space<vmem>>
      %dma_wait3A_135 = tpu.memref_squeeze %dma_wait3A_134 : memref<1x128xi32, #tpu.memory_space<vmem>> -> memref<128xi32, #tpu.memory_space<vmem>>
      %dma_wait3A_136 = arith.constant 0 : i32
      %dma_wait3A_137 = tpu.memref_slice %arg4[%dma_wait3A_125, %dma_wait3A_136] : memref<5000x128xi32, #tpu.memory_space<hbm>> -> memref<1x128xi32, #tpu.memory_space<hbm>>
      %dma_wait3A_138 = tpu.memref_squeeze %dma_wait3A_137 : memref<1x128xi32, #tpu.memory_space<hbm>> -> memref<128xi32, #tpu.memory_space<hbm>>
      tpu.wait_dma2 semaphore(%arg27 : memref<!tpu.dma_semaphore, #tpu.memory_space<semaphore_mem>>) src(%dma_wait3A_138 : memref<128xi32, #tpu.memory_space<hbm>>) dst(%dma_wait3A_135 : memref<128xi32, #tpu.memory_space<vmem>>)
    }
    %while3A_49 = arith.constant 1 : i32
    scf.for %while3A_111 = %while3A_47 to %while3A_43 step %while3A_49  : i32 {
      %dma_wait3A = arith.constant 0 : i32
      %dma_wait3A_112 = arith.constant 0 : i32
      %dma_wait3A_113 = arith.constant 0 : i32
      %dma_wait3A_114 = tpu.memref_slice %arg6[%dma_wait3A_112, %dma_wait3A_113] : memref<80x128xi32, #tpu.memory_space<vmem>> -> memref<1x128xi32, #tpu.memory_space<vmem>>
      %dma_wait3A_115 = tpu.memref_squeeze %dma_wait3A_114 : memref<1x128xi32, #tpu.memory_space<vmem>> -> memref<128xi32, #tpu.memory_space<vmem>>
      %dma_wait3A_116 = arith.constant 0 : i32
      %dma_wait3A_117 = tpu.memref_slice %arg4[%dma_wait3A, %dma_wait3A_116] : memref<5000x128xi32, #tpu.memory_space<hbm>> -> memref<1x128xi32, #tpu.memory_space<hbm>>
      %dma_wait3A_118 = tpu.memref_squeeze %dma_wait3A_117 : memref<1x128xi32, #tpu.memory_space<hbm>> -> memref<128xi32, #tpu.memory_space<hbm>>
      %dma_wait3A_119 = arith.constant 0 : i32
      %dma_wait3A_120 = tpu.memref_slice %arg6[%dma_wait3A_112, %dma_wait3A_119] : memref<80x128xi32, #tpu.memory_space<vmem>> -> memref<1x128xi32, #tpu.memory_space<vmem>>
      %dma_wait3A_121 = tpu.memref_squeeze %dma_wait3A_120 : memref<1x128xi32, #tpu.memory_space<vmem>> -> memref<128xi32, #tpu.memory_space<vmem>>
      %dma_wait3A_122 = arith.constant 0 : i32
      %dma_wait3A_123 = tpu.memref_slice %arg4[%dma_wait3A, %dma_wait3A_122] : memref<5000x128xi32, #tpu.memory_space<hbm>> -> memref<1x128xi32, #tpu.memory_space<hbm>>
      %dma_wait3A_124 = tpu.memref_squeeze %dma_wait3A_123 : memref<1x128xi32, #tpu.memory_space<hbm>> -> memref<128xi32, #tpu.memory_space<hbm>>
      tpu.wait_dma2 semaphore(%arg27 : memref<!tpu.dma_semaphore, #tpu.memory_space<semaphore_mem>>) src(%dma_wait3A_124 : memref<128xi32, #tpu.memory_space<hbm>>) dst(%dma_wait3A_121 : memref<128xi32, #tpu.memory_space<vmem>>)
      %dma_wait3A_125 = arith.constant 0 : i32
      %dma_wait3A_126 = arith.constant 0 : i32
      %dma_wait3A_127 = arith.constant 0 : i32
      %dma_wait3A_128 = tpu.memref_slice %arg7[%dma_wait3A_126, %dma_wait3A_127] : memref<80x128xi32, #tpu.memory_space<vmem>> -> memref<1x128xi32, #tpu.memory_space<vmem>>
      %dma_wait3A_129 = tpu.memref_squeeze %dma_wait3A_128 : memref<1x128xi32, #tpu.memory_space<vmem>> -> memref<128xi32, #tpu.memory_space<vmem>>
      %dma_wait3A_130 = arith.constant 0 : i32
      %dma_wait3A_131 = tpu.memref_slice %arg4[%dma_wait3A_125, %dma_wait3A_130] : memref<5000x128xi32, #tpu.memory_space<hbm>> -> memref<1x128xi32, #tpu.memory_space<hbm>>
      %dma_wait3A_132 = tpu.memref_squeeze %dma_wait3A_131 : memref<1x128xi32, #tpu.memory_space<hbm>> -> memref<128xi32, #tpu.memory_space<hbm>>
      %dma_wait3A_133 = arith.constant 0 : i32
      %dma_wait3A_134 = tpu.memref_slice %arg7[%dma_wait3A_126, %dma_wait3A_133] : memref<80x128xi32, #tpu.memory_space<vmem>> -> memref<1x128xi32, #tpu.memory_space<vmem>>
      %dma_wait3A_135 = tpu.memref_squeeze %dma_wait3A_134 : memref<1x128xi32, #tpu.memory_space<vmem>> -> memref<128xi32, #tpu.memory_space<vmem>>
      %dma_wait3A_136 = arith.constant 0 : i32
      %dma_wait3A_137 = tpu.memref_slice %arg4[%dma_wait3A_125, %dma_wait3A_136] : memref<5000x128xi32, #tpu.memory_space<hbm>> -> memref<1x128xi32, #tpu.memory_space<hbm>>
      %dma_wait3A_138 = tpu.memref_squeeze %dma_wait3A_137 : memref<1x128xi32, #tpu.memory_space<hbm>> -> memref<128xi32, #tpu.memory_space<hbm>>
      tpu.wait_dma2 semaphore(%arg27 : memref<!tpu.dma_semaphore, #tpu.memory_space<semaphore_mem>>) src(%dma_wait3A_138 : memref<128xi32, #tpu.memory_space<hbm>>) dst(%dma_wait3A_135 : memref<128xi32, #tpu.memory_space<vmem>>)
    }
    %barrier3A = arith.constant 0 : index
    tpu.barrier barrier_id(%barrier3A)
    %dma_start3A = arith.constant 0 : i32
    %dma_start3A_50 = arith.constant 0 : i32
    %dma_start3A_51 = tpu.memref_slice %arg6[%dma_start3A, %dma_start3A_50] : memref<80x128xi32, #tpu.memory_space<vmem>> -> memref<1x128xi32, #tpu.memory_space<vmem>>
    %dma_start3A_52 = tpu.memref_squeeze %dma_start3A_51 : memref<1x128xi32, #tpu.memory_space<vmem>> -> memref<128xi32, #tpu.memory_space<vmem>>
    %dma_start3A_53 = arith.constant 0 : i32
    %dma_start3A_54 = arith.constant 0 : i32
    %dma_start3A_55 = tpu.memref_slice %arg2[%dma_start3A_53, %dma_start3A_54] : memref<10112x16xf32, #tpu.memory_space<hbm>> -> memref<10112x16xf32, #tpu.memory_space<hbm>>
    tpu.enqueue_indirect_dma source(%dma_start3A_55 : memref<10112x16xf32, #tpu.memory_space<hbm>>) target(%arg8 : memref<128x16xf32, #tpu.memory_space<vmem>>) offsets(%dma_start3A_52 : memref<128xi32, #tpu.memory_space<vmem>>) semaphore(%arg18 : memref<!tpu.dma_semaphore, #tpu.memory_space<semaphore_mem>>)
    %dma_start3A_56 = arith.constant 1 : i32
    %dma_start3A_57 = arith.constant 0 : i32
    %dma_start3A_58 = tpu.memref_slice %arg6[%dma_start3A_56, %dma_start3A_57] : memref<80x128xi32, #tpu.memory_space<vmem>> -> memref<1x128xi32, #tpu.memory_space<vmem>>
    %dma_start3A_59 = tpu.memref_squeeze %dma_start3A_58 : memref<1x128xi32, #tpu.memory_space<vmem>> -> memref<128xi32, #tpu.memory_space<vmem>>
    %dma_start3A_60 = arith.constant 0 : i32
    %dma_start3A_61 = arith.constant 0 : i32
    %dma_start3A_62 = tpu.memref_slice %arg2[%dma_start3A_60, %dma_start3A_61] : memref<10112x16xf32, #tpu.memory_space<hbm>> -> memref<10112x16xf32, #tpu.memory_space<hbm>>
    tpu.enqueue_indirect_dma source(%dma_start3A_62 : memref<10112x16xf32, #tpu.memory_space<hbm>>) target(%arg9 : memref<128x16xf32, #tpu.memory_space<vmem>>) offsets(%dma_start3A_59 : memref<128xi32, #tpu.memory_space<vmem>>) semaphore(%arg19 : memref<!tpu.dma_semaphore, #tpu.memory_space<semaphore_mem>>)
    %dma_start3A_63 = arith.constant 2 : i32
    %dma_start3A_64 = arith.constant 0 : i32
    %dma_start3A_65 = tpu.memref_slice %arg6[%dma_start3A_63, %dma_start3A_64] : memref<80x128xi32, #tpu.memory_space<vmem>> -> memref<1x128xi32, #tpu.memory_space<vmem>>
    %dma_start3A_66 = tpu.memref_squeeze %dma_start3A_65 : memref<1x128xi32, #tpu.memory_space<vmem>> -> memref<128xi32, #tpu.memory_space<vmem>>
    %dma_start3A_67 = arith.constant 0 : i32
    %dma_start3A_68 = arith.constant 0 : i32
    %dma_start3A_69 = tpu.memref_slice %arg2[%dma_start3A_67, %dma_start3A_68] : memref<10112x16xf32, #tpu.memory_space<hbm>> -> memref<10112x16xf32, #tpu.memory_space<hbm>>
    tpu.enqueue_indirect_dma source(%dma_start3A_69 : memref<10112x16xf32, #tpu.memory_space<hbm>>) target(%arg10 : memref<128x16xf32, #tpu.memory_space<vmem>>) offsets(%dma_start3A_66 : memref<128xi32, #tpu.memory_space<vmem>>) semaphore(%arg20 : memref<!tpu.dma_semaphore, #tpu.memory_space<semaphore_mem>>)
    %dma_start3A_70 = arith.constant 3 : i32
    %dma_start3A_71 = arith.constant 0 : i32
    %dma_start3A_72 = tpu.memref_slice %arg6[%dma_start3A_70, %dma_start3A_71] : memref<80x128xi32, #tpu.memory_space<vmem>> -> memref<1x128xi32, #tpu.memory_space<vmem>>
    %dma_start3A_73 = tpu.memref_squeeze %dma_start3A_72 : memref<1x128xi32, #tpu.memory_space<vmem>> -> memref<128xi32, #tpu.memory_space<vmem>>
    %dma_start3A_74 = arith.constant 0 : i32
    %dma_start3A_75 = arith.constant 0 : i32
    %dma_start3A_76 = tpu.memref_slice %arg2[%dma_start3A_74, %dma_start3A_75] : memref<10112x16xf32, #tpu.memory_space<hbm>> -> memref<10112x16xf32, #tpu.memory_space<hbm>>
    tpu.enqueue_indirect_dma source(%dma_start3A_76 : memref<10112x16xf32, #tpu.memory_space<hbm>>) target(%arg11 : memref<128x16xf32, #tpu.memory_space<vmem>>) offsets(%dma_start3A_73 : memref<128xi32, #tpu.memory_space<vmem>>) semaphore(%arg21 : memref<!tpu.dma_semaphore, #tpu.memory_space<semaphore_mem>>)
    %dma_start3A_77 = arith.constant 4 : i32
    %dma_start3A_78 = arith.constant 0 : i32
    %dma_start3A_79 = tpu.memref_slice %arg6[%dma_start3A_77, %dma_start3A_78] : memref<80x128xi32, #tpu.memory_space<vmem>> -> memref<1x128xi32, #tpu.memory_space<vmem>>
    %dma_start3A_80 = tpu.memref_squeeze %dma_start3A_79 : memref<1x128xi32, #tpu.memory_space<vmem>> -> memref<128xi32, #tpu.memory_space<vmem>>
    %dma_start3A_81 = arith.constant 0 : i32
    %dma_start3A_82 = arith.constant 0 : i32
    %dma_start3A_83 = tpu.memref_slice %arg2[%dma_start3A_81, %dma_start3A_82] : memref<10112x16xf32, #tpu.memory_space<hbm>> -> memref<10112x16xf32, #tpu.memory_space<hbm>>
    tpu.enqueue_indirect_dma source(%dma_start3A_83 : memref<10112x16xf32, #tpu.memory_space<hbm>>) target(%arg12 : memref<128x16xf32, #tpu.memory_space<vmem>>) offsets(%dma_start3A_80 : memref<128xi32, #tpu.memory_space<vmem>>) semaphore(%arg22 : memref<!tpu.dma_semaphore, #tpu.memory_space<semaphore_mem>>)
    %dma_start3A_84 = arith.constant 5 : i32
    %dma_start3A_85 = arith.constant 0 : i32
    %dma_start3A_86 = tpu.memref_slice %arg6[%dma_start3A_84, %dma_start3A_85] : memref<80x128xi32, #tpu.memory_space<vmem>> -> memref<1x128xi32, #tpu.memory_space<vmem>>
    %dma_start3A_87 = tpu.memref_squeeze %dma_start3A_86 : memref<1x128xi32, #tpu.memory_space<vmem>> -> memref<128xi32, #tpu.memory_space<vmem>>
    %dma_start3A_88 = arith.constant 0 : i32
    %dma_start3A_89 = arith.constant 0 : i32
    %dma_start3A_90 = tpu.memref_slice %arg2[%dma_start3A_88, %dma_start3A_89] : memref<10112x16xf32, #tpu.memory_space<hbm>> -> memref<10112x16xf32, #tpu.memory_space<hbm>>
    tpu.enqueue_indirect_dma source(%dma_start3A_90 : memref<10112x16xf32, #tpu.memory_space<hbm>>) target(%arg13 : memref<128x16xf32, #tpu.memory_space<vmem>>) offsets(%dma_start3A_87 : memref<128xi32, #tpu.memory_space<vmem>>) semaphore(%arg23 : memref<!tpu.dma_semaphore, #tpu.memory_space<semaphore_mem>>)
    %dma_start3A_91 = arith.constant 6 : i32
    %dma_start3A_92 = arith.constant 0 : i32
    %dma_start3A_93 = tpu.memref_slice %arg6[%dma_start3A_91, %dma_start3A_92] : memref<80x128xi32, #tpu.memory_space<vmem>> -> memref<1x128xi32, #tpu.memory_space<vmem>>
    %dma_start3A_94 = tpu.memref_squeeze %dma_start3A_93 : memref<1x128xi32, #tpu.memory_space<vmem>> -> memref<128xi32, #tpu.memory_space<vmem>>
    %dma_start3A_95 = arith.constant 0 : i32
    %dma_start3A_96 = arith.constant 0 : i32
    %dma_start3A_97 = tpu.memref_slice %arg2[%dma_start3A_95, %dma_start3A_96] : memref<10112x16xf32, #tpu.memory_space<hbm>> -> memref<10112x16xf32, #tpu.memory_space<hbm>>
    tpu.enqueue_indirect_dma source(%dma_start3A_97 : memref<10112x16xf32, #tpu.memory_space<hbm>>) target(%arg14 : memref<128x16xf32, #tpu.memory_space<vmem>>) offsets(%dma_start3A_94 : memref<128xi32, #tpu.memory_space<vmem>>) semaphore(%arg24 : memref<!tpu.dma_semaphore, #tpu.memory_space<semaphore_mem>>)
    %dma_start3A_98 = arith.constant 7 : i32
    %dma_start3A_99 = arith.constant 0 : i32
    %dma_start3A_100 = tpu.memref_slice %arg6[%dma_start3A_98, %dma_start3A_99] : memref<80x128xi32, #tpu.memory_space<vmem>> -> memref<1x128xi32, #tpu.memory_space<vmem>>
    %dma_start3A_101 = tpu.memref_squeeze %dma_start3A_100 : memref<1x128xi32, #tpu.memory_space<vmem>> -> memref<128xi32, #tpu.memory_space<vmem>>
    %dma_start3A_102 = arith.constant 0 : i32
    %dma_start3A_103 = arith.constant 0 : i32
    %dma_start3A_104 = tpu.memref_slice %arg2[%dma_start3A_102, %dma_start3A_103] : memref<10112x16xf32, #tpu.memory_space<hbm>> -> memref<10112x16xf32, #tpu.memory_space<hbm>>
    tpu.enqueue_indirect_dma source(%dma_start3A_104 : memref<10112x16xf32, #tpu.memory_space<hbm>>) target(%arg15 : memref<128x16xf32, #tpu.memory_space<vmem>>) offsets(%dma_start3A_101 : memref<128xi32, #tpu.memory_space<vmem>>) semaphore(%arg25 : memref<!tpu.dma_semaphore, #tpu.memory_space<semaphore_mem>>)
    %scan3A = arith.constant 0 : i32
    %scan3A_105 = arith.constant 0 : i32
    %scan3A_106 = arith.constant 10 : i32
    %scan3A_107 = arith.addi %scan3A_105, %scan3A_106 : i32
    %scan3A_108 = arith.constant 1 : i32
    scf.for %scan3A_111 = %scan3A_105 to %scan3A_107 step %scan3A_108  : i32 {
      %dma_wait3A = arith.constant 0 : i32
      %dma_wait3A_112 = arith.constant 0 : i32
      %dma_wait3A_113 = tpu.memref_slice %arg2[%dma_wait3A, %dma_wait3A_112] : memref<10112x16xf32, #tpu.memory_space<hbm>> -> memref<128x16xf32, #tpu.memory_space<hbm>>
      %dma_wait3A_114 = arith.constant 0 : i32
      %dma_wait3A_115 = arith.constant 0 : i32
      %dma_wait3A_116 = tpu.memref_slice %arg2[%dma_wait3A_114, %dma_wait3A_115] : memref<10112x16xf32, #tpu.memory_space<hbm>> -> memref<128x16xf32, #tpu.memory_space<hbm>>
      tpu.wait_dma2 semaphore(%arg18 : memref<!tpu.dma_semaphore, #tpu.memory_space<semaphore_mem>>) src(%dma_wait3A_116 : memref<128x16xf32, #tpu.memory_space<hbm>>) dst(%arg8 : memref<128x16xf32, #tpu.memory_space<vmem>>)
      %mul3A_117 = arith.constant 8 : i32
      %mul3A_118 = arith.muli %scan3A_111, %mul3A_117 : i32
      %add3A_119 = arith.constant 0 : i32
      %add3A_120 = arith.addi %mul3A_118, %add3A_119 : i32
      %dma_start3A_121 = arith.constant 0 : i32
      %dma_start3A_122 = tpu.memref_slice %arg7[%add3A_120, %dma_start3A_121] : memref<80x128xi32, #tpu.memory_space<vmem>> -> memref<1x128xi32, #tpu.memory_space<vmem>>
      %dma_start3A_123 = tpu.memref_squeeze %dma_start3A_122 : memref<1x128xi32, #tpu.memory_space<vmem>> -> memref<128xi32, #tpu.memory_space<vmem>>
      %dma_start3A_124 = arith.constant 0 : i32
      %dma_start3A_125 = arith.constant 0 : i32
      %dma_start3A_126 = tpu.memref_slice %arg17[%dma_start3A_124, %dma_start3A_125] : memref<10112x16xf32, #tpu.memory_space<vmem_shared>> -> memref<10112x16xf32, #tpu.memory_space<vmem_shared>>
      tpu.enqueue_indirect_dma source(%arg8 : memref<128x16xf32, #tpu.memory_space<vmem>>) target(%dma_start3A_126 : memref<10112x16xf32, #tpu.memory_space<vmem_shared>>) offsets(%dma_start3A_123 : memref<128xi32, #tpu.memory_space<vmem>>) semaphore(%arg26 : memref<!tpu.dma_semaphore, #tpu.memory_space<semaphore_mem>>) {add = true}
      %dma_wait3A_127 = arith.constant 0 : i32
      %dma_wait3A_128 = arith.constant 0 : i32
      %dma_wait3A_129 = tpu.memref_slice %arg2[%dma_wait3A_127, %dma_wait3A_128] : memref<10112x16xf32, #tpu.memory_space<hbm>> -> memref<128x16xf32, #tpu.memory_space<hbm>>
      %dma_wait3A_130 = arith.constant 0 : i32
      %dma_wait3A_131 = arith.constant 0 : i32
      %dma_wait3A_132 = tpu.memref_slice %arg2[%dma_wait3A_130, %dma_wait3A_131] : memref<10112x16xf32, #tpu.memory_space<hbm>> -> memref<128x16xf32, #tpu.memory_space<hbm>>
      tpu.wait_dma2 semaphore(%arg19 : memref<!tpu.dma_semaphore, #tpu.memory_space<semaphore_mem>>) src(%dma_wait3A_132 : memref<128x16xf32, #tpu.memory_space<hbm>>) dst(%arg9 : memref<128x16xf32, #tpu.memory_space<vmem>>)
      %mul3A_133 = arith.constant 8 : i32
      %mul3A_134 = arith.muli %scan3A_111, %mul3A_133 : i32
      %add3A_135 = arith.constant 1 : i32
      %add3A_136 = arith.addi %mul3A_134, %add3A_135 : i32
      %dma_start3A_137 = arith.constant 0 : i32
      %dma_start3A_138 = tpu.memref_slice %arg7[%add3A_136, %dma_start3A_137] : memref<80x128xi32, #tpu.memory_space<vmem>> -> memref<1x128xi32, #tpu.memory_space<vmem>>
      %dma_start3A_139 = tpu.memref_squeeze %dma_start3A_138 : memref<1x128xi32, #tpu.memory_space<vmem>> -> memref<128xi32, #tpu.memory_space<vmem>>
      %dma_start3A_140 = arith.constant 0 : i32
      %dma_start3A_141 = arith.constant 0 : i32
      %dma_start3A_142 = tpu.memref_slice %arg17[%dma_start3A_140, %dma_start3A_141] : memref<10112x16xf32, #tpu.memory_space<vmem_shared>> -> memref<10112x16xf32, #tpu.memory_space<vmem_shared>>
      tpu.enqueue_indirect_dma source(%arg9 : memref<128x16xf32, #tpu.memory_space<vmem>>) target(%dma_start3A_142 : memref<10112x16xf32, #tpu.memory_space<vmem_shared>>) offsets(%dma_start3A_139 : memref<128xi32, #tpu.memory_space<vmem>>) semaphore(%arg26 : memref<!tpu.dma_semaphore, #tpu.memory_space<semaphore_mem>>) {add = true}
      %dma_wait3A_143 = arith.constant 0 : i32
      %dma_wait3A_144 = arith.constant 0 : i32
      %dma_wait3A_145 = tpu.memref_slice %arg2[%dma_wait3A_143, %dma_wait3A_144] : memref<10112x16xf32, #tpu.memory_space<hbm>> -> memref<128x16xf32, #tpu.memory_space<hbm>>
      %dma_wait3A_146 = arith.constant 0 : i32
      %dma_wait3A_147 = arith.constant 0 : i32
      %dma_wait3A_148 = tpu.memref_slice %arg2[%dma_wait3A_146, %dma_wait3A_147] : memref<10112x16xf32, #tpu.memory_space<hbm>> -> memref<128x16xf32, #tpu.memory_space<hbm>>
      tpu.wait_dma2 semaphore(%arg20 : memref<!tpu.dma_semaphore, #tpu.memory_space<semaphore_mem>>) src(%dma_wait3A_148 : memref<128x16xf32, #tpu.memory_space<hbm>>) dst(%arg10 : memref<128x16xf32, #tpu.memory_space<vmem>>)
      %mul3A_149 = arith.constant 8 : i32
      %mul3A_150 = arith.muli %scan3A_111, %mul3A_149 : i32
      %add3A_151 = arith.constant 2 : i32
      %add3A_152 = arith.addi %mul3A_150, %add3A_151 : i32
      %dma_start3A_153 = arith.constant 0 : i32
      %dma_start3A_154 = tpu.memref_slice %arg7[%add3A_152, %dma_start3A_153] : memref<80x128xi32, #tpu.memory_space<vmem>> -> memref<1x128xi32, #tpu.memory_space<vmem>>
      %dma_start3A_155 = tpu.memref_squeeze %dma_start3A_154 : memref<1x128xi32, #tpu.memory_space<vmem>> -> memref<128xi32, #tpu.memory_space<vmem>>
      %dma_start3A_156 = arith.constant 0 : i32
      %dma_start3A_157 = arith.constant 0 : i32
      %dma_start3A_158 = tpu.memref_slice %arg17[%dma_start3A_156, %dma_start3A_157] : memref<10112x16xf32, #tpu.memory_space<vmem_shared>> -> memref<10112x16xf32, #tpu.memory_space<vmem_shared>>
      tpu.enqueue_indirect_dma source(%arg10 : memref<128x16xf32, #tpu.memory_space<vmem>>) target(%dma_start3A_158 : memref<10112x16xf32, #tpu.memory_space<vmem_shared>>) offsets(%dma_start3A_155 : memref<128xi32, #tpu.memory_space<vmem>>) semaphore(%arg26 : memref<!tpu.dma_semaphore, #tpu.memory_space<semaphore_mem>>) {add = true}
      %dma_wait3A_159 = arith.constant 0 : i32
      %dma_wait3A_160 = arith.constant 0 : i32
      %dma_wait3A_161 = tpu.memref_slice %arg2[%dma_wait3A_159, %dma_wait3A_160] : memref<10112x16xf32, #tpu.memory_space<hbm>> -> memref<128x16xf32, #tpu.memory_space<hbm>>
      %dma_wait3A_162 = arith.constant 0 : i32
      %dma_wait3A_163 = arith.constant 0 : i32
      %dma_wait3A_164 = tpu.memref_slice %arg2[%dma_wait3A_162, %dma_wait3A_163] : memref<10112x16xf32, #tpu.memory_space<hbm>> -> memref<128x16xf32, #tpu.memory_space<hbm>>
      tpu.wait_dma2 semaphore(%arg21 : memref<!tpu.dma_semaphore, #tpu.memory_space<semaphore_mem>>) src(%dma_wait3A_164 : memref<128x16xf32, #tpu.memory_space<hbm>>) dst(%arg11 : memref<128x16xf32, #tpu.memory_space<vmem>>)
      %mul3A_165 = arith.constant 8 : i32
      %mul3A_166 = arith.muli %scan3A_111, %mul3A_165 : i32
      %add3A_167 = arith.constant 3 : i32
      %add3A_168 = arith.addi %mul3A_166, %add3A_167 : i32
      %dma_start3A_169 = arith.constant 0 : i32
      %dma_start3A_170 = tpu.memref_slice %arg7[%add3A_168, %dma_start3A_169] : memref<80x128xi32, #tpu.memory_space<vmem>> -> memref<1x128xi32, #tpu.memory_space<vmem>>
      %dma_start3A_171 = tpu.memref_squeeze %dma_start3A_170 : memref<1x128xi32, #tpu.memory_space<vmem>> -> memref<128xi32, #tpu.memory_space<vmem>>
      %dma_start3A_172 = arith.constant 0 : i32
      %dma_start3A_173 = arith.constant 0 : i32
      %dma_start3A_174 = tpu.memref_slice %arg17[%dma_start3A_172, %dma_start3A_173] : memref<10112x16xf32, #tpu.memory_space<vmem_shared>> -> memref<10112x16xf32, #tpu.memory_space<vmem_shared>>
      tpu.enqueue_indirect_dma source(%arg11 : memref<128x16xf32, #tpu.memory_space<vmem>>) target(%dma_start3A_174 : memref<10112x16xf32, #tpu.memory_space<vmem_shared>>) offsets(%dma_start3A_171 : memref<128xi32, #tpu.memory_space<vmem>>) semaphore(%arg26 : memref<!tpu.dma_semaphore, #tpu.memory_space<semaphore_mem>>) {add = true}
      %dma_wait3A_175 = arith.constant 0 : i32
      %dma_wait3A_176 = arith.constant 0 : i32
      %dma_wait3A_177 = tpu.memref_slice %arg2[%dma_wait3A_175, %dma_wait3A_176] : memref<10112x16xf32, #tpu.memory_space<hbm>> -> memref<128x16xf32, #tpu.memory_space<hbm>>
      %dma_wait3A_178 = arith.constant 0 : i32
      %dma_wait3A_179 = arith.constant 0 : i32
      %dma_wait3A_180 = tpu.memref_slice %arg2[%dma_wait3A_178, %dma_wait3A_179] : memref<10112x16xf32, #tpu.memory_space<hbm>> -> memref<128x16xf32, #tpu.memory_space<hbm>>
      tpu.wait_dma2 semaphore(%arg22 : memref<!tpu.dma_semaphore, #tpu.memory_space<semaphore_mem>>) src(%dma_wait3A_180 : memref<128x16xf32, #tpu.memory_space<hbm>>) dst(%arg12 : memref<128x16xf32, #tpu.memory_space<vmem>>)
      %mul3A_181 = arith.constant 8 : i32
      %mul3A_182 = arith.muli %scan3A_111, %mul3A_181 : i32
      %add3A_183 = arith.constant 4 : i32
      %add3A_184 = arith.addi %mul3A_182, %add3A_183 : i32
      %dma_start3A_185 = arith.constant 0 : i32
      %dma_start3A_186 = tpu.memref_slice %arg7[%add3A_184, %dma_start3A_185] : memref<80x128xi32, #tpu.memory_space<vmem>> -> memref<1x128xi32, #tpu.memory_space<vmem>>
      %dma_start3A_187 = tpu.memref_squeeze %dma_start3A_186 : memref<1x128xi32, #tpu.memory_space<vmem>> -> memref<128xi32, #tpu.memory_space<vmem>>
      %dma_start3A_188 = arith.constant 0 : i32
      %dma_start3A_189 = arith.constant 0 : i32
      %dma_start3A_190 = tpu.memref_slice %arg17[%dma_start3A_188, %dma_start3A_189] : memref<10112x16xf32, #tpu.memory_space<vmem_shared>> -> memref<10112x16xf32, #tpu.memory_space<vmem_shared>>
      tpu.enqueue_indirect_dma source(%arg12 : memref<128x16xf32, #tpu.memory_space<vmem>>) target(%dma_start3A_190 : memref<10112x16xf32, #tpu.memory_space<vmem_shared>>) offsets(%dma_start3A_187 : memref<128xi32, #tpu.memory_space<vmem>>) semaphore(%arg26 : memref<!tpu.dma_semaphore, #tpu.memory_space<semaphore_mem>>) {add = true}
      %dma_wait3A_191 = arith.constant 0 : i32
      %dma_wait3A_192 = arith.constant 0 : i32
      %dma_wait3A_193 = tpu.memref_slice %arg2[%dma_wait3A_191, %dma_wait3A_192] : memref<10112x16xf32, #tpu.memory_space<hbm>> -> memref<128x16xf32, #tpu.memory_space<hbm>>
      %dma_wait3A_194 = arith.constant 0 : i32
      %dma_wait3A_195 = arith.constant 0 : i32
      %dma_wait3A_196 = tpu.memref_slice %arg2[%dma_wait3A_194, %dma_wait3A_195] : memref<10112x16xf32, #tpu.memory_space<hbm>> -> memref<128x16xf32, #tpu.memory_space<hbm>>
      tpu.wait_dma2 semaphore(%arg23 : memref<!tpu.dma_semaphore, #tpu.memory_space<semaphore_mem>>) src(%dma_wait3A_196 : memref<128x16xf32, #tpu.memory_space<hbm>>) dst(%arg13 : memref<128x16xf32, #tpu.memory_space<vmem>>)
      %mul3A_197 = arith.constant 8 : i32
      %mul3A_198 = arith.muli %scan3A_111, %mul3A_197 : i32
      %add3A_199 = arith.constant 5 : i32
      %add3A_200 = arith.addi %mul3A_198, %add3A_199 : i32
      %dma_start3A_201 = arith.constant 0 : i32
      %dma_start3A_202 = tpu.memref_slice %arg7[%add3A_200, %dma_start3A_201] : memref<80x128xi32, #tpu.memory_space<vmem>> -> memref<1x128xi32, #tpu.memory_space<vmem>>
      %dma_start3A_203 = tpu.memref_squeeze %dma_start3A_202 : memref<1x128xi32, #tpu.memory_space<vmem>> -> memref<128xi32, #tpu.memory_space<vmem>>
      %dma_start3A_204 = arith.constant 0 : i32
      %dma_start3A_205 = arith.constant 0 : i32
      %dma_start3A_206 = tpu.memref_slice %arg17[%dma_start3A_204, %dma_start3A_205] : memref<10112x16xf32, #tpu.memory_space<vmem_shared>> -> memref<10112x16xf32, #tpu.memory_space<vmem_shared>>
      tpu.enqueue_indirect_dma source(%arg13 : memref<128x16xf32, #tpu.memory_space<vmem>>) target(%dma_start3A_206 : memref<10112x16xf32, #tpu.memory_space<vmem_shared>>) offsets(%dma_start3A_203 : memref<128xi32, #tpu.memory_space<vmem>>) semaphore(%arg26 : memref<!tpu.dma_semaphore, #tpu.memory_space<semaphore_mem>>) {add = true}
      %dma_wait3A_207 = arith.constant 0 : i32
      %dma_wait3A_208 = arith.constant 0 : i32
      %dma_wait3A_209 = tpu.memref_slice %arg2[%dma_wait3A_207, %dma_wait3A_208] : memref<10112x16xf32, #tpu.memory_space<hbm>> -> memref<128x16xf32, #tpu.memory_space<hbm>>
      %dma_wait3A_210 = arith.constant 0 : i32
      %dma_wait3A_211 = arith.constant 0 : i32
      %dma_wait3A_212 = tpu.memref_slice %arg2[%dma_wait3A_210, %dma_wait3A_211] : memref<10112x16xf32, #tpu.memory_space<hbm>> -> memref<128x16xf32, #tpu.memory_space<hbm>>
      tpu.wait_dma2 semaphore(%arg24 : memref<!tpu.dma_semaphore, #tpu.memory_space<semaphore_mem>>) src(%dma_wait3A_212 : memref<128x16xf32, #tpu.memory_space<hbm>>) dst(%arg14 : memref<128x16xf32, #tpu.memory_space<vmem>>)
      %mul3A_213 = arith.constant 8 : i32
      %mul3A_214 = arith.muli %scan3A_111, %mul3A_213 : i32
      %add3A_215 = arith.constant 6 : i32
      %add3A_216 = arith.addi %mul3A_214, %add3A_215 : i32
      %dma_start3A_217 = arith.constant 0 : i32
      %dma_start3A_218 = tpu.memref_slice %arg7[%add3A_216, %dma_start3A_217] : memref<80x128xi32, #tpu.memory_space<vmem>> -> memref<1x128xi32, #tpu.memory_space<vmem>>
      %dma_start3A_219 = tpu.memref_squeeze %dma_start3A_218 : memref<1x128xi32, #tpu.memory_space<vmem>> -> memref<128xi32, #tpu.memory_space<vmem>>
      %dma_start3A_220 = arith.constant 0 : i32
      %dma_start3A_221 = arith.constant 0 : i32
      %dma_start3A_222 = tpu.memref_slice %arg17[%dma_start3A_220, %dma_start3A_221] : memref<10112x16xf32, #tpu.memory_space<vmem_shared>> -> memref<10112x16xf32, #tpu.memory_space<vmem_shared>>
      tpu.enqueue_indirect_dma source(%arg14 : memref<128x16xf32, #tpu.memory_space<vmem>>) target(%dma_start3A_222 : memref<10112x16xf32, #tpu.memory_space<vmem_shared>>) offsets(%dma_start3A_219 : memref<128xi32, #tpu.memory_space<vmem>>) semaphore(%arg26 : memref<!tpu.dma_semaphore, #tpu.memory_space<semaphore_mem>>) {add = true}
      %dma_wait3A_223 = arith.constant 0 : i32
      %dma_wait3A_224 = arith.constant 0 : i32
      %dma_wait3A_225 = tpu.memref_slice %arg2[%dma_wait3A_223, %dma_wait3A_224] : memref<10112x16xf32, #tpu.memory_space<hbm>> -> memref<128x16xf32, #tpu.memory_space<hbm>>
      %dma_wait3A_226 = arith.constant 0 : i32
      %dma_wait3A_227 = arith.constant 0 : i32
      %dma_wait3A_228 = tpu.memref_slice %arg2[%dma_wait3A_226, %dma_wait3A_227] : memref<10112x16xf32, #tpu.memory_space<hbm>> -> memref<128x16xf32, #tpu.memory_space<hbm>>
      tpu.wait_dma2 semaphore(%arg25 : memref<!tpu.dma_semaphore, #tpu.memory_space<semaphore_mem>>) src(%dma_wait3A_228 : memref<128x16xf32, #tpu.memory_space<hbm>>) dst(%arg15 : memref<128x16xf32, #tpu.memory_space<vmem>>)
      %mul3A_229 = arith.constant 8 : i32
      %mul3A_230 = arith.muli %scan3A_111, %mul3A_229 : i32
      %add3A_231 = arith.constant 7 : i32
      %add3A_232 = arith.addi %mul3A_230, %add3A_231 : i32
      %dma_start3A_233 = arith.constant 0 : i32
      %dma_start3A_234 = tpu.memref_slice %arg7[%add3A_232, %dma_start3A_233] : memref<80x128xi32, #tpu.memory_space<vmem>> -> memref<1x128xi32, #tpu.memory_space<vmem>>
      %dma_start3A_235 = tpu.memref_squeeze %dma_start3A_234 : memref<1x128xi32, #tpu.memory_space<vmem>> -> memref<128xi32, #tpu.memory_space<vmem>>
      %dma_start3A_236 = arith.constant 0 : i32
      %dma_start3A_237 = arith.constant 0 : i32
      %dma_start3A_238 = tpu.memref_slice %arg17[%dma_start3A_236, %dma_start3A_237] : memref<10112x16xf32, #tpu.memory_space<vmem_shared>> -> memref<10112x16xf32, #tpu.memory_space<vmem_shared>>
      tpu.enqueue_indirect_dma source(%arg15 : memref<128x16xf32, #tpu.memory_space<vmem>>) target(%dma_start3A_238 : memref<10112x16xf32, #tpu.memory_space<vmem_shared>>) offsets(%dma_start3A_235 : memref<128xi32, #tpu.memory_space<vmem>>) semaphore(%arg26 : memref<!tpu.dma_semaphore, #tpu.memory_space<semaphore_mem>>) {add = true}
      %dma_wait3A_239 = arith.constant 0 : i32
      %dma_wait3A_240 = tpu.memref_slice %arg7[%add3A_120, %dma_wait3A_239] : memref<80x128xi32, #tpu.memory_space<vmem>> -> memref<1x128xi32, #tpu.memory_space<vmem>>
      %dma_wait3A_241 = tpu.memref_squeeze %dma_wait3A_240 : memref<1x128xi32, #tpu.memory_space<vmem>> -> memref<128xi32, #tpu.memory_space<vmem>>
      %dma_wait3A_242 = arith.constant 0 : i32
      %dma_wait3A_243 = arith.constant 0 : i32
      %dma_wait3A_244 = tpu.memref_slice %arg17[%dma_wait3A_242, %dma_wait3A_243] : memref<10112x16xf32, #tpu.memory_space<vmem_shared>> -> memref<10112x16xf32, #tpu.memory_space<vmem_shared>>
      tpu.wait_indirect_dma semaphore(%arg26 : memref<!tpu.dma_semaphore, #tpu.memory_space<semaphore_mem>>) src(%arg8 : memref<128x16xf32, #tpu.memory_space<vmem>>) dst(%dma_wait3A_244 : memref<10112x16xf32, #tpu.memory_space<vmem_shared>>)
      %dma_wait3A_245 = arith.constant 0 : i32
      %dma_wait3A_246 = tpu.memref_slice %arg7[%add3A_136, %dma_wait3A_245] : memref<80x128xi32, #tpu.memory_space<vmem>> -> memref<1x128xi32, #tpu.memory_space<vmem>>
      %dma_wait3A_247 = tpu.memref_squeeze %dma_wait3A_246 : memref<1x128xi32, #tpu.memory_space<vmem>> -> memref<128xi32, #tpu.memory_space<vmem>>
      %dma_wait3A_248 = arith.constant 0 : i32
      %dma_wait3A_249 = arith.constant 0 : i32
      %dma_wait3A_250 = tpu.memref_slice %arg17[%dma_wait3A_248, %dma_wait3A_249] : memref<10112x16xf32, #tpu.memory_space<vmem_shared>> -> memref<10112x16xf32, #tpu.memory_space<vmem_shared>>
      tpu.wait_indirect_dma semaphore(%arg26 : memref<!tpu.dma_semaphore, #tpu.memory_space<semaphore_mem>>) src(%arg9 : memref<128x16xf32, #tpu.memory_space<vmem>>) dst(%dma_wait3A_250 : memref<10112x16xf32, #tpu.memory_space<vmem_shared>>)
      %dma_wait3A_251 = arith.constant 0 : i32
      %dma_wait3A_252 = tpu.memref_slice %arg7[%add3A_152, %dma_wait3A_251] : memref<80x128xi32, #tpu.memory_space<vmem>> -> memref<1x128xi32, #tpu.memory_space<vmem>>
      %dma_wait3A_253 = tpu.memref_squeeze %dma_wait3A_252 : memref<1x128xi32, #tpu.memory_space<vmem>> -> memref<128xi32, #tpu.memory_space<vmem>>
      %dma_wait3A_254 = arith.constant 0 : i32
      %dma_wait3A_255 = arith.constant 0 : i32
      %dma_wait3A_256 = tpu.memref_slice %arg17[%dma_wait3A_254, %dma_wait3A_255] : memref<10112x16xf32, #tpu.memory_space<vmem_shared>> -> memref<10112x16xf32, #tpu.memory_space<vmem_shared>>
      tpu.wait_indirect_dma semaphore(%arg26 : memref<!tpu.dma_semaphore, #tpu.memory_space<semaphore_mem>>) src(%arg10 : memref<128x16xf32, #tpu.memory_space<vmem>>) dst(%dma_wait3A_256 : memref<10112x16xf32, #tpu.memory_space<vmem_shared>>)
      %dma_wait3A_257 = arith.constant 0 : i32
      %dma_wait3A_258 = tpu.memref_slice %arg7[%add3A_168, %dma_wait3A_257] : memref<80x128xi32, #tpu.memory_space<vmem>> -> memref<1x128xi32, #tpu.memory_space<vmem>>
      %dma_wait3A_259 = tpu.memref_squeeze %dma_wait3A_258 : memref<1x128xi32, #tpu.memory_space<vmem>> -> memref<128xi32, #tpu.memory_space<vmem>>
      %dma_wait3A_260 = arith.constant 0 : i32
      %dma_wait3A_261 = arith.constant 0 : i32
      %dma_wait3A_262 = tpu.memref_slice %arg17[%dma_wait3A_260, %dma_wait3A_261] : memref<10112x16xf32, #tpu.memory_space<vmem_shared>> -> memref<10112x16xf32, #tpu.memory_space<vmem_shared>>
      tpu.wait_indirect_dma semaphore(%arg26 : memref<!tpu.dma_semaphore, #tpu.memory_space<semaphore_mem>>) src(%arg11 : memref<128x16xf32, #tpu.memory_space<vmem>>) dst(%dma_wait3A_262 : memref<10112x16xf32, #tpu.memory_space<vmem_shared>>)
      %dma_wait3A_263 = arith.constant 0 : i32
      %dma_wait3A_264 = tpu.memref_slice %arg7[%add3A_184, %dma_wait3A_263] : memref<80x128xi32, #tpu.memory_space<vmem>> -> memref<1x128xi32, #tpu.memory_space<vmem>>
      %dma_wait3A_265 = tpu.memref_squeeze %dma_wait3A_264 : memref<1x128xi32, #tpu.memory_space<vmem>> -> memref<128xi32, #tpu.memory_space<vmem>>
      %dma_wait3A_266 = arith.constant 0 : i32
      %dma_wait3A_267 = arith.constant 0 : i32
      %dma_wait3A_268 = tpu.memref_slice %arg17[%dma_wait3A_266, %dma_wait3A_267] : memref<10112x16xf32, #tpu.memory_space<vmem_shared>> -> memref<10112x16xf32, #tpu.memory_space<vmem_shared>>
      tpu.wait_indirect_dma semaphore(%arg26 : memref<!tpu.dma_semaphore, #tpu.memory_space<semaphore_mem>>) src(%arg12 : memref<128x16xf32, #tpu.memory_space<vmem>>) dst(%dma_wait3A_268 : memref<10112x16xf32, #tpu.memory_space<vmem_shared>>)
      %dma_wait3A_269 = arith.constant 0 : i32
      %dma_wait3A_270 = tpu.memref_slice %arg7[%add3A_200, %dma_wait3A_269] : memref<80x128xi32, #tpu.memory_space<vmem>> -> memref<1x128xi32, #tpu.memory_space<vmem>>
      %dma_wait3A_271 = tpu.memref_squeeze %dma_wait3A_270 : memref<1x128xi32, #tpu.memory_space<vmem>> -> memref<128xi32, #tpu.memory_space<vmem>>
      %dma_wait3A_272 = arith.constant 0 : i32
      %dma_wait3A_273 = arith.constant 0 : i32
      %dma_wait3A_274 = tpu.memref_slice %arg17[%dma_wait3A_272, %dma_wait3A_273] : memref<10112x16xf32, #tpu.memory_space<vmem_shared>> -> memref<10112x16xf32, #tpu.memory_space<vmem_shared>>
      tpu.wait_indirect_dma semaphore(%arg26 : memref<!tpu.dma_semaphore, #tpu.memory_space<semaphore_mem>>) src(%arg13 : memref<128x16xf32, #tpu.memory_space<vmem>>) dst(%dma_wait3A_274 : memref<10112x16xf32, #tpu.memory_space<vmem_shared>>)
      %dma_wait3A_275 = arith.constant 0 : i32
      %dma_wait3A_276 = tpu.memref_slice %arg7[%add3A_216, %dma_wait3A_275] : memref<80x128xi32, #tpu.memory_space<vmem>> -> memref<1x128xi32, #tpu.memory_space<vmem>>
      %dma_wait3A_277 = tpu.memref_squeeze %dma_wait3A_276 : memref<1x128xi32, #tpu.memory_space<vmem>> -> memref<128xi32, #tpu.memory_space<vmem>>
      %dma_wait3A_278 = arith.constant 0 : i32
      %dma_wait3A_279 = arith.constant 0 : i32
      %dma_wait3A_280 = tpu.memref_slice %arg17[%dma_wait3A_278, %dma_wait3A_279] : memref<10112x16xf32, #tpu.memory_space<vmem_shared>> -> memref<10112x16xf32, #tpu.memory_space<vmem_shared>>
      tpu.wait_indirect_dma semaphore(%arg26 : memref<!tpu.dma_semaphore, #tpu.memory_space<semaphore_mem>>) src(%arg14 : memref<128x16xf32, #tpu.memory_space<vmem>>) dst(%dma_wait3A_280 : memref<10112x16xf32, #tpu.memory_space<vmem_shared>>)
      %dma_wait3A_281 = arith.constant 0 : i32
      %dma_wait3A_282 = tpu.memref_slice %arg7[%add3A_232, %dma_wait3A_281] : memref<80x128xi32, #tpu.memory_space<vmem>> -> memref<1x128xi32, #tpu.memory_space<vmem>>
      %dma_wait3A_283 = tpu.memref_squeeze %dma_wait3A_282 : memref<1x128xi32, #tpu.memory_space<vmem>> -> memref<128xi32, #tpu.memory_space<vmem>>
      %dma_wait3A_284 = arith.constant 0 : i32
      %dma_wait3A_285 = arith.constant 0 : i32
      %dma_wait3A_286 = tpu.memref_slice %arg17[%dma_wait3A_284, %dma_wait3A_285] : memref<10112x16xf32, #tpu.memory_space<vmem_shared>> -> memref<10112x16xf32, #tpu.memory_space<vmem_shared>>
      tpu.wait_indirect_dma semaphore(%arg26 : memref<!tpu.dma_semaphore, #tpu.memory_space<semaphore_mem>>) src(%arg15 : memref<128x16xf32, #tpu.memory_space<vmem>>) dst(%dma_wait3A_286 : memref<10112x16xf32, #tpu.memory_space<vmem_shared>>)
      %add3A_287 = arith.constant 1 : i32
      %add3A_288 = arith.addi %scan3A_111, %add3A_287 : i32
      %mul3A_289 = arith.constant 8 : i32
      %mul3A_290 = arith.muli %add3A_288, %mul3A_289 : i32
      %add3A_291 = arith.constant 0 : i32
      %add3A_292 = arith.addi %mul3A_290, %add3A_291 : i32
      %lt3A_293 = arith.constant 80 : i32
      %lt3A_294 = arith.cmpi slt, %add3A_292, %lt3A_293 : i32
      %convert_element_type3A_295 = arith.extui %lt3A_294 : i1 to i32
      %cond3A_296 = arith.constant 0 : i32
      %cond3A_297 = arith.cmpi ne, %convert_element_type3A_295, %cond3A_296 : i32
      scf.if %cond3A_297 {
        %dma_start3A_375 = arith.constant 0 : i32
        %dma_start3A_376 = tpu.memref_slice %arg6[%add3A_292, %dma_start3A_375] : memref<80x128xi32, #tpu.memory_space<vmem>> -> memref<1x128xi32, #tpu.memory_space<vmem>>
        %dma_start3A_377 = tpu.memref_squeeze %dma_start3A_376 : memref<1x128xi32, #tpu.memory_space<vmem>> -> memref<128xi32, #tpu.memory_space<vmem>>
        %dma_start3A_378 = arith.constant 0 : i32
        %dma_start3A_379 = arith.constant 0 : i32
        %dma_start3A_380 = tpu.memref_slice %arg2[%dma_start3A_378, %dma_start3A_379] : memref<10112x16xf32, #tpu.memory_space<hbm>> -> memref<10112x16xf32, #tpu.memory_space<hbm>>
        tpu.enqueue_indirect_dma source(%dma_start3A_380 : memref<10112x16xf32, #tpu.memory_space<hbm>>) target(%arg8 : memref<128x16xf32, #tpu.memory_space<vmem>>) offsets(%dma_start3A_377 : memref<128xi32, #tpu.memory_space<vmem>>) semaphore(%arg18 : memref<!tpu.dma_semaphore, #tpu.memory_space<semaphore_mem>>)
      } else {
      }
      %add3A_298 = arith.constant 1 : i32
      %add3A_299 = arith.addi %scan3A_111, %add3A_298 : i32
      %mul3A_300 = arith.constant 8 : i32
      %mul3A_301 = arith.muli %add3A_299, %mul3A_300 : i32
      %add3A_302 = arith.constant 1 : i32
      %add3A_303 = arith.addi %mul3A_301, %add3A_302 : i32
      %lt3A_304 = arith.constant 80 : i32
      %lt3A_305 = arith.cmpi slt, %add3A_303, %lt3A_304 : i32
      %convert_element_type3A_306 = arith.extui %lt3A_305 : i1 to i32
      %cond3A_307 = arith.constant 0 : i32
      %cond3A_308 = arith.cmpi ne, %convert_element_type3A_306, %cond3A_307 : i32
      scf.if %cond3A_308 {
        %dma_start3A_375 = arith.constant 0 : i32
        %dma_start3A_376 = tpu.memref_slice %arg6[%add3A_303, %dma_start3A_375] : memref<80x128xi32, #tpu.memory_space<vmem>> -> memref<1x128xi32, #tpu.memory_space<vmem>>
        %dma_start3A_377 = tpu.memref_squeeze %dma_start3A_376 : memref<1x128xi32, #tpu.memory_space<vmem>> -> memref<128xi32, #tpu.memory_space<vmem>>
        %dma_start3A_378 = arith.constant 0 : i32
        %dma_start3A_379 = arith.constant 0 : i32
        %dma_start3A_380 = tpu.memref_slice %arg2[%dma_start3A_378, %dma_start3A_379] : memref<10112x16xf32, #tpu.memory_space<hbm>> -> memref<10112x16xf32, #tpu.memory_space<hbm>>
        tpu.enqueue_indirect_dma source(%dma_start3A_380 : memref<10112x16xf32, #tpu.memory_space<hbm>>) target(%arg9 : memref<128x16xf32, #tpu.memory_space<vmem>>) offsets(%dma_start3A_377 : memref<128xi32, #tpu.memory_space<vmem>>) semaphore(%arg19 : memref<!tpu.dma_semaphore, #tpu.memory_space<semaphore_mem>>)
      } else {
      }
      %add3A_309 = arith.constant 1 : i32
      %add3A_310 = arith.addi %scan3A_111, %add3A_309 : i32
      %mul3A_311 = arith.constant 8 : i32
      %mul3A_312 = arith.muli %add3A_310, %mul3A_311 : i32
      %add3A_313 = arith.constant 2 : i32
      %add3A_314 = arith.addi %mul3A_312, %add3A_313 : i32
      %lt3A_315 = arith.constant 80 : i32
      %lt3A_316 = arith.cmpi slt, %add3A_314, %lt3A_315 : i32
      %convert_element_type3A_317 = arith.extui %lt3A_316 : i1 to i32
      %cond3A_318 = arith.constant 0 : i32
      %cond3A_319 = arith.cmpi ne, %convert_element_type3A_317, %cond3A_318 : i32
      scf.if %cond3A_319 {
        %dma_start3A_375 = arith.constant 0 : i32
        %dma_start3A_376 = tpu.memref_slice %arg6[%add3A_314, %dma_start3A_375] : memref<80x128xi32, #tpu.memory_space<vmem>> -> memref<1x128xi32, #tpu.memory_space<vmem>>
        %dma_start3A_377 = tpu.memref_squeeze %dma_start3A_376 : memref<1x128xi32, #tpu.memory_space<vmem>> -> memref<128xi32, #tpu.memory_space<vmem>>
        %dma_start3A_378 = arith.constant 0 : i32
        %dma_start3A_379 = arith.constant 0 : i32
        %dma_start3A_380 = tpu.memref_slice %arg2[%dma_start3A_378, %dma_start3A_379] : memref<10112x16xf32, #tpu.memory_space<hbm>> -> memref<10112x16xf32, #tpu.memory_space<hbm>>
        tpu.enqueue_indirect_dma source(%dma_start3A_380 : memref<10112x16xf32, #tpu.memory_space<hbm>>) target(%arg10 : memref<128x16xf32, #tpu.memory_space<vmem>>) offsets(%dma_start3A_377 : memref<128xi32, #tpu.memory_space<vmem>>) semaphore(%arg20 : memref<!tpu.dma_semaphore, #tpu.memory_space<semaphore_mem>>)
      } else {
      }
      %add3A_320 = arith.constant 1 : i32
      %add3A_321 = arith.addi %scan3A_111, %add3A_320 : i32
      %mul3A_322 = arith.constant 8 : i32
      %mul3A_323 = arith.muli %add3A_321, %mul3A_322 : i32
      %add3A_324 = arith.constant 3 : i32
      %add3A_325 = arith.addi %mul3A_323, %add3A_324 : i32
      %lt3A_326 = arith.constant 80 : i32
      %lt3A_327 = arith.cmpi slt, %add3A_325, %lt3A_326 : i32
      %convert_element_type3A_328 = arith.extui %lt3A_327 : i1 to i32
      %cond3A_329 = arith.constant 0 : i32
      %cond3A_330 = arith.cmpi ne, %convert_element_type3A_328, %cond3A_329 : i32
      scf.if %cond3A_330 {
        %dma_start3A_375 = arith.constant 0 : i32
        %dma_start3A_376 = tpu.memref_slice %arg6[%add3A_325, %dma_start3A_375] : memref<80x128xi32, #tpu.memory_space<vmem>> -> memref<1x128xi32, #tpu.memory_space<vmem>>
        %dma_start3A_377 = tpu.memref_squeeze %dma_start3A_376 : memref<1x128xi32, #tpu.memory_space<vmem>> -> memref<128xi32, #tpu.memory_space<vmem>>
        %dma_start3A_378 = arith.constant 0 : i32
        %dma_start3A_379 = arith.constant 0 : i32
        %dma_start3A_380 = tpu.memref_slice %arg2[%dma_start3A_378, %dma_start3A_379] : memref<10112x16xf32, #tpu.memory_space<hbm>> -> memref<10112x16xf32, #tpu.memory_space<hbm>>
        tpu.enqueue_indirect_dma source(%dma_start3A_380 : memref<10112x16xf32, #tpu.memory_space<hbm>>) target(%arg11 : memref<128x16xf32, #tpu.memory_space<vmem>>) offsets(%dma_start3A_377 : memref<128xi32, #tpu.memory_space<vmem>>) semaphore(%arg21 : memref<!tpu.dma_semaphore, #tpu.memory_space<semaphore_mem>>)
      } else {
      }
      %add3A_331 = arith.constant 1 : i32
      %add3A_332 = arith.addi %scan3A_111, %add3A_331 : i32
      %mul3A_333 = arith.constant 8 : i32
      %mul3A_334 = arith.muli %add3A_332, %mul3A_333 : i32
      %add3A_335 = arith.constant 4 : i32
      %add3A_336 = arith.addi %mul3A_334, %add3A_335 : i32
      %lt3A_337 = arith.constant 80 : i32
      %lt3A_338 = arith.cmpi slt, %add3A_336, %lt3A_337 : i32
      %convert_element_type3A_339 = arith.extui %lt3A_338 : i1 to i32
      %cond3A_340 = arith.constant 0 : i32
      %cond3A_341 = arith.cmpi ne, %convert_element_type3A_339, %cond3A_340 : i32
      scf.if %cond3A_341 {
        %dma_start3A_375 = arith.constant 0 : i32
        %dma_start3A_376 = tpu.memref_slice %arg6[%add3A_336, %dma_start3A_375] : memref<80x128xi32, #tpu.memory_space<vmem>> -> memref<1x128xi32, #tpu.memory_space<vmem>>
        %dma_start3A_377 = tpu.memref_squeeze %dma_start3A_376 : memref<1x128xi32, #tpu.memory_space<vmem>> -> memref<128xi32, #tpu.memory_space<vmem>>
        %dma_start3A_378 = arith.constant 0 : i32
        %dma_start3A_379 = arith.constant 0 : i32
        %dma_start3A_380 = tpu.memref_slice %arg2[%dma_start3A_378, %dma_start3A_379] : memref<10112x16xf32, #tpu.memory_space<hbm>> -> memref<10112x16xf32, #tpu.memory_space<hbm>>
        tpu.enqueue_indirect_dma source(%dma_start3A_380 : memref<10112x16xf32, #tpu.memory_space<hbm>>) target(%arg12 : memref<128x16xf32, #tpu.memory_space<vmem>>) offsets(%dma_start3A_377 : memref<128xi32, #tpu.memory_space<vmem>>) semaphore(%arg22 : memref<!tpu.dma_semaphore, #tpu.memory_space<semaphore_mem>>)
      } else {
      }
      %add3A_342 = arith.constant 1 : i32
      %add3A_343 = arith.addi %scan3A_111, %add3A_342 : i32
      %mul3A_344 = arith.constant 8 : i32
      %mul3A_345 = arith.muli %add3A_343, %mul3A_344 : i32
      %add3A_346 = arith.constant 5 : i32
      %add3A_347 = arith.addi %mul3A_345, %add3A_346 : i32
      %lt3A_348 = arith.constant 80 : i32
      %lt3A_349 = arith.cmpi slt, %add3A_347, %lt3A_348 : i32
      %convert_element_type3A_350 = arith.extui %lt3A_349 : i1 to i32
      %cond3A_351 = arith.constant 0 : i32
      %cond3A_352 = arith.cmpi ne, %convert_element_type3A_350, %cond3A_351 : i32
      scf.if %cond3A_352 {
        %dma_start3A_375 = arith.constant 0 : i32
        %dma_start3A_376 = tpu.memref_slice %arg6[%add3A_347, %dma_start3A_375] : memref<80x128xi32, #tpu.memory_space<vmem>> -> memref<1x128xi32, #tpu.memory_space<vmem>>
        %dma_start3A_377 = tpu.memref_squeeze %dma_start3A_376 : memref<1x128xi32, #tpu.memory_space<vmem>> -> memref<128xi32, #tpu.memory_space<vmem>>
        %dma_start3A_378 = arith.constant 0 : i32
        %dma_start3A_379 = arith.constant 0 : i32
        %dma_start3A_380 = tpu.memref_slice %arg2[%dma_start3A_378, %dma_start3A_379] : memref<10112x16xf32, #tpu.memory_space<hbm>> -> memref<10112x16xf32, #tpu.memory_space<hbm>>
        tpu.enqueue_indirect_dma source(%dma_start3A_380 : memref<10112x16xf32, #tpu.memory_space<hbm>>) target(%arg13 : memref<128x16xf32, #tpu.memory_space<vmem>>) offsets(%dma_start3A_377 : memref<128xi32, #tpu.memory_space<vmem>>) semaphore(%arg23 : memref<!tpu.dma_semaphore, #tpu.memory_space<semaphore_mem>>)
      } else {
      }
      %add3A_353 = arith.constant 1 : i32
      %add3A_354 = arith.addi %scan3A_111, %add3A_353 : i32
      %mul3A_355 = arith.constant 8 : i32
      %mul3A_356 = arith.muli %add3A_354, %mul3A_355 : i32
      %add3A_357 = arith.constant 6 : i32
      %add3A_358 = arith.addi %mul3A_356, %add3A_357 : i32
      %lt3A_359 = arith.constant 80 : i32
      %lt3A_360 = arith.cmpi slt, %add3A_358, %lt3A_359 : i32
      %convert_element_type3A_361 = arith.extui %lt3A_360 : i1 to i32
      %cond3A_362 = arith.constant 0 : i32
      %cond3A_363 = arith.cmpi ne, %convert_element_type3A_361, %cond3A_362 : i32
      scf.if %cond3A_363 {
        %dma_start3A_375 = arith.constant 0 : i32
        %dma_start3A_376 = tpu.memref_slice %arg6[%add3A_358, %dma_start3A_375] : memref<80x128xi32, #tpu.memory_space<vmem>> -> memref<1x128xi32, #tpu.memory_space<vmem>>
        %dma_start3A_377 = tpu.memref_squeeze %dma_start3A_376 : memref<1x128xi32, #tpu.memory_space<vmem>> -> memref<128xi32, #tpu.memory_space<vmem>>
        %dma_start3A_378 = arith.constant 0 : i32
        %dma_start3A_379 = arith.constant 0 : i32
        %dma_start3A_380 = tpu.memref_slice %arg2[%dma_start3A_378, %dma_start3A_379] : memref<10112x16xf32, #tpu.memory_space<hbm>> -> memref<10112x16xf32, #tpu.memory_space<hbm>>
        tpu.enqueue_indirect_dma source(%dma_start3A_380 : memref<10112x16xf32, #tpu.memory_space<hbm>>) target(%arg14 : memref<128x16xf32, #tpu.memory_space<vmem>>) offsets(%dma_start3A_377 : memref<128xi32, #tpu.memory_space<vmem>>) semaphore(%arg24 : memref<!tpu.dma_semaphore, #tpu.memory_space<semaphore_mem>>)
      } else {
      }
      %add3A_364 = arith.constant 1 : i32
      %add3A_365 = arith.addi %scan3A_111, %add3A_364 : i32
      %mul3A_366 = arith.constant 8 : i32
      %mul3A_367 = arith.muli %add3A_365, %mul3A_366 : i32
      %add3A_368 = arith.constant 7 : i32
      %add3A_369 = arith.addi %mul3A_367, %add3A_368 : i32
      %lt3A_370 = arith.constant 80 : i32
      %lt3A_371 = arith.cmpi slt, %add3A_369, %lt3A_370 : i32
      %convert_element_type3A_372 = arith.extui %lt3A_371 : i1 to i32
      %cond3A_373 = arith.constant 0 : i32
      %cond3A_374 = arith.cmpi ne, %convert_element_type3A_372, %cond3A_373 : i32
      scf.if %cond3A_374 {
        %dma_start3A_375 = arith.constant 0 : i32
        %dma_start3A_376 = tpu.memref_slice %arg6[%add3A_369, %dma_start3A_375] : memref<80x128xi32, #tpu.memory_space<vmem>> -> memref<1x128xi32, #tpu.memory_space<vmem>>
        %dma_start3A_377 = tpu.memref_squeeze %dma_start3A_376 : memref<1x128xi32, #tpu.memory_space<vmem>> -> memref<128xi32, #tpu.memory_space<vmem>>
        %dma_start3A_378 = arith.constant 0 : i32
        %dma_start3A_379 = arith.constant 0 : i32
        %dma_start3A_380 = tpu.memref_slice %arg2[%dma_start3A_378, %dma_start3A_379] : memref<10112x16xf32, #tpu.memory_space<hbm>> -> memref<10112x16xf32, #tpu.memory_space<hbm>>
        tpu.enqueue_indirect_dma source(%dma_start3A_380 : memref<10112x16xf32, #tpu.memory_space<hbm>>) target(%arg15 : memref<128x16xf32, #tpu.memory_space<vmem>>) offsets(%dma_start3A_377 : memref<128xi32, #tpu.memory_space<vmem>>) semaphore(%arg25 : memref<!tpu.dma_semaphore, #tpu.memory_space<semaphore_mem>>)
      } else {
      }
    }
    %scan3A_109 = arith.constant 10 : i32
    %barrier3A_110 = arith.constant 0 : index
    tpu.barrier barrier_id(%barrier3A_110)
    "tpu.region"() ({
      %run_scoped3A = tpu.sem_alloc : memref<!tpu.dma_semaphore, #tpu.memory_space<semaphore_mem>>
      %dma_start3A_111 = arith.constant 0 : i32
      %dma_start3A_112 = tpu.memref_slice %arg17[%mul3A_2, %dma_start3A_111] : memref<10112x16xf32, #tpu.memory_space<vmem_shared>> -> memref<632x16xf32, #tpu.memory_space<vmem_shared>>
      %dma_start3A_113 = arith.constant 0 : i32
      %dma_start3A_114 = tpu.memref_slice %arg17[%mul3A_2, %dma_start3A_113] : memref<10112x16xf32, #tpu.memory_space<vmem_shared>> -> memref<632x16xf32, #tpu.memory_space<vmem_shared>>
      tpu.enqueue_dma source(%dma_start3A_114 : memref<632x16xf32, #tpu.memory_space<vmem_shared>>) target(%arg16 : memref<632x16xf32, #tpu.memory_space<vmem>>) target_semaphore(%run_scoped3A : memref<!tpu.dma_semaphore, #tpu.memory_space<semaphore_mem>>)
      %dma_wait3A = arith.constant 0 : i32
      %dma_wait3A_115 = tpu.memref_slice %arg17[%mul3A_2, %dma_wait3A] : memref<10112x16xf32, #tpu.memory_space<vmem_shared>> -> memref<632x16xf32, #tpu.memory_space<vmem_shared>>
      %dma_wait3A_116 = arith.constant 0 : i32
      %dma_wait3A_117 = tpu.memref_slice %arg17[%mul3A_2, %dma_wait3A_116] : memref<10112x16xf32, #tpu.memory_space<vmem_shared>> -> memref<632x16xf32, #tpu.memory_space<vmem_shared>>
      tpu.wait_dma2 semaphore(%run_scoped3A : memref<!tpu.dma_semaphore, #tpu.memory_space<semaphore_mem>>) src(%dma_wait3A_117 : memref<632x16xf32, #tpu.memory_space<vmem_shared>>) dst(%arg16 : memref<632x16xf32, #tpu.memory_space<vmem>>)
      tpu.yield
    }) : () -> ()
    "tpu.region"() ({
      %run_scoped3A = tpu.sem_alloc : memref<!tpu.dma_semaphore, #tpu.memory_space<semaphore_mem>>
      %dma_start3A_111 = arith.constant 0 : i32
      %dma_start3A_112 = tpu.memref_slice %arg5[%arg0, %mul3A_2, %dma_start3A_111] : memref<2x10112x16xf32, #tpu.memory_space<hbm>> -> memref<1x632x16xf32, #tpu.memory_space<hbm>>
      %dma_start3A_113 = tpu.memref_squeeze %dma_start3A_112 : memref<1x632x16xf32, #tpu.memory_space<hbm>> -> memref<632x16xf32, #tpu.memory_space<hbm>>
      %dma_start3A_114 = arith.constant 0 : i32
      %dma_start3A_115 = tpu.memref_slice %arg5[%arg0, %mul3A_2, %dma_start3A_114] : memref<2x10112x16xf32, #tpu.memory_space<hbm>> -> memref<1x632x16xf32, #tpu.memory_space<hbm>>
      %dma_start3A_116 = tpu.memref_squeeze %dma_start3A_115 : memref<1x632x16xf32, #tpu.memory_space<hbm>> -> memref<632x16xf32, #tpu.memory_space<hbm>>
      tpu.enqueue_dma source(%arg16 : memref<632x16xf32, #tpu.memory_space<vmem>>) target(%dma_start3A_116 : memref<632x16xf32, #tpu.memory_space<hbm>>) target_semaphore(%run_scoped3A : memref<!tpu.dma_semaphore, #tpu.memory_space<semaphore_mem>>)
      %dma_wait3A = arith.constant 0 : i32
      %dma_wait3A_117 = tpu.memref_slice %arg5[%arg0, %mul3A_2, %dma_wait3A] : memref<2x10112x16xf32, #tpu.memory_space<hbm>> -> memref<1x632x16xf32, #tpu.memory_space<hbm>>
      %dma_wait3A_118 = tpu.memref_squeeze %dma_wait3A_117 : memref<1x632x16xf32, #tpu.memory_space<hbm>> -> memref<632x16xf32, #tpu.memory_space<hbm>>
      %dma_wait3A_119 = arith.constant 0 : i32
      %dma_wait3A_120 = tpu.memref_slice %arg5[%arg0, %mul3A_2, %dma_wait3A_119] : memref<2x10112x16xf32, #tpu.memory_space<hbm>> -> memref<1x632x16xf32, #tpu.memory_space<hbm>>
      %dma_wait3A_121 = tpu.memref_squeeze %dma_wait3A_120 : memref<1x632x16xf32, #tpu.memory_space<hbm>> -> memref<632x16xf32, #tpu.memory_space<hbm>>
      tpu.wait_dma2 semaphore(%run_scoped3A : memref<!tpu.dma_semaphore, #tpu.memory_space<semaphore_mem>>) src(%arg16 : memref<632x16xf32, #tpu.memory_space<vmem>>) dst(%dma_wait3A_121 : memref<632x16xf32, #tpu.memory_space<hbm>>)
      tpu.yield
    }) : () -> ()
    return
  }
}

module attributes {stable_mosaic.version = 14 : i64} {
  func.func @body(%arg0: i32, %arg1: memref<512x64xf32, #tpu.memory_space<vmem>>, %arg2: memref<512x64xf32, #tpu.memory_space<vmem>>, %arg3: memref<128x128xf32, #tpu.memory_space<vmem>>, %arg4: memref<128x128xf32, #tpu.memory_space<vmem>>, %arg5: memref<128x2xf32, #tpu.memory_space<vmem>>, %arg6: memref<128x1xf32, #tpu.memory_space<vmem>>, %arg7: memref<2x1xf32, #tpu.memory_space<vmem>>, %arg8: memref<16x512xf32, #tpu.memory_space<vmem>>, %arg9: memref<16x512xf32, #tpu.memory_space<vmem>>, %arg10: memref<128x32xf32, #tpu.memory_space<vmem>>) attributes {dimension_semantics = [#tpu.dimension_semantics<arbitrary>], iteration_bounds = array<i64: 20>, scalar_prefetch = 0 : i64, scratch_operands = 1 : i64, tpu.core_type = #tpu.core_type<tc>, window_params = [{transform_indices = @transform_0, window_bounds = array<i64: 512, 64>}, {transform_indices = @transform_1, window_bounds = array<i64: 512, 64>}, {pipeline_mode = #tpu.pipeline_mode<synchronous>, transform_indices = @transform_2, window_bounds = array<i64: 128, 128>}, {pipeline_mode = #tpu.pipeline_mode<synchronous>, transform_indices = @transform_3, window_bounds = array<i64: 128, 128>}, {pipeline_mode = #tpu.pipeline_mode<synchronous>, transform_indices = @transform_4, window_bounds = array<i64: 128, 2>}, {pipeline_mode = #tpu.pipeline_mode<synchronous>, transform_indices = @transform_5, window_bounds = array<i64: 128, 1>}, {pipeline_mode = #tpu.pipeline_mode<synchronous>, transform_indices = @transform_6, window_bounds = array<i64: 2, 1>}, {transform_indices = @transform_7, window_bounds = array<i64: 16, 512>}, {transform_indices = @transform_8, window_bounds = array<i64: 16, 512>}]} {
    %get3A = arith.constant 0 : index
    %get3A_0 = arith.constant 0 : index
    %get3A_1 = vector.load %arg5[%get3A, %get3A_0] : memref<128x2xf32, #tpu.memory_space<vmem>>, vector<128x2xf32>
    %broadcast_in_dim3A = arith.constant 0.000000e+00 : f32
    %broadcast_in_dim3A_2 = vector.broadcast %broadcast_in_dim3A : f32 to vector<128x14xf32>
    %concatenate3A = tpu.concatenate %get3A_1, %broadcast_in_dim3A_2 in 1 : vector<128x2xf32>, vector<128x14xf32> -> vector<128x16xf32>
    %eq3A = arith.constant 0 : i32
    %eq3A_3 = arith.cmpi eq, %arg0, %eq3A : i32
    %convert_element_type3A = arith.extui %eq3A_3 : i1 to i32
    %cond3A = arith.constant 0 : i32
    %cond3A_4 = arith.cmpi ne, %convert_element_type3A, %cond3A : i32
    scf.if %cond3A_4 {
      %get3A_35 = arith.constant 0 : index
      %get3A_36 = arith.constant 0 : index
      %get3A_37 = vector.load %arg3[%get3A_35, %get3A_36] : memref<128x128xf32, #tpu.memory_space<vmem>>, vector<128x128xf32>
      %dot_general3A_38 = arith.constant dense<0.000000e+00> : vector<128x16xf32>
      %dot_general3A_39 = tpu.matmul %get3A_37, %concatenate3A, %dot_general3A_38 {dimension_numbers = #tpu.dot_dimension_numbers<[1], [0], [0], [1], [0, 0, 1, 1], [], []>, transpose_lhs_hint = false} : vector<128x128xf32>, vector<128x16xf32>, vector<128x16xf32> -> vector<128x16xf32>
      %swap3A_40 = arith.constant 0 : index
      %swap3A_41 = arith.constant 0 : index
      %swap3A_42 = vector.load %arg10[%swap3A_40, %swap3A_41] : memref<128x32xf32, #tpu.memory_space<vmem>>, vector<128x16xf32>
      tpu.vector_store %arg10[%swap3A_40, %swap3A_41], %dot_general3A_39 {strides = array<i32>} : memref<128x32xf32, #tpu.memory_space<vmem>>, vector<128x16xf32>,
      %get3A_43 = arith.constant 0 : index
      %get3A_44 = arith.constant 0 : index
      %get3A_45 = vector.load %arg4[%get3A_43, %get3A_44] : memref<128x128xf32, #tpu.memory_space<vmem>>, vector<128x128xf32>
      %dot_general3A_46 = arith.constant dense<0.000000e+00> : vector<128x16xf32>
      %dot_general3A_47 = tpu.matmul %get3A_45, %concatenate3A, %dot_general3A_46 {dimension_numbers = #tpu.dot_dimension_numbers<[1], [0], [0], [1], [0, 0, 1, 1], [], []>, transpose_lhs_hint = false} : vector<128x128xf32>, vector<128x16xf32>, vector<128x16xf32> -> vector<128x16xf32>
      %swap3A_48 = arith.constant 0 : index
      %swap3A_49 = arith.constant 16 : index
      %swap3A_50 = vector.load %arg10[%swap3A_48, %swap3A_49] : memref<128x32xf32, #tpu.memory_space<vmem>>, vector<128x16xf32>
      tpu.vector_store %arg10[%swap3A_48, %swap3A_49], %dot_general3A_47 {strides = array<i32>} : memref<128x32xf32, #tpu.memory_space<vmem>>, vector<128x16xf32>,
    } else {
    }
    %get3A_5 = arith.constant 0 : index
    %get3A_6 = arith.constant 0 : index
    %get3A_7 = vector.load %arg6[%get3A_5, %get3A_6] : memref<128x1xf32, #tpu.memory_space<vmem>>, vector<128x1xf32>
    %dot_general3A = arith.constant dense<0.000000e+00> : vector<16x1xf32>
    %dot_general3A_8 = tpu.matmul %concatenate3A, %get3A_7, %dot_general3A {dimension_numbers = #tpu.dot_dimension_numbers<[0], [0], [1], [1], [0, 1, 1, 1], [], []>, transpose_lhs_hint = false} : vector<128x16xf32>, vector<128x1xf32>, vector<16x1xf32> -> vector<16x1xf32>
    %get3A_9 = arith.constant 0 : index
    %get3A_10 = arith.constant 0 : index
    %get3A_11 = vector.load %arg7[%get3A_9, %get3A_10] : memref<2x1xf32, #tpu.memory_space<vmem>>, vector<2x1xf32>
    %broadcast_in_dim3A_12 = arith.constant 0.000000e+00 : f32
    %broadcast_in_dim3A_13 = vector.broadcast %broadcast_in_dim3A_12 : f32 to vector<14x1xf32>
    %concatenate3A_14 = tpu.concatenate %get3A_11, %broadcast_in_dim3A_13 in 0 : vector<2x1xf32>, vector<14x1xf32> -> vector<16x1xf32>
    %add3A = arith.addf %dot_general3A_8, %concatenate3A_14 : vector<16x1xf32>
    %get3A_15 = arith.constant 0 : index
    %get3A_16 = arith.constant 0 : index
    %get3A_17 = vector.load %arg1[%get3A_15, %get3A_16] : memref<512x64xf32, #tpu.memory_space<vmem>>, vector<512x64xf32>
    %get3A_18 = arith.constant 0 : index
    %get3A_19 = arith.constant 0 : index
    %get3A_20 = vector.load %arg2[%get3A_18, %get3A_19] : memref<512x64xf32, #tpu.memory_space<vmem>>, vector<512x64xf32>
    %concatenate3A_21 = tpu.concatenate %get3A_17, %get3A_20 in 1 : vector<512x64xf32>, vector<512x64xf32> -> vector<512x128xf32>
    %get3A_22 = arith.constant 0 : index
    %get3A_23 = arith.constant 0 : index
    %get3A_24 = vector.load %arg10[%get3A_22, %get3A_23] : memref<128x32xf32, #tpu.memory_space<vmem>>, vector<128x32xf32>
    %dot_general3A_25 = arith.constant dense<0.000000e+00> : vector<32x512xf32>
    %dot_general3A_26 = tpu.matmul %get3A_24, %concatenate3A_21, %dot_general3A_25 {dimension_numbers = #tpu.dot_dimension_numbers<[0], [1], [1], [0], [0, 1, 1, 0], [], []>, transpose_lhs_hint = false} : vector<128x32xf32>, vector<512x128xf32>, vector<32x512xf32> -> vector<32x512xf32>
    %slice3A = vector.extract_strided_slice %dot_general3A_26 {offsets = [0, 0], sizes = [16, 512], strides = [1, 1]} : vector<32x512xf32> to vector<16x512xf32>
    %swap3A = arith.constant 0 : index
    %swap3A_27 = arith.constant 0 : index
    %swap3A_28 = vector.load %arg8[%swap3A, %swap3A_27] : memref<16x512xf32, #tpu.memory_space<vmem>>, vector<16x512xf32>
    tpu.vector_store %arg8[%swap3A, %swap3A_27], %slice3A {strides = array<i32>} : memref<16x512xf32, #tpu.memory_space<vmem>>, vector<16x512xf32>,
    %slice3A_29 = vector.extract_strided_slice %dot_general3A_26 {offsets = [16, 0], sizes = [16, 512], strides = [1, 1]} : vector<32x512xf32> to vector<16x512xf32>
    %add3A_30 = vector.broadcast %add3A : vector<16x1xf32> to vector<16x512xf32>
    %add3A_31 = arith.addf %slice3A_29, %add3A_30 : vector<16x512xf32>
    %swap3A_32 = arith.constant 0 : index
    %swap3A_33 = arith.constant 0 : index
    %swap3A_34 = vector.load %arg9[%swap3A_32, %swap3A_33] : memref<16x512xf32, #tpu.memory_space<vmem>>, vector<16x512xf32>
    tpu.vector_store %arg9[%swap3A_32, %swap3A_33], %add3A_31 {strides = array<i32>} : memref<16x512xf32, #tpu.memory_space<vmem>>, vector<16x512xf32>,
    return
  }
  func.func @transform_0(%arg0: i32) -> (i32, i32) {
    %c0_i32 = arith.constant 0 : i32
    %c0_i32_0 = arith.constant 0 : i32
    return %arg0, %c0_i32 : i32, i32
  }
  func.func @transform_1(%arg0: i32) -> (i32, i32) {
    %c0_i32 = arith.constant 0 : i32
    %c0_i32_0 = arith.constant 0 : i32
    return %arg0, %c0_i32 : i32, i32
  }
  func.func @transform_2(%arg0: i32) -> (i32, i32) {
    %c0_i32 = arith.constant 0 : i32
    %c0_i32_0 = arith.constant 0 : i32
    %c0_i32_1 = arith.constant 0 : i32
    return %c0_i32, %c0_i32_0 : i32, i32
  }
  func.func @transform_3(%arg0: i32) -> (i32, i32) {
    %c0_i32 = arith.constant 0 : i32
    %c0_i32_0 = arith.constant 0 : i32
    %c0_i32_1 = arith.constant 0 : i32
    return %c0_i32, %c0_i32_0 : i32, i32
  }
  func.func @transform_4(%arg0: i32) -> (i32, i32) {
    %c0_i32 = arith.constant 0 : i32
    %c0_i32_0 = arith.constant 0 : i32
    %c0_i32_1 = arith.constant 0 : i32
    return %c0_i32, %c0_i32_0 : i32, i32
  }
  func.func @transform_5(%arg0: i32) -> (i32, i32) {
    %c0_i32 = arith.constant 0 : i32
    %c0_i32_0 = arith.constant 0 : i32
    %c0_i32_1 = arith.constant 0 : i32
    return %c0_i32, %c0_i32_0 : i32, i32
  }
  func.func @transform_6(%arg0: i32) -> (i32, i32) {
    %c0_i32 = arith.constant 0 : i32
    %c0_i32_0 = arith.constant 0 : i32
    %c0_i32_1 = arith.constant 0 : i32
    return %c0_i32, %c0_i32_0 : i32, i32
  }
  func.func @transform_7(%arg0: i32) -> (i32, i32) {
    %c0_i32 = arith.constant 0 : i32
    %c0_i32_0 = arith.constant 0 : i32
    return %c0_i32, %arg0 : i32, i32
  }
  func.func @transform_8(%arg0: i32) -> (i32, i32) {
    %c0_i32 = arith.constant 0 : i32
    %c0_i32_0 = arith.constant 0 : i32
    return %c0_i32, %arg0 : i32, i32
  }
}

module attributes {stable_mosaic.version = 14 : i64} {
  func.func @body(%arg0: i32, %arg1: memref<2x16x512xf32, #tpu.memory_space<vmem>>, %arg2: memref<2x512xf32, #tpu.memory_space<vmem>>) attributes {dimension_semantics = [#tpu.dimension_semantics<arbitrary>], iteration_bounds = array<i64: 20>, scalar_prefetch = 0 : i64, scratch_operands = 0 : i64, tpu.core_type = #tpu.core_type<tc>, window_params = [{transform_indices = @transform_0, window_bounds = array<i64: 2, 16, 512>}, {transform_indices = @transform_1, window_bounds = array<i64: 2, 512>}]} {
    %get3A = arith.constant 0 : index
    %get3A_0 = arith.constant 0 : index
    %get3A_1 = arith.constant 0 : index
    %get3A_2 = vector.load %arg1[%get3A, %get3A_0, %get3A_1] : memref<2x16x512xf32, #tpu.memory_space<vmem>>, vector<1x16x512xf32>
    %get3A_3 = vector.shape_cast %get3A_2 : vector<1x16x512xf32> to vector<16x512xf32>
    %get3A_4 = arith.constant 1 : index
    %get3A_5 = arith.constant 0 : index
    %get3A_6 = arith.constant 0 : index
    %get3A_7 = vector.load %arg1[%get3A_4, %get3A_5, %get3A_6] : memref<2x16x512xf32, #tpu.memory_space<vmem>>, vector<1x16x512xf32>
    %get3A_8 = vector.shape_cast %get3A_7 : vector<1x16x512xf32> to vector<16x512xf32>
    %add3A = arith.addf %get3A_3, %get3A_8 : vector<16x512xf32>
    %slice3A = vector.extract_strided_slice %add3A {offsets = [0, 0], sizes = [2, 512], strides = [1, 1]} : vector<16x512xf32> to vector<2x512xf32>
    %swap3A = arith.constant 0 : index
    %swap3A_9 = arith.constant 0 : index
    %swap3A_10 = vector.load %arg2[%swap3A, %swap3A_9] : memref<2x512xf32, #tpu.memory_space<vmem>>, vector<2x512xf32>
    tpu.vector_store %arg2[%swap3A, %swap3A_9], %slice3A {strides = array<i32>} : memref<2x512xf32, #tpu.memory_space<vmem>>, vector<2x512xf32>,
    return
  }
  func.func @transform_0(%arg0: i32) -> (i32, i32, i32) {
    %c0_i32 = arith.constant 0 : i32
    %c0_i32_0 = arith.constant 0 : i32
    %c0_i32_1 = arith.constant 0 : i32
    return %c0_i32, %c0_i32_0, %arg0 : i32, i32, i32
  }
  func.func @transform_1(%arg0: i32) -> (i32, i32) {
    %c0_i32 = arith.constant 0 : i32
    %c0_i32_0 = arith.constant 0 : i32
    return %c0_i32, %arg0 : i32, i32
  }
}

</mosaic_0001>

<sc_bundles>
// kernel: kernel.5.cloned.1.call-start
scs
__scs_entry_jumppad:
0x0: {  	(pc) =	sbr.rel $0x88, $3  }
0x1: {  	(tag) =	ssettag $0x0;
	lr =	simm.s32 $0x1  }
0x2: {  	[smem:$0x3F99] =	sst lr;
	_ =	strace $0xD0000000  }
0x3: {  	_ = 	snop  }
0x4: {  	_ = 	snop  }
0x5: {  	_ = 	snop  }
0x6: {  	_ = 	snop  }
0x7: {  	_ = 	snop  }
__scs_overlays_trampoline_lowered:
0x8: {  	[smem:$0x3FA8] =	sst s0  }
0x9: {  	[smem:$0x3FA9] =	sst s1  }
0xa: {  	[smem:$0x3FAA] =	sst s2  }
0xb: {  	[smem:$0x3FAB] =	sst s3  }
0xc: {  	[smem:$0x3FAC] =	sst s4  }
0xd: {  	[smem:$0x3FAD] =	sst s5  }
0xe: {  	[smem:$0x3FAE] =	sst s6  }
0xf: {  	[smem:$0x3FAF] =	sst s7  }
0x10: {  	[smem:$0x3FB0] =	sst s8  }
0x11: {  	[smem:$0x3FB1] =	sst s9;
	s0 =	simm.s32 @!p0 $0x0  }
0x12: {  	s1 =	sld [smem:$0x3F97];
	s0 =	simm.s32 @p0 $0x1  }
0x13: {  	[smem:$0x3FB2] =	sst s0;
	s0 =	simm.s32 @!p1 $0x0  }
0x14: {  	s2 =	sld [smem:$0x3F96];
	s0 =	simm.s32 @p1 $0x1  }
0x15: {  	[smem:$0x3FB3] =	sst s0;
	s0 =	simm.s32 @!p2 $0x0  }
0x16: {  	s3 =	sld [smem:$0x3FDB];
	s0 =	simm.s32 @p2 $0x1  }
0x17: {  	s4 =	simm.s32 $0x1BF5;
	[smem:$0x3FB5] =	sst s0  }
0x18: {  	s0 =	sld [smem:$0x3F98];
	_ =	swait.ge [sflag:s4], $0x0  }
0x19: {  	s7 =	sld [smem:$0x3F99]  }
0x1a: {  	s8 =	sadd.s32 $0xFFFFE003, lr  }
0x1b: {  	s9 =	sadd.s32 $0xFFFFFEF7, lr;
	s5 =	simm.s32 $0xFFFFFFFF;
	p2 =	slt.u32 s8, $0xFFFFF086  }
0x1c: {  	p1 =	slt.u32 s9, $0xF7A;
	s5 =	simm.s32 @!p2 $0x0  }
0x1d: {  	s5 =	simm.s32 @p1 $0x1;
	p0 =	seq.s32 s7, s2  }
0x1e: {  	s7 =	smul.u32 @!p0 $0xF7A, s2;
	p2 =	seq.s32 @!p0 s5, $0x0  }
0x1f: {  	s9 =	smul.u32 $0xF7A, s1;
	s8 =	simm.s32 @!p0 $0x1BF5;
	p2 =	por !p2, p0  }
0x20: {  	[sflag:s8] =	ssyncset.s32 @!p0 $0xFFFFF086;
	s6 =	sadd.s32 @!p0 s3, s7;
	s7 =	simm.s32 @!p0 $0x108  }
0x21: {  	s3 =	sadd.s32 s3, s9;
	s6 =	sadd.s32 @!p0 $0x88, s6;
	s7 =	simm.s32 @p2 $0x1082  }
0x22: {  	[simem:s7], [sflag:s8] =	dma.local @!p0 [hbm:s6], $0xF7A  }
0x23: {  	s9 =	sor.u32 $0xD0000000, s2;
	s6 =	simm.s32 $0x108;
	_ =	swait.ge @!p0 [sflag:s8], $0x0  }
0x24: {  	s3 =	sadd.s32 $0x88, s3;
	s6 =	simm.s32 @!p1 $0x1082;
	[sflag:s4] =	ssyncset.s32 $0xFFFFF086  }
0x25: {  	[simem:s6], [sflag:s4] =	dma.local [hbm:s3], $0xF7A  }
0x26: {  	[smem:$0x3F99] =	sst s1;
	(tag) =	ssettag s2;
	_ =	strace s9  }
0x27: {  	s1 =	sld [smem:$0x3FA9]  }
0x28: {  	s2 =	sld [smem:$0x3FAA]  }
0x29: {  	s4 =	sld [smem:$0x3FAC]  }
0x2a: {  	p0 =	seq.s32 s5, $0x0;
	s5 =	sld [smem:$0x3FAD]  }
0x2b: {  	s6 =	sld [smem:$0x3FAE]  }
0x2c: {  	s7 =	sld [smem:$0x3FAF]  }
0x2d: {  	s3 =	simm.s32 $0x108;
	s8 =	sld [smem:$0x3FB0]  }
0x2e: {  	s3 =	simm.s32 @!p0 $0x1082;
	s9 =	sld [smem:$0x3FB1]  }
0x2f: {  	lr =	sadd.s32 s0, s3;
	s0 =	sld [smem:$0x3FA8]  }
0x30: {  	s3 =	sld [smem:$0x3FAB]  }
0x31: {  	[smem:$0x3FB4] =	sst s10  }
0x32: {  	s10 =	sld [smem:$0x3FB2];
	_ =	sdelay $0x3  }
0x33: {  	p0 =	seq.s32 s10, $0x1;
	s10 =	sld [smem:$0x3FB4];
	_ =	sdelay $0x3  }
0x34: {  	[smem:$0x3FB4] =	sst s10  }
0x35: {  	s10 =	sld [smem:$0x3FB3];
	_ =	sdelay $0x3  }
0x36: {  	p1 =	seq.s32 s10, $0x1;
	s10 =	sld [smem:$0x3FB4];
	_ =	sdelay $0x3  }
0x37: {  	[smem:$0x3FB4] =	sst s10  }
0x38: {  	s10 =	sld [smem:$0x3FB5]  }
0x39: {  	_ = 	snop;
	(pc) =	sbr.ind lr, $3  }
0x3a: {  	_ = 	snop  }
0x3b: {  	_ = 	snop  }
0x3c: {  	p2 =	seq.s32 s10, $0x1;
	s10 =	sld [smem:$0x3FB4]  }
0x3d: {  	_ =	shalt  }
0x3e: {  	_ =	shalt  }
0x3f: {  	_ =	shalt  }
0x40: {  	_ =	shalt  }
0x41: {  	_ =	shalt  }
0x42: {  	_ =	shalt  }
0x43: {  	_ =	shalt  }
0x44: {  	_ =	shalt  }
0x45: {  	_ =	shalt  }
0x46: {  	_ =	shalt  }
0x47: {  	_ =	shalt  }
0x48: {  	_ =	shalt  }
0x49: {  	_ =	shalt  }
0x4a: {  	_ =	shalt  }
0x4b: {  	_ =	shalt  }
0x4c: {  	_ =	shalt  }
0x4d: {  	_ =	shalt  }
0x4e: {  	_ =	shalt  }
0x4f: {  	_ =	shalt  }
0x50: {  	_ =	shalt  }
0x51: {  	_ =	shalt  }
0x52: {  	_ =	shalt  }
0x53: {  	_ =	shalt  }
0x54: {  	_ =	shalt  }
0x55: {  	_ =	shalt  }
0x56: {  	_ =	shalt  }
0x57: {  	_ =	shalt  }
0x58: {  	_ =	shalt  }
0x59: {  	_ =	shalt  }
0x5a: {  	_ =	shalt  }
0x5b: {  	_ =	shalt  }
0x5c: {  	_ =	shalt  }
0x5d: {  	_ =	shalt  }
0x5e: {  	_ =	shalt  }
0x5f: {  	_ =	shalt  }
0x60: {  	_ =	shalt  }
0x61: {  	_ =	shalt  }
0x62: {  	_ =	shalt  }
0x63: {  	_ =	shalt  }
0x64: {  	_ =	shalt  }
0x65: {  	_ =	shalt  }
0x66: {  	_ =	shalt  }
0x67: {  	_ =	shalt  }
0x68: {  	_ =	shalt  }
0x69: {  	_ =	shalt  }
0x6a: {  	_ =	shalt  }
0x6b: {  	_ =	shalt  }
0x6c: {  	_ =	shalt  }
0x6d: {  	_ =	shalt  }
0x6e: {  	_ =	shalt  }
0x6f: {  	_ =	shalt  }
0x70: {  	_ =	shalt  }
0x71: {  	_ =	shalt  }
0x72: {  	_ =	shalt  }
0x73: {  	_ =	shalt  }
0x74: {  	_ =	shalt  }
0x75: {  	_ =	shalt  }
0x76: {  	_ =	shalt  }
0x77: {  	_ =	shalt  }
0x78: {  	_ =	shalt  }
0x79: {  	_ =	shalt  }
0x7a: {  	_ =	shalt  }
0x7b: {  	_ =	shalt  }
0x7c: {  	_ =	shalt  }
0x7d: {  	_ =	shalt  }
0x7e: {  	_ =	shalt  }
0x7f: {  	_ =	shalt  }
0x80: {  	_ =	shalt  }
0x81: {  	_ =	shalt  }
0x82: {  	_ =	shalt  }
0x83: {  	_ =	shalt  }
0x84: {  	_ =	shalt  }
0x85: {  	_ =	shalt  }
0x86: {  	_ =	shalt  }
0x87: {  	_ =	shalt  }
.Lfunc_end0:
.L_simem_size_0:
called_computation_lowered:
.L_overlay_start_0:
0x88: {  	s2 =	sld [smem:$0x3FD9]  }
0x89: {  	s3 =	sld [smem:$0x3FFE];
	_ =	sdelay $0x1  }
0x8a: {  	s1 =	srdreg.scid  }
0x8b: {  	s0 =	sand.u32 $0x1, s1  }
0x8c: {  	s16 =	sshll.u32 s0, $0xA;
	s2 =	sadd.s32 s3, s2  }
0x8d: {  	s2 =	sadd.s32 s2, s16  }
0x8e: {  	[smem:$0x3FC0] =	sst s2  }
0x8f: {  	_ = 	snop  }
0x90: {  	(tm) =	ssettm $0x1  }
0x91: {  	s17 =	sld [smem:$0x3FFB];
	_ =	sdelay $0x3  }
0x92: {  	_ =	strace s17  }
0x93: {  	s2 =	sld [smem:$0x3FFC];
	_ =	sdelay $0x3  }
0x94: {  	_ =	strace s2  }
0x95: {  	s2 =	sld [smem:$0x3FFD];
	_ =	sdelay $0x3  }
0x96: {  	_ =	strace s2  }
0x97: {  	_ =	strace $0x8FFFFFFF  }
0x98: {  	s18 =	sld [smem:$0x3FDB];
	_ =	sdelay $0x1  }
0x99: {  	s19 =	simm.s32 $_scs_section_size  }
0x9a: {  	s4 =	simm.s32 $_size__tile_overlayer_lowered;
	s5 =	simm.s32 $_tile_overlayer_lowered  }
0x9b: {  	s22 =	simm.s32 $0x1BFF;
	s21 =	sshll.u32 s5, $0x1;
	s2 =	sadd.s32 s19, s18  }
0x9c: {  	s6 =	simm.s32 $0x0;
	s20 =	sshll.u32 s4, $0x1;
	s4 =	sadd.s32 s21, s2  }
0x9d: {  	[timem:s6], [sflag:s22] =	dma.local [hbm:s4], s20  }
0x9e: {  	_ =	swait.ge [sflag:s22], s20  }
0x9f: {  	s3 =	ssub.s32 $0x0, s20;
	[sflag:s22] =	ssyncset.done $0x0  }
0xa0: {  	[sflag:s22] =	ssyncadd.s32 s3;
	_ =	sdelay $0x1  }
0xa1: {  	s23 =	simm.s32 $0x1B8B  }
0xa2: {  	_ =	swait.ge [sflag:s23], $0x1  }
0xa3: {  	[sflag:s23] =	ssyncset.done $0x0  }
0xa4: {  	s25 =	simm.s32 $0x1B8E;
	s24 =	sld [smem:$0x3FFE];
	[sflag:s23] =	ssyncadd.s32 $0xFFFFFFFF  }
0xa5: {  	s26 =	simm.s32 $execute0_lowered;
	[smem:$0x3FD2] =	sst s25  }
0xa6: {  	s4 =	sshll.u32 s26, $0x1;
	_ =	strace $0x80000046;
	[dreg:$0x1] =	wrdreg $0xFFFFFFFF  }
0xa7: {  	s28 =	simm.s32 $_size_execute0_lowered;
	s2 =	sadd.s32 s2, s4;
	[dreg:$0x0] =	wrdreg $0x0  }
0xa8: {  	s4 =	sshll.u32 s28, $0x1;
	[dreg:$0x2] =	wrdreg s2  }
0xa9: {  	[dreg:$0x3] =	wrdreg s4  }
0xaa: {  	[dreg:$0x4] =	wrdreg $0xC0  }
0xab: {  	_ =	task [dreg:s6], $0x5FFFF  }
0xac: {  	[dreg:$0x1] =	wrdreg $0xFFFFFFFF  }
0xad: {  	[dreg:$0x0] =	wrdreg $0x60  }
0xae: {  	[dreg:$0x2] =	wrdreg s24  }
0xaf: {  	[dreg:$0x3] =	wrdreg $0xB7800  }
0xb0: {  	[dreg:$0x4] =	wrdreg $0x9  }
0xb1: {  	_ =	task.clear_ibuf [dreg:s6], $0x5FFFF;
	_ =	strace $0x90000046  }
0xb2: {  	s29 =	simm.s32 $0x9;
	_ =	strace $0x80000048  }
0xb3: {  	_ =	swait.ge [sflag:s29], $0x1  }
0xb4: {  	[sflag:s29] =	ssyncadd.s32 $0xFFFFFFFF  }
0xb5: {  	_ =	strace $0x90000048  }
0xb6: {  	_ =	sfence  }
0xb7: {  	s30 =	sld [smem:$0x0];
	_ =	sdelay $0x2  }
0xb8: {  	s31 =	sshll.u32 s1, $0xD;
	s1 =	sshrl.u32 s1, $0x2  }
0xb9: {  	s3 =	sand.u32 $0x4000, s31;
	s1 =	sadd.s32 s1, s30  }
0xba: {  	s0 =	sor.u32 s3, s0;
	s1 =	sshll.u32 s1, $0x11  }
0xbb: {  	s0 =	sor.u32 s1, s0  }
0xbc: {  	s0 =	sadd.s32 $0x8F2B, s0  }
0xbd: {  	[sflag:s0] =	ssyncadd.remote.s32 $0x1  }
0xbe: {  	_ =	sfence.sel $0xFFFF  }
0xbf: {  	[dreg:$0x0] =	wrdreg $0xFFFFFFFF;
	(pc) =	sbr.abs _section_cstart, $3  }
0xc0: {  	[dreg:$0x1] =	wrdreg $0xFFFFFFFF  }
0xc1: {  	_ =	task.clear_ibuf [dreg:s6], $0x2FFFF;
	_ =	strace $0x9FFFFFFF  }
0xc2: {  	(tm) =	ssettm $0x7FFFFFFF  }
0xc3: {  	_ =	shalt  }
tec
execute0_lowered:
.L_overlay_start_1:
0x0: {  	(tag) =	ssettag $0x1  }
0x1: {  	s3 =	stileid.u32  }
0x2: {  	s0 =	srdreg.scid;
	s1 =	rddreg [dreg:$0x0]  }
0x3: {  	s2 =	rddreg [dreg:$0x1];
	s12 =	simm.s32 $0x0;
	s11 =	simm.s32 $0x4F  }
0x4: {  	s28 =	simm.s32 $0x7000;
	s30 =	simm.s32 $0x7800;
	s5 =	smul.u32 $0x4F0, s3  }
0x5: {  	s29 =	simm.s32 $0x4;
	s31 =	simm.s32 $0x5;
	s7 =	smul.u32 $0x4E, s3  }
0x6: {  	s0 =	sand.u32 $0x1, s0;
	[smem:$0x7FF] =	sst s12;
	s8 =	smul.u32 $0x2780, s3  }
0x7: {  	s17 =	sshll.u32 s3, $0x7;
	s6 =	smul.u32 $0x4E0, s0;
	s4 =	sshll.u32 s0, $0x4  }
0x8: {  	_ =	strace $0x80000047;
	s10 =	smul.u32 $0x27800, s0;
	s15 =	ssub.s32 $0x2, s0  }
0x9: {  	s9 =	sor.u32 s3, s4;
	s4 =	sadd.s32 $0x6400, s1;
	s5 =	sadd.s32 s5, s1  }
0xa: {  	s16 =	sshrl.u32 s15, $0x1;
	s6 =	sadd.s32 s7, s6;
	s13 =	smin.u32 s9, $0x4  }
0xb: {  	s14 =	sadd.s32 s8, s10;
	p0 =	slt.u32 s9, $0x4;
	s18 =	sadd.s32 $0x1400, s5  }
0xc: {  	s9 =	simm.s32 $0x8;
	s5 =	simm.s32 $0x0;
	s6 =	sadd.s32 s13, s6  }
0xd: {  	s7 =	sshrl.u32 s14, $0x3;
	s11 =	simm.s32 @!p0 $0x4E;
	[dreg:$0x4] =	wrdreg s18  }
0xe: {  	s13 =	sadd.s32 s8, s2;
	p0 =	sne.s32 s0, $0x0;
	s18 =	simm.s32 $0xA  }
0xf: {  	s0 =	simm.s32 $0x6;
	s8 =	simm.s32 $0x7;
	s6 =	sshll.u32 s6, $0x4  }
0x10: {  	s19 =	smul.u32 $0x38, s11;
	s22 =	sshll.u32 s11, $0x7;
	[dreg:$0x3] =	wrdreg s11  }
0x11: {  	[dreg:$0x5] =	wrdreg s13;
	s6 =	sadd.s32 s6, s1;
	s24 =	sor.u32 $0x70, s22  }
0x12: {  	s1 =	sadd.s32 s7, s1;
	s25 =	sor.u32 $0x40, s22;
	[dreg:$0xa] =	wrdreg s24  }
0x13: {  	s7 =	ssub.s32 s15, s16;
	s26 =	sadd.s32 $0x2840, s22;
	[dreg:$0xc] =	wrdreg s25  }
0x14: {  	s22 =	simm.s32 $0x8800;
	s1 =	sadd.s32 $0x1EE00, s1;
	[dreg:$0xd] =	wrdreg s26  }
0x15: {  	s16 =	simm.s32 $0x9;
	s20 =	smax.u32 s7, $0x1;
	[dreg:$0x6] =	wrdreg s1  }
0x16: {  	s21 =	sadd.s32 $0x15040, s6;
	s23 =	sadd.s32 $0xB400, s6;
	[dreg:$0x7] =	wrdreg s20  }
0x17: {  	s25 =	simm.s32 $0x6800;
	s24 =	simm.s32 $0x1;
	[dreg:$0x8] =	wrdreg s21  }
0x18: {  	s6 =	simm.s32 $0x2;
	s26 =	simm.s32 $0x3;
	[dreg:$0x9] =	wrdreg s23  }
0x19: {  	v0 =	vlaneseq.u32;
	s1 =	sadd.s32 $0x31, s19;
	s19 =	simm.s32 $0x80;
	s21 =	simm.s32 $0x5800  }
0x1a: {  	v1 =	vimm.f32 $0.0e+00;
	v0 =	vor.u32 s17, v0;
	s23 =	simm.s32 $0x6000;
	[dreg:$0xb] =	wrdreg s1;
	s1 =	simm.s32 $0x8000  }
.LBB2_1:
0x1b: {  	[dreg:$0xe] =	wrdreg s5;
	p1 =	sne.s32 s11, $0x1  }
.Ltmp0:
0x1c: {  	s3 =	rddreg [dreg:$0x9];
	(pc) =	sbr.rel @!p1 .LBB2_3-.Ltmp0, $4  }
0x1d: {  	s5 =	simm.s32 $0x2800;
	s14 =	rddreg [dreg:$0x8]  }
0x1e: {  	[tilespmem:s12], [sflag:$0xA] =	stream.linear.gather [hbm4b:s3+s12], $0x80, $0x38;
	[tilespmem:$0xDF00] =	vst v63  }
0x1f: {  	s7 =	sadd.s32 $0xFFFFFFFF, s11;
	s10 =	simm.s32 $0x80;
	s11 =	sadd.s32 $0x10, s3  }
0x20: {  	[tilespmem:s5], [sflag:$0xA] =	stream.linear.gather [hbm4b:s14+s12], $0x80, $0x38;
	[tilespmem:$0xDF00] =	vst v63  }
.LBB2_2:
0x21: {  	[tilespmem:s10], [sflag:$0xA] =	stream.linear.gather [hbm4b:s11+s12], $0x80, $0x38;
	[tilespmem:$0xDF00] =	vst v63  }
0x22: {  	p2 =	sne.s32 s7, $0x1  }
.Ltmp1:
0x23: {  	s7 =	sadd.s32 $0xFFFFFFFF, s7;
	(pc) =	sbr.rel @p2 .LBB2_2-.Ltmp1, $4  }
0x24: {  	s14 =	sadd.s32 $0x10, s14;
	s5 =	sadd.s32 $0x80, s5  }
0x25: {  	[tilespmem:s5], [sflag:$0xA] =	stream.linear.gather [hbm4b:s14+s12], $0x80, $0x38;
	[tilespmem:$0xDF00] =	vst v63  }
0x26: {  	_ = 	snop  }
0x27: {  	s10 =	sadd.s32 $0x80, s10;
	s11 =	sadd.s32 $0x10, s11  }
.LBB2_3:
0x28: {  	s3 =	rddreg [dreg:$0xa]  }
0x29: {  	s12 =	rddreg [dreg:$0xb];
	s15 =	sadd.s32 $0xFFFFFFB0, s3  }
0x2a: {  	v2 =	vadd.s32 s12, v0;
	s20 =	sadd.s32 $0xFFFFFFA0, s3;
	v6 =	vadd.s32 s15, v0  }
0x2b: {  	s5 =	sadd.s32 $0xFFFFFFCF, s12;
	s11 =	sadd.s32 $0xFFFFFFC0, s3;
	v62 =	vadd.s32 s3, v0;
	v14 =	vadd.s32 s20, v0;
	v12 =	vmulhi.u32 $0xD1B71759, v6  }
0x2c: {  	s7 =	sadd.s32 $0xFFFFFF90, s3;
	v4 =	vadd.s32 s5, v0;
	v3 =	vadd.s32 s11, v0;
	v17 =	vmulhi.u32 $0xD1B71759, v14  }
0x2d: {  	s10 =	sadd.s32 $0xFFFFFFE4, s12;
	v7 =	vadd.s32 s7, v0;
	s11 =	sadd.s32 $0xFFFFFFD0, s3;
	v5 =	vshrl.u32 v4, $0x4;
	v26 =	vmulhi.u32 $0xD1B71759, v3  }
0x2e: {  	s13 =	sadd.s32 $0xFFFFFFEB, s12;
	v11 =	vadd.s32 s10, v0;
	v13 =	vadd.s32 s11, v0;
	v5 =	vmulhi.u32 $0x24924925, v5  }
0x2f: {  	s14 =	sadd.s32 $0xFFFFFFD6, s12;
	v15 =	vadd.s32 s13, v0;
	v18 =	vshrl.u32 v11, $0x4;
	v19 =	vmulhi.u32 $0xD1B71759, v13  }
0x30: {  	s17 =	sadd.s32 $0xFFFFFFDD, s12;
	v8 =	vadd.s32 s14, v0;
	s14 =	sadd.s32 $0xFFFFFFE0, s3;
	v20 =	vshrl.u32 v15, $0x4;
	v18 =	vmulhi.u32 $0x24924925, v18  }
0x31: {  	v10 =	vadd.s32 s17, v0;
	v21 =	vadd.s32 s14, v0;
	v20 =	vmulhi.u32 $0x24924925, v20  }
0x32: {  	s15 =	sadd.s32 $0xFFFFFFF0, s3;
	v24 =	vshrl.u32 v2, $0x4;
	v9 =	vshrl.u32 v8, $0x4;
	v22 =	vmulhi.u32 $0xD1B71759, v21  }
0x33: {  	v16 =	vshrl.u32 v10, $0x4;
	v23 =	vadd.s32 s15, v0;
	v9 =	vmulhi.u32 $0x24924925, v9  }
0x34: {  	v12 =	vshrl.u32 v12, $0xD;
	v17 =	vshrl.u32 v17, $0xD;
	v26 =	vshrl.u32 v26, $0xD  }
0x35: {  	v5 =	vmul.u32 $0x70, v5;
	v12 =	vmul.u32 $0x2710, v12;
	v18 =	vmul.u32 $0x70, v18  }
0x36: {  	v19 =	vshrl.u32 v19, $0xD;
	v20 =	vmul.u32 $0x70, v20;
	v22 =	vshrl.u32 v22, $0xD  }
0x37: {  	v17 =	vmul.u32 $0x2710, v17;
	v6 =	vsub.s32 v6, v12;
	v12 =	vmulhi.u32 $0x24924925, v16  }
0x38: {  	s17 =	sadd.s32 $0xFFFFFFF9, s12;
	v28 =	vmul.u32 $0x70, v9;
	v5 =	vsub.s32 v4, v5;
	v16 =	vmulhi.u32 $0xD1B71759, v7  }
0x39: {  	v4 =	vadd.s32 s17, v0;
	v25 =	vadd.s32 $0x2710, v5;
	v5 =	vsub.s32 v11, v18  }
0x3a: {  	s20 =	sadd.s32 $0xFFFFFFF2, s12;
	v18 =	vmul.u32 $0x2710, v19;
	v19 =	vmulhi.u32 $0xD1B71759, v23;
	v12 =	vmul.u32 $0x70, v12  }
0x3b: {  	v11 =	vadd.s32 s20, v0;
	v61 =	vshrl.u32 v4, $0x4;
	v16 =	vshrl.u32 v16, $0xD  }
0x3c: {  	v27 =	vshrl.u32 v11, $0x4;
	v16 =	vmul.u32 $0x2710, v16;
	v10 =	vsub.s32 v10, v12  }
0x3d: {  	v12 =	vadd.s32 $0x2710, v10;
	v10 =	vsub.s32 v15, v20;
	v15 =	vmul.u32 $0x2710, v22  }
0x3e: {  	v5 =	vadd.s32 $0x2710, v5;
	v63 =	vmulhi.u32 $0x24924925, v27;
	v16 =	vsub.s32 v7, v16  }
0x3f: {  	p2 =	sne.s32 s3, $0x27F0;
	s14 =	rddreg [dreg:$0xc];
	v9 =	vadd.s32 $0x2710, v10;
	v7 =	vsub.s32 v21, v15;
	v15 =	vmulhi.u32 $0xD1B71759, v62  }
.Ltmp2:
0x40: {  	v10 =	vshrl.u32 v19, $0xD;
	v19 =	vsub.s32 v8, v28;
	[tilespmem:s14+$0xFFFFFFC0] =	vst v16;
	v16 =	vmulhi.u32 $0x24924925, v24;
	(pc) =	sbr.rel @!p2 .LBB2_5-.Ltmp2, $4  }
0x41: {  	s15 =	rddreg [dreg:$0xd];
	v8 =	vmul.u32 $0x2710, v10;
	v10 =	vsub.s32 v14, v17;
	v14 =	vshrl.u32 v15, $0xD  }
0x42: {  	v13 =	vsub.s32 v13, v18;
	[tilespmem:s15+$0xFFFFFFC0] =	vst v25;
	v15 =	vmulhi.u32 $0x24924925, v61;
	v18 =	vmul.u32 $0x2710, v14  }
0x43: {  	s5 =	sadd.s32 $0x80, s3;
	v17 =	vmul.u32 $0x70, v63;
	[tilespmem:s14+$0xFFFFFFD0] =	vst v10;
	v10 =	vadd.s32 $0x2710, v19;
	v8 =	vsub.s32 v23, v8  }
0x44: {  	s11 =	sadd.s32 $0x38, s12;
	s10 =	sadd.s32 $0x80, s15;
	s17 =	sadd.s32 $0x80, s14;
	[tilespmem:s15+$0xFFFFFFD0] =	vst v10;
	v14 =	vmul.u32 $0x2710, v26;
	v15 =	vmul.u32 $0x70, v15;
	v10 =	vsub.s32 v62, v18  }
.LBB2_4:
0x45: {  	s13 =	sadd.s32 $0xFFFFFF90, s5  }
0x46: {  	s12 =	sadd.s32 $0xFFFFFFCF, s11;
	s3 =	sadd.s32 $0xFFFFFFE4, s11;
	v18 =	vadd.s32 s11, v0;
	[tilespmem:s14+$0xFFFFFFE0] =	vst v6;
	v6 =	vsub.s32 v11, v17;
	v11 =	vmul.u32 $0x70, v16;
	s7 =	smov.u32 s5  }
0x47: {  	s20 =	sadd.s32 $0xFFFFFFC0, s5;
	v16 =	vadd.s32 s13, v0;
	v17 =	vadd.s32 s12, v0;
	s12 =	sadd.s32 $0xFFFFFFA0, s5;
	s13 =	sadd.s32 $0xFFFFFFD6, s11;
	[tilespmem:s15+$0xFFFFFFE0] =	vst v12;
	v4 =	vsub.s32 v4, v15  }
0x48: {  	p2 =	sne.s32 s5, $0x27F0;
	s5 =	sadd.s32 $0x80, s5;
	v12 =	vshrl.u32 v17, $0x4;
	v15 =	vadd.s32 s13, v0;
	s13 =	sadd.s32 $0xFFFFFFB0, s7;
	v4 =	vadd.s32 $0x2710, v4  }
0x49: {  	v14 =	vsub.s32 v3, v14;
	v19 =	vshrl.u32 v15, $0x4;
	v20 =	vadd.s32 s13, v0;
	s13 =	sadd.s32 $0xFFFFFFDD, s11  }
0x4a: {  	v3 =	vadd.s32 s20, v0;
	v22 =	vadd.s32 s3, v0;
	s3 =	sadd.s32 $0xFFFFFFD0, s7;
	v21 =	vadd.s32 s13, v0;
	s13 =	sadd.s32 $0xFFFFFFEB, s11;
	[tilespmem:s14+$0xFFFFFFF0] =	vst v14  }
0x4b: {  	v14 =	vadd.s32 s3, v0;
	v23 =	vadd.s32 s13, v0;
	[tilespmem:s15+$0xFFFFFFF0] =	vst v5;
	v5 =	vadd.s32 $0x2710, v6  }
0x4c: {  	v24 =	vshrl.u32 v22, $0x4;
	v6 =	vmulhi.u32 $0x24924925, v12;
	v12 =	vshrl.u32 v21, $0x4;
	[tilespmem:s14+$0x0] =	vst v13  }
0x4d: {  	v25 =	vmulhi.u32 $0xD1B71759, v20;
	v13 =	vadd.s32 s12, v0;
	[tilespmem:s15+$0x0] =	vst v9;
	v9 =	vsub.s32 v2, v11;
	v2 =	vmovc v18  }
0x4e: {  	s3 =	sadd.s32 $0xFFFFFFE0, s7;
	v6 =	vmul.u32 $0x70, v6;
	v11 =	vmulhi.u32 $0xD1B71759, v13;
	v18 =	vshrl.u32 v23, $0x4;
	[tilespmem:s14+$0x10] =	vst v7  }
0x4f: {  	v26 =	vadd.s32 s3, v0;
	v7 =	vshrl.u32 v25, $0xD;
	v25 =	vmulhi.u32 $0xD1B71759, v14;
	[tilespmem:s15+$0x10] =	vst v5  }
0x50: {  	v5 =	vsub.s32 v17, v6;
	v6 =	vmulhi.u32 $0x24924925, v24;
	[tilespmem:s14+$0x20] =	vst v8;
	v8 =	vadd.s32 $0x2710, v9  }
0x51: {  	s3 =	sadd.s32 $0xFFFFFFF0, s7;
	v7 =	vmul.u32 $0x2710, v7;
	v9 =	vmulhi.u32 $0x24924925, v18;
	[tilespmem:s15+$0x20] =	vst v4  }
0x52: {  	v24 =	vadd.s32 s3, v0;
	v18 =	vmulhi.u32 $0xD1B71759, v26;
	v17 =	vmul.u32 $0x70, v6;
	[tilespmem:s14+$0x30] =	vst v10;
	s14 =	smov.u32 s17  }
0x53: {  	s3 =	sadd.s32 $0xFFFFFFF9, s11;
	v6 =	vsub.s32 v20, v7;
	v7 =	vmulhi.u32 $0x24924925, v12;
	[tilespmem:s15+$0x30] =	vst v8;
	s15 =	smov.u32 s10  }
0x54: {  	v4 =	vadd.s32 s3, v0;
	v10 =	vshrl.u32 v2, $0x4;
	v8 =	vmulhi.u32 $0xD1B71759, v16  }
0x55: {  	v20 =	vadd.s32 $0x2710, v5;
	v12 =	vshrl.u32 v25, $0xD;
	v7 =	vmul.u32 $0x70, v7  }
0x56: {  	v25 =	vmulhi.u32 $0xD1B71759, v3;
	v5 =	vsub.s32 v22, v17;
	v8 =	vshrl.u32 v8, $0xD  }
0x57: {  	v17 =	vmul.u32 $0x2710, v12;
	v22 =	vmulhi.u32 $0xD1B71759, v24;
	v5 =	vadd.s32 $0x2710, v5  }
0x58: {  	v27 =	vshrl.u32 v11, $0xD;
	s3 =	sadd.s32 $0xFFFFFFF2, s11;
	v25 =	vshrl.u32 v25, $0xD;
	v8 =	vmul.u32 $0x2710, v8  }
0x59: {  	v19 =	vmulhi.u32 $0x24924925, v19;
	v9 =	vmul.u32 $0x70, v9;
	v11 =	vadd.s32 s3, v0  }
0x5a: {  	v18 =	vshrl.u32 v18, $0xD;
	v7 =	vsub.s32 v21, v7;
	v21 =	vshrl.u32 v11, $0x4  }
0x5b: {  	v9 =	vsub.s32 v23, v9;
	v12 =	vadd.s32 $0x2710, v7;
	v7 =	vmul.u32 $0x2710, v18  }
0x5c: {  	v18 =	vadd.s32 s7, v0;
	v8 =	vsub.s32 v16, v8;
	v16 =	vshrl.u32 v4, $0x4  }
0x5d: {  	v19 =	vmul.u32 $0x70, v19;
	v7 =	vsub.s32 v26, v7;
	[tilespmem:s17+$0xFFFFFFC0] =	vst v8;
	v8 =	vmul.u32 $0x2710, v27  }
0x5e: {  	v9 =	vadd.s32 $0x2710, v9;
	[tilespmem:s10+$0xFFFFFFC0] =	vst v20;
	v20 =	vshrl.u32 v22, $0xD;
	v22 =	vmulhi.u32 $0xD1B71759, v18  }
.Ltmp3:
0x5f: {  	v15 =	vsub.s32 v15, v19;
	v19 =	vmulhi.u32 $0x24924925, v21;
	v20 =	vmul.u32 $0x2710, v20;
	(pc) =	sbr.rel @p2 .LBB2_4-.Ltmp3, $4  }
0x60: {  	v21 =	vsub.s32 v13, v8;
	v13 =	vsub.s32 v14, v17;
	v14 =	vshrl.u32 v22, $0xD  }
0x61: {  	v8 =	vsub.s32 v24, v20;
	v20 =	vmulhi.u32 $0x24924925, v16;
	v22 =	vmul.u32 $0x2710, v14  }
0x62: {  	v17 =	vmul.u32 $0x70, v19;
	v14 =	vadd.s32 $0x2710, v15;
	v16 =	vmulhi.u32 $0x24924925, v10;
	[tilespmem:s17+$0xFFFFFFD0] =	vst v21  }
0x63: {  	s11 =	sadd.s32 $0x38, s11;
	s10 =	sadd.s32 $0x80, s10;
	s17 =	sadd.s32 $0x80, s17;
	[tilespmem:s15+$0xFFFFFFD0] =	vst v14;
	v14 =	vmul.u32 $0x2710, v25;
	v15 =	vmul.u32 $0x70, v20;
	v10 =	vsub.s32 v18, v22  }
.LBB2_5:
0x64: {  	[tilespmem:s14+$0xFFFFFFE0] =	vst v6  }
0x65: {  	[tilespmem:s15+$0xFFFFFFE0] =	vst v12;
	v3 =	vsub.s32 v3, v14  }
0x66: {  	[tilespmem:s14+$0xFFFFFFF0] =	vst v3  }
0x67: {  	[tilespmem:s15+$0xFFFFFFF0] =	vst v5  }
0x68: {  	[tilespmem:s14+$0x0] =	vst v13  }
0x69: {  	v3 =	vsub.s32 v11, v17;
	[tilespmem:s15+$0x0] =	vst v9  }
0x6a: {  	v3 =	vadd.s32 $0x2710, v3;
	[tilespmem:s14+$0x10] =	vst v7  }
.Ltmp4:
0x6b: {  	v63 =	vmul.u32 $0x70, v16;
	v4 =	vsub.s32 v4, v15;
	[tilespmem:s15+$0x10] =	vst v3;
	(pc) =	sbr.rel @p0 .LBB2_7-.Ltmp4, $4  }
0x6c: {  	v3 =	vadd.s32 $0x2710, v4;
	[tilespmem:s14+$0x20] =	vst v8  }
0x6d: {  	v2 =	vsub.s32 v2, v63;
	[tilespmem:s15+$0x20] =	vst v3  }
0x6e: {  	v2 =	vadd.s32 $0x2710, v2;
	[tilespmem:s14+$0x30] =	vst v10  }
0x6f: {  	[tilespmem:s15+$0x30] =	vst v2  }
0x70: {  	s12 =	simm.s32 $0x0;
	s3 =	rddreg [dreg:$0x4]  }
.Ltmp5:
0x71: {  	s14 =	simm.s32 $0x9000;
	s15 =	simm.s32 $0xB;
	(pc) =	sbr.rel .LBB2_10-.Ltmp5, $4  }
0x72: {  	[tilespmem:s14], [sflag:$0xB] =	stream.linear.gather [hbm4b:s3+s12], $0x2780, $0x38;
	[tilespmem:$0xDF00] =	vst v63  }
0x73: {  	_ =	swait.ge [sflag:s15], $0x2780  }
0x74: {  	[sflag:s15] =	ssyncset.done $0x0;
	s11 =	rddreg [dreg:$0x3]  }
0x75: {  	s17 =	simm.s32 $0x5000;
	s13 =	rddreg [dreg:$0x5];
	[sflag:s15] =	ssyncadd.s32 $0xFFFFD880  }
.LBB2_7:
0x76: {  	s5 =	simm.s32 $0x40;
	s11 =	rddreg [dreg:$0x3]  }
0x77: {  	s7 =	simm.s32 $0x0;
	s12 =	simm.s32 $0x0;
	s13 =	rddreg [dreg:$0x5]  }
0x78: {  	s14 =	simm.s32 $0x9000;
	s15 =	simm.s32 $0xB;
	s17 =	simm.s32 $0x5000  }
.LBB2_8:
0x79: {  	p2 =	sne.s32 s5, $0x9DC0;
	[tilespmem:s7+$0x9000] =	vst v1;
	s3 =	smov.u32 s5;
	s5 =	sadd.s32 $0x40, s5  }
.Ltmp6:
0x7a: {  	(pc) =	sbr.rel @p2 .LBB2_8-.Ltmp6, $2  }
0x7b: {  	_ =	sdelay $0x2  }
0x7c: {  	s7 =	sshra.s32 s3, $0x2  }
0x7d: {  	[tilespmem:s7+$0x9000] =	vst v1  }
.LBB2_10:
0x7e: {  	[spmem:s13] =	stream.linear.scatter [tilespmem:s14], [sflag:$0xB], $0x2780, $0x38;
	[tilespmem:$0xDF00] =	vst v63  }
0x7f: {  	_ =	swait.ge [sflag:s15], $0x2780  }
0x80: {  	[sflag:s15] =	ssyncset.done $0x0  }
0x81: {  	[sflag:s15] =	ssyncadd.s32 $0xFFFFD880  }
.Ltmp7:
0x82: {  	_ =	swait.ge [sflag:s18], $0x80;
	(pc) =	sbr.rel @!p1 .LBB2_12-.Ltmp7, $4  }
0x83: {  	[sflag:s18] =	ssyncset.done $0x0  }
0x84: {  	[sflag:s18] =	ssyncadd.s32 $0xFFFFFF80  }
0x85: {  	_ =	swait.ge [sflag:s18], $0x80  }
0x86: {  	s5 =	sadd.s32 $0xFFFFFFFF, s11;
	[sflag:s18] =	ssyncset.done $0x0  }
.LBB2_11:
0x87: {  	p1 =	sne.s32 s5, $0x1;
	s5 =	sadd.s32 $0xFFFFFFFF, s5;
	[sflag:s18] =	ssyncadd.s32 $0xFFFFFF80  }
.Ltmp8:
0x88: {  	_ =	swait.ge [sflag:s18], $0x80;
	(pc) =	sbr.rel @p1 .LBB2_11-.Ltmp8, $4  }
0x89: {  	[sflag:s18] =	ssyncset.done $0x0  }
0x8a: {  	[sflag:s18] =	ssyncadd.s32 $0xFFFFFF80  }
0x8b: {  	_ =	swait.ge [sflag:s18], $0x80  }
0x8c: {  	[sflag:s18] =	ssyncset.done $0x0  }
.LBB2_12:
0x8d: {  	[sflag:s18] =	ssyncadd.s32 $0xFFFFFF80  }
0x8e: {  	s3 =	simm.s32 $0x0;
	[bflag:$0x0] =	sbarrier.arrive $0xFFFF  }
0x8f: {  	[tilespmem:s17], [sflag:$0x1] =	stream.indirect.gather [hbm4b:s4+s19], $0x10, s3, s19, $0xb8;
	[tilespmem:$0xDF00] =	vst v63  }
0x90: {  	_ = 	snop  }
0x91: {  	[tilespmem:s21], [sflag:$0x2] =	stream.indirect.gather [hbm4b:s4+s19], $0x10, s19, s19, $0xb8;
	[tilespmem:$0xDF00] =	vst v63  }
0x92: {  	s20 =	simm.s32 $0x100  }
0x93: {  	[tilespmem:s23], [sflag:$0x3] =	stream.indirect.gather [hbm4b:s4+s19], $0x10, s20, s19, $0xb8;
	[tilespmem:$0xDF00] =	vst v63  }
0x94: {  	s5 =	simm.s32 $0x180  }
0x95: {  	[tilespmem:s25], [sflag:$0x4] =	stream.indirect.gather [hbm4b:s4+s19], $0x10, s5, s19, $0xb8;
	[tilespmem:$0xDF00] =	vst v63  }
0x96: {  	s7 =	simm.s32 $0x200  }
0x97: {  	[tilespmem:s28], [sflag:$0x5] =	stream.indirect.gather [hbm4b:s4+s19], $0x10, s7, s19, $0xb8;
	[tilespmem:$0xDF00] =	vst v63  }
0x98: {  	s10 =	simm.s32 $0x280  }
0x99: {  	[tilespmem:s30], [sflag:$0x6] =	stream.indirect.gather [hbm4b:s4+s19], $0x10, s10, s19, $0xb8;
	[tilespmem:$0xDF00] =	vst v63  }
0x9a: {  	s20 =	simm.s32 $0x300  }
0x9b: {  	[tilespmem:s1], [sflag:$0x7] =	stream.indirect.gather [hbm4b:s4+s19], $0x10, s20, s19, $0xb8;
	[tilespmem:$0xDF00] =	vst v63  }
0x9c: {  	s5 =	simm.s32 $0x380  }
0x9d: {  	[tilespmem:s22], [sflag:$0x8] =	stream.indirect.gather [hbm4b:s4+s19], $0x10, s5, s19, $0xb8;
	[tilespmem:$0xDF00] =	vst v63  }
0x9e: {  	_ =	swait.ge [sflag:s24], $0x800  }
0x9f: {  	[sflag:s24] =	ssyncset.done $0x0  }
0xa0: {  	s7 =	simm.s32 $0x2800;
	[sflag:s24] =	ssyncadd.s32 $0xFFFFF800  }
0xa1: {  	[spmem:s2] =	stream.indirect.scatter.add.f32 [tilespmem:s17], [sflag:$0x9], $0x10, s7, s19, $0xb8;
	[tilespmem:$0xDF00] =	vst v63  }
0xa2: {  	_ =	swait.ge [sflag:s6], $0x800  }
0xa3: {  	[sflag:s6] =	ssyncset.done $0x0  }
0xa4: {  	s10 =	simm.s32 $0x2880;
	[sflag:s6] =	ssyncadd.s32 $0xFFFFF800  }
0xa5: {  	[spmem:s2] =	stream.indirect.scatter.add.f32 [tilespmem:s21], [sflag:$0x9], $0x10, s10, s19, $0xb8;
	[tilespmem:$0xDF00] =	vst v63  }
0xa6: {  	_ =	swait.ge [sflag:s26], $0x800  }
0xa7: {  	[sflag:s26] =	ssyncset.done $0x0  }
0xa8: {  	s20 =	simm.s32 $0x2900;
	[sflag:s26] =	ssyncadd.s32 $0xFFFFF800  }
0xa9: {  	[spmem:s2] =	stream.indirect.scatter.add.f32 [tilespmem:s23], [sflag:$0x9], $0x10, s20, s19, $0xb8;
	[tilespmem:$0xDF00] =	vst v63  }
0xaa: {  	_ =	swait.ge [sflag:s29], $0x800  }
0xab: {  	[sflag:s29] =	ssyncset.done $0x0  }
0xac: {  	s5 =	simm.s32 $0x2980;
	[sflag:s29] =	ssyncadd.s32 $0xFFFFF800  }
0xad: {  	[spmem:s2] =	stream.indirect.scatter.add.f32 [tilespmem:s25], [sflag:$0x9], $0x10, s5, s19, $0xb8;
	[tilespmem:$0xDF00] =	vst v63  }
0xae: {  	_ =	swait.ge [sflag:s31], $0x800  }
0xaf: {  	[sflag:s31] =	ssyncset.done $0x0  }
0xb0: {  	s7 =	simm.s32 $0x2A00;
	[sflag:s31] =	ssyncadd.s32 $0xFFFFF800  }
0xb1: {  	[spmem:s2] =	stream.indirect.scatter.add.f32 [tilespmem:s28], [sflag:$0x9], $0x10, s7, s19, $0xb8;
	[tilespmem:$0xDF00] =	vst v63  }
0xb2: {  	_ =	swait.ge [sflag:s0], $0x800  }
0xb3: {  	[sflag:s0] =	ssyncset.done $0x0  }
0xb4: {  	s10 =	simm.s32 $0x2A80;
	[sflag:s0] =	ssyncadd.s32 $0xFFFFF800  }
0xb5: {  	[spmem:s2] =	stream.indirect.scatter.add.f32 [tilespmem:s30], [sflag:$0x9], $0x10, s10, s19, $0xb8;
	[tilespmem:$0xDF00] =	vst v63  }
0xb6: {  	_ =	swait.ge [sflag:s8], $0x800  }
0xb7: {  	[sflag:s8] =	ssyncset.done $0x0  }
0xb8: {  	s20 =	simm.s32 $0x2B00;
	[sflag:s8] =	ssyncadd.s32 $0xFFFFF800  }
0xb9: {  	[spmem:s2] =	stream.indirect.scatter.add.f32 [tilespmem:s1], [sflag:$0x9], $0x10, s20, s19, $0xb8;
	[tilespmem:$0xDF00] =	vst v63  }
0xba: {  	_ =	swait.ge [sflag:s9], $0x800  }
0xbb: {  	[sflag:s9] =	ssyncset.done $0x0  }
0xbc: {  	s5 =	simm.s32 $0x2B80;
	[sflag:s9] =	ssyncadd.s32 $0xFFFFF800  }
0xbd: {  	[spmem:s2] =	stream.indirect.scatter.add.f32 [tilespmem:s22], [sflag:$0x9], $0x10, s5, s19, $0xb8;
	[tilespmem:$0xDF00] =	vst v63  }
0xbe: {  	_ =	swait.ge [sflag:s16], $0x800  }
0xbf: {  	[sflag:s16] =	ssyncset.done $0x0  }
0xc0: {  	[sflag:s16] =	ssyncadd.s32 $0xFFFFF800  }
0xc1: {  	_ =	swait.ge [sflag:s16], $0x800  }
0xc2: {  	[sflag:s16] =	ssyncset.done $0x0  }
0xc3: {  	[sflag:s16] =	ssyncadd.s32 $0xFFFFF800  }
0xc4: {  	_ =	swait.ge [sflag:s16], $0x800  }
0xc5: {  	[sflag:s16] =	ssyncset.done $0x0  }
0xc6: {  	[sflag:s16] =	ssyncadd.s32 $0xFFFFF800  }
0xc7: {  	_ =	swait.ge [sflag:s16], $0x800  }
0xc8: {  	[sflag:s16] =	ssyncset.done $0x0  }
0xc9: {  	[sflag:s16] =	ssyncadd.s32 $0xFFFFF800  }
0xca: {  	_ =	swait.ge [sflag:s16], $0x800  }
0xcb: {  	[sflag:s16] =	ssyncset.done $0x0  }
0xcc: {  	[sflag:s16] =	ssyncadd.s32 $0xFFFFF800  }
0xcd: {  	_ =	swait.ge [sflag:s16], $0x800  }
0xce: {  	[sflag:s16] =	ssyncset.done $0x0  }
0xcf: {  	[sflag:s16] =	ssyncadd.s32 $0xFFFFF800  }
0xd0: {  	_ =	swait.ge [sflag:s16], $0x800  }
0xd1: {  	[sflag:s16] =	ssyncset.done $0x0  }
0xd2: {  	[sflag:s16] =	ssyncadd.s32 $0xFFFFF800  }
0xd3: {  	_ =	swait.ge [sflag:s16], $0x800  }
0xd4: {  	[sflag:s16] =	ssyncset.done $0x0  }
0xd5: {  	s7 =	simm.s32 $0x400;
	[sflag:s16] =	ssyncadd.s32 $0xFFFFF800  }
0xd6: {  	[tilespmem:s17], [sflag:$0x1] =	stream.indirect.gather [hbm4b:s4+s19], $0x10, s7, s19, $0xb8;
	[tilespmem:$0xDF00] =	vst v63  }
0xd7: {  	s10 =	simm.s32 $0x480  }
0xd8: {  	[tilespmem:s21], [sflag:$0x2] =	stream.indirect.gather [hbm4b:s4+s19], $0x10, s10, s19, $0xb8;
	[tilespmem:$0xDF00] =	vst v63  }
0xd9: {  	s20 =	simm.s32 $0x500  }
0xda: {  	[tilespmem:s23], [sflag:$0x3] =	stream.indirect.gather [hbm4b:s4+s19], $0x10, s20, s19, $0xb8;
	[tilespmem:$0xDF00] =	vst v63  }
0xdb: {  	s5 =	simm.s32 $0x580  }
0xdc: {  	[tilespmem:s25], [sflag:$0x4] =	stream.indirect.gather [hbm4b:s4+s19], $0x10, s5, s19, $0xb8;
	[tilespmem:$0xDF00] =	vst v63  }
0xdd: {  	s7 =	simm.s32 $0x600  }
0xde: {  	[tilespmem:s28], [sflag:$0x5] =	stream.indirect.gather [hbm4b:s4+s19], $0x10, s7, s19, $0xb8;
	[tilespmem:$0xDF00] =	vst v63  }
0xdf: {  	s10 =	simm.s32 $0x680  }
0xe0: {  	[tilespmem:s30], [sflag:$0x6] =	stream.indirect.gather [hbm4b:s4+s19], $0x10, s10, s19, $0xb8;
	[tilespmem:$0xDF00] =	vst v63  }
0xe1: {  	s20 =	simm.s32 $0x700;
	s5 =	simm.s32 $0x1000;
	s7 =	simm.s32 $0x780  }
0xe2: {  	[tilespmem:s1], [sflag:$0x7] =	stream.indirect.gather [hbm4b:s4+s19], $0x10, s20, s19, $0xb8;
	[tilespmem:$0xDF00] =	vst v63  }
.LBB2_13:
0xe3: {  	[tilespmem:s22], [sflag:$0x8] =	stream.indirect.gather [hbm4b:s4+s19], $0x10, s7, s19, $0xb8;
	[tilespmem:$0xDF00] =	vst v63  }
0xe4: {  	s3 =	smov.u32 s5  }
0xe5: {  	p1 =	sne.s32 s5, $0x8000;
	s5 =	sadd.s32 $0x1000, s5;
	_ =	swait.ge [sflag:s24], $0x800  }
0xe6: {  	s10 =	sshra.s32 s3, $0x2;
	[sflag:s24] =	ssyncset.done $0x0  }
0xe7: {  	s3 =	sadd.s32 $0x2800, s10;
	[sflag:s24] =	ssyncadd.s32 $0xFFFFF800  }
0xe8: {  	[spmem:s2] =	stream.indirect.scatter.add.f32 [tilespmem:s17], [sflag:$0x9], $0x10, s3, s19, $0xb8;
	[tilespmem:$0xDF00] =	vst v63  }
0xe9: {  	_ =	swait.ge [sflag:s6], $0x800  }
0xea: {  	[sflag:s6] =	ssyncset.done $0x0  }
0xeb: {  	s3 =	sadd.s32 $0x2880, s10;
	[sflag:s6] =	ssyncadd.s32 $0xFFFFF800  }
0xec: {  	[spmem:s2] =	stream.indirect.scatter.add.f32 [tilespmem:s21], [sflag:$0x9], $0x10, s3, s19, $0xb8;
	[tilespmem:$0xDF00] =	vst v63  }
0xed: {  	_ =	swait.ge [sflag:s26], $0x800  }
0xee: {  	[sflag:s26] =	ssyncset.done $0x0  }
0xef: {  	s3 =	sadd.s32 $0x2900, s10;
	[sflag:s26] =	ssyncadd.s32 $0xFFFFF800  }
0xf0: {  	[spmem:s2] =	stream.indirect.scatter.add.f32 [tilespmem:s23], [sflag:$0x9], $0x10, s3, s19, $0xb8;
	[tilespmem:$0xDF00] =	vst v63  }
0xf1: {  	_ =	swait.ge [sflag:s29], $0x800  }
0xf2: {  	[sflag:s29] =	ssyncset.done $0x0  }
0xf3: {  	s3 =	sadd.s32 $0x2980, s10;
	[sflag:s29] =	ssyncadd.s32 $0xFFFFF800  }
0xf4: {  	[spmem:s2] =	stream.indirect.scatter.add.f32 [tilespmem:s25], [sflag:$0x9], $0x10, s3, s19, $0xb8;
	[tilespmem:$0xDF00] =	vst v63  }
0xf5: {  	_ =	swait.ge [sflag:s31], $0x800  }
0xf6: {  	[sflag:s31] =	ssyncset.done $0x0  }
0xf7: {  	s3 =	sadd.s32 $0x2A00, s10;
	[sflag:s31] =	ssyncadd.s32 $0xFFFFF800  }
0xf8: {  	[spmem:s2] =	stream.indirect.scatter.add.f32 [tilespmem:s28], [sflag:$0x9], $0x10, s3, s19, $0xb8;
	[tilespmem:$0xDF00] =	vst v63  }
0xf9: {  	_ =	swait.ge [sflag:s0], $0x800  }
0xfa: {  	[sflag:s0] =	ssyncset.done $0x0  }
0xfb: {  	s3 =	sadd.s32 $0x2A80, s10;
	[sflag:s0] =	ssyncadd.s32 $0xFFFFF800  }
0xfc: {  	[spmem:s2] =	stream.indirect.scatter.add.f32 [tilespmem:s30], [sflag:$0x9], $0x10, s3, s19, $0xb8;
	[tilespmem:$0xDF00] =	vst v63  }
0xfd: {  	_ =	swait.ge [sflag:s8], $0x800  }
0xfe: {  	[sflag:s8] =	ssyncset.done $0x0  }
0xff: {  	s3 =	sadd.s32 $0x2B00, s10;
	[sflag:s8] =	ssyncadd.s32 $0xFFFFF800  }
0x100: {  	[spmem:s2] =	stream.indirect.scatter.add.f32 [tilespmem:s1], [sflag:$0x9], $0x10, s3, s19, $0xb8;
	[tilespmem:$0xDF00] =	vst v63  }
0x101: {  	_ =	swait.ge [sflag:s9], $0x800  }
0x102: {  	[sflag:s9] =	ssyncset.done $0x0  }
0x103: {  	s3 =	sadd.s32 $0x2B80, s10;
	[sflag:s9] =	ssyncadd.s32 $0xFFFFF800  }
0x104: {  	[spmem:s2] =	stream.indirect.scatter.add.f32 [tilespmem:s22], [sflag:$0x9], $0x10, s3, s19, $0xb8;
	[tilespmem:$0xDF00] =	vst v63  }
0x105: {  	_ =	swait.ge [sflag:s16], $0x800  }
0x106: {  	[sflag:s16] =	ssyncset.done $0x0  }
0x107: {  	[sflag:s16] =	ssyncadd.s32 $0xFFFFF800  }
0x108: {  	_ =	swait.ge [sflag:s16], $0x800  }
0x109: {  	[sflag:s16] =	ssyncset.done $0x0  }
0x10a: {  	[sflag:s16] =	ssyncadd.s32 $0xFFFFF800  }
0x10b: {  	_ =	swait.ge [sflag:s16], $0x800  }
0x10c: {  	[sflag:s16] =	ssyncset.done $0x0  }
0x10d: {  	[sflag:s16] =	ssyncadd.s32 $0xFFFFF800  }
0x10e: {  	_ =	swait.ge [sflag:s16], $0x800  }
0x10f: {  	[sflag:s16] =	ssyncset.done $0x0  }
0x110: {  	[sflag:s16] =	ssyncadd.s32 $0xFFFFF800  }
0x111: {  	_ =	swait.ge [sflag:s16], $0x800  }
0x112: {  	[sflag:s16] =	ssyncset.done $0x0  }
0x113: {  	[sflag:s16] =	ssyncadd.s32 $0xFFFFF800  }
0x114: {  	_ =	swait.ge [sflag:s16], $0x800  }
0x115: {  	[sflag:s16] =	ssyncset.done $0x0  }
0x116: {  	[sflag:s16] =	ssyncadd.s32 $0xFFFFF800  }
0x117: {  	_ =	swait.ge [sflag:s16], $0x800  }
0x118: {  	[sflag:s16] =	ssyncset.done $0x0  }
0x119: {  	[sflag:s16] =	ssyncadd.s32 $0xFFFFF800  }
0x11a: {  	_ =	swait.ge [sflag:s16], $0x800  }
0x11b: {  	[sflag:s16] =	ssyncset.done $0x0  }
0x11c: {  	s3 =	sadd.s32 $0x400, s10;
	[sflag:s16] =	ssyncadd.s32 $0xFFFFF800  }
0x11d: {  	[tilespmem:s17], [sflag:$0x1] =	stream.indirect.gather [hbm4b:s4+s19], $0x10, s3, s19, $0xb8;
	[tilespmem:$0xDF00] =	vst v63  }
0x11e: {  	s3 =	sadd.s32 $0x480, s10  }
0x11f: {  	[tilespmem:s21], [sflag:$0x2] =	stream.indirect.gather [hbm4b:s4+s19], $0x10, s3, s19, $0xb8;
	[tilespmem:$0xDF00] =	vst v63  }
0x120: {  	s3 =	sadd.s32 $0x500, s10  }
0x121: {  	[tilespmem:s23], [sflag:$0x3] =	stream.indirect.gather [hbm4b:s4+s19], $0x10, s3, s19, $0xb8;
	[tilespmem:$0xDF00] =	vst v63  }
0x122: {  	s3 =	sadd.s32 $0x580, s10  }
0x123: {  	[tilespmem:s25], [sflag:$0x4] =	stream.indirect.gather [hbm4b:s4+s19], $0x10, s3, s19, $0xb8;
	[tilespmem:$0xDF00] =	vst v63  }
0x124: {  	s3 =	sadd.s32 $0x600, s10  }
0x125: {  	[tilespmem:s28], [sflag:$0x5] =	stream.indirect.gather [hbm4b:s4+s19], $0x10, s3, s19, $0xb8;
	[tilespmem:$0xDF00] =	vst v63  }
.Ltmp9:
0x126: {  	s3 =	sadd.s32 $0x680, s10;
	(pc) =	sbr.rel @p1 .LBB2_13-.Ltmp9, $4  }
0x127: {  	[tilespmem:s30], [sflag:$0x6] =	stream.indirect.gather [hbm4b:s4+s19], $0x10, s3, s19, $0xb8;
	[tilespmem:$0xDF00] =	vst v63  }
0x128: {  	s3 =	sadd.s32 $0x700, s10  }
0x129: {  	[tilespmem:s1], [sflag:$0x7] =	stream.indirect.gather [hbm4b:s4+s19], $0x10, s3, s19, $0xb8;
	[tilespmem:$0xDF00] =	vst v63  }
0x12a: {  	s7 =	sadd.s32 $0x780, s10  }
0x12b: {  	[tilespmem:s22], [sflag:$0x8] =	stream.indirect.gather [hbm4b:s4+s19], $0x10, s7, s19, $0xb8;
	[tilespmem:$0xDF00] =	vst v63  }
0x12c: {  	_ =	swait.ge [sflag:s24], $0x800  }
0x12d: {  	[sflag:s24] =	ssyncset.done $0x0  }
0x12e: {  	s3 =	simm.s32 $0x4C00;
	[sflag:s24] =	ssyncadd.s32 $0xFFFFF800  }
0x12f: {  	[spmem:s2] =	stream.indirect.scatter.add.f32 [tilespmem:s17], [sflag:$0x9], $0x10, s3, s19, $0xb8;
	[tilespmem:$0xDF00] =	vst v63  }
0x130: {  	_ =	swait.ge [sflag:s6], $0x800  }
0x131: {  	[sflag:s6] =	ssyncset.done $0x0  }
0x132: {  	s7 =	simm.s32 $0x4C80;
	[sflag:s6] =	ssyncadd.s32 $0xFFFFF800  }
0x133: {  	[spmem:s2] =	stream.indirect.scatter.add.f32 [tilespmem:s21], [sflag:$0x9], $0x10, s7, s19, $0xb8;
	[tilespmem:$0xDF00] =	vst v63  }
0x134: {  	_ =	swait.ge [sflag:s26], $0x800  }
0x135: {  	[sflag:s26] =	ssyncset.done $0x0  }
0x136: {  	s10 =	simm.s32 $0x4D00;
	[sflag:s26] =	ssyncadd.s32 $0xFFFFF800  }
0x137: {  	[spmem:s2] =	stream.indirect.scatter.add.f32 [tilespmem:s23], [sflag:$0x9], $0x10, s10, s19, $0xb8;
	[tilespmem:$0xDF00] =	vst v63  }
0x138: {  	_ =	swait.ge [sflag:s29], $0x800  }
0x139: {  	[sflag:s29] =	ssyncset.done $0x0  }
0x13a: {  	s17 =	simm.s32 $0x4D80;
	[sflag:s29] =	ssyncadd.s32 $0xFFFFF800  }
0x13b: {  	[spmem:s2] =	stream.indirect.scatter.add.f32 [tilespmem:s25], [sflag:$0x9], $0x10, s17, s19, $0xb8;
	[tilespmem:$0xDF00] =	vst v63  }
0x13c: {  	_ =	swait.ge [sflag:s31], $0x800  }
0x13d: {  	[sflag:s31] =	ssyncset.done $0x0  }
0x13e: {  	s20 =	simm.s32 $0x4E00;
	[sflag:s31] =	ssyncadd.s32 $0xFFFFF800  }
0x13f: {  	[spmem:s2] =	stream.indirect.scatter.add.f32 [tilespmem:s28], [sflag:$0x9], $0x10, s20, s19, $0xb8;
	[tilespmem:$0xDF00] =	vst v63  }
0x140: {  	_ =	swait.ge [sflag:s0], $0x800  }
0x141: {  	[sflag:s0] =	ssyncset.done $0x0  }
0x142: {  	s5 =	simm.s32 $0x4E80;
	[sflag:s0] =	ssyncadd.s32 $0xFFFFF800  }
0x143: {  	[spmem:s2] =	stream.indirect.scatter.add.f32 [tilespmem:s30], [sflag:$0x9], $0x10, s5, s19, $0xb8;
	[tilespmem:$0xDF00] =	vst v63  }
0x144: {  	_ =	swait.ge [sflag:s8], $0x800  }
0x145: {  	[sflag:s8] =	ssyncset.done $0x0  }
0x146: {  	s7 =	simm.s32 $0x4F00;
	[sflag:s8] =	ssyncadd.s32 $0xFFFFF800  }
0x147: {  	[spmem:s2] =	stream.indirect.scatter.add.f32 [tilespmem:s1], [sflag:$0x9], $0x10, s7, s19, $0xb8;
	[tilespmem:$0xDF00] =	vst v63  }
0x148: {  	_ =	swait.ge [sflag:s9], $0x800  }
0x149: {  	[sflag:s9] =	ssyncset.done $0x0  }
0x14a: {  	s10 =	simm.s32 $0x4F80;
	[sflag:s9] =	ssyncadd.s32 $0xFFFFF800  }
0x14b: {  	[spmem:s2] =	stream.indirect.scatter.add.f32 [tilespmem:s22], [sflag:$0x9], $0x10, s10, s19, $0xb8;
	[tilespmem:$0xDF00] =	vst v63  }
0x14c: {  	_ =	swait.ge [sflag:s16], $0x800  }
0x14d: {  	[sflag:s16] =	ssyncset.done $0x0  }
0x14e: {  	[sflag:s16] =	ssyncadd.s32 $0xFFFFF800  }
0x14f: {  	_ =	swait.ge [sflag:s16], $0x800  }
0x150: {  	[sflag:s16] =	ssyncset.done $0x0  }
0x151: {  	[sflag:s16] =	ssyncadd.s32 $0xFFFFF800  }
0x152: {  	_ =	swait.ge [sflag:s16], $0x800  }
0x153: {  	[sflag:s16] =	ssyncset.done $0x0  }
0x154: {  	[sflag:s16] =	ssyncadd.s32 $0xFFFFF800  }
0x155: {  	_ =	swait.ge [sflag:s16], $0x800  }
0x156: {  	[sflag:s16] =	ssyncset.done $0x0  }
0x157: {  	[sflag:s16] =	ssyncadd.s32 $0xFFFFF800  }
0x158: {  	_ =	swait.ge [sflag:s16], $0x800  }
0x159: {  	[sflag:s16] =	ssyncset.done $0x0  }
0x15a: {  	[sflag:s16] =	ssyncadd.s32 $0xFFFFF800  }
0x15b: {  	_ =	swait.ge [sflag:s16], $0x800  }
0x15c: {  	[sflag:s16] =	ssyncset.done $0x0  }
0x15d: {  	[sflag:s16] =	ssyncadd.s32 $0xFFFFF800  }
0x15e: {  	_ =	swait.ge [sflag:s16], $0x800  }
0x15f: {  	[sflag:s16] =	ssyncset.done $0x0  }
0x160: {  	[sflag:s16] =	ssyncadd.s32 $0xFFFFF800  }
0x161: {  	_ =	swait.ge [sflag:s16], $0x800  }
0x162: {  	[sflag:s16] =	ssyncset.done $0x0  }
0x163: {  	[sflag:s16] =	ssyncadd.s32 $0xFFFFF800  }
0x164: {  	[bflag:$0x0] =	sbarrier.arrive $0xFFFF  }
0x165: {  	[tilespmem:s14], [sflag:$0xB] =	stream.linear.gather [spmem:s13], $0x2780, $0x38;
	[tilespmem:$0xDF00] =	vst v63  }
0x166: {  	_ =	swait.ge [sflag:s15], $0x2780  }
0x167: {  	[sflag:s15] =	ssyncset.done $0x0  }
0x168: {  	s17 =	rddreg [dreg:$0x6];
	[sflag:s15] =	ssyncadd.s32 $0xFFFFD880  }
0x169: {  	[hbm4b:s17+s12] =	stream.linear.scatter [tilespmem:s14], [sflag:$0xB], $0x2780, $0x38;
	[tilespmem:$0xDF00] =	vst v63  }
0x16a: {  	_ =	swait.ge [sflag:s15], $0x2780  }
0x16b: {  	s5 =	rddreg [dreg:$0xe]  }
0x16c: {  	s20 =	rddreg [dreg:$0x7];
	s5 =	sadd.s32 $0x1, s5  }
0x16d: {  	p1 =	sne.s32 s5, s20  }
.Ltmp10:
0x16e: {  	_ = 	snop;
	(pc) =	sbr.rel @p1 .LBB2_1-.Ltmp10, $3  }
0x16f: {  	_ =	sdelay $0x1  }
0x170: {  	[sflag:s15] =	ssyncset.done $0x0  }
0x171: {  	[sflag:s15] =	ssyncadd.s32 $0xFFFFD880  }
0x172: {  	_ =	sfence.sel $0x180000  }
0x173: {  	[bflag:$0x0] =	sbarrier.arrive $0xFFFF  }
0x174: {  	_ =	strace $0x90000047  }
0x175: {  	s0 =	stileid.u32;
	[bflag:$0x2] =	sbarrier.arrive $0xFFFF  }
0x176: {  	p0 =	sne.s32 s0, $0x0;
	s0 =	rddreg [dreg:$0x2]  }
0x177: {  	s0 =	sadd.s32 @!p0 $0x100000, s0  }
0x178: {  	[sflag:s0] =	ssyncadd.tile.s32 @!p0 $0x1;
	_ =	shalt  }
.Lfunc_end2:
_tile_overlayer_lowered:
.L_overlay_start_2:
0x179: {  	(tag) =	ssettag $0x2  }
0x17a: {  	s0 =	rddreg [dreg:$0x0];
	s2 =	stileid.u32  }
0x17b: {  	s1 =	rddreg [dreg:$0x1];
	p0 =	sne.s32 s2, $0x0  }
0x17c: {  	s3 =	rddreg [dreg:$0x2];
	[bflag:$0x3] =	sbarrier.arrive $0xFFFF;
	s2 =	simm.s32 @!p0 $0x1C0B  }
0x17d: {  	[timem:s3], [sflag:s2] =	dma.local @!p0 [hbm:s0], s1  }
0x17e: {  	s0 =	simm.s32 @!p0 $0xB  }
0x17f: {  	_ =	swait.ge @!p0 [sflag:s0], s1  }
0x180: {  	s1 =	ssub.s32 @!p0 $0x0, s1;
	[sflag:s0] =	ssyncset.done @!p0 $0x0  }
0x181: {  	[sflag:s0] =	ssyncadd.s32 @!p0 s1  }
0x182: {  	[bflag:$0x3] =	sbarrier.arrive $0xFFFF  }
0x183: {  	_ =	shalt  }

</sc_bundles>
